<compile_context>
chip_gen: v7x
topology: tpu7x:2x2x1
jax: 0.10.2.dev20260603
libtpu: 0.0.44.dev20260713+nightly
codegen_flags: <defaults>
</compile_context>

<pallas_src>
import functools

import jax
import jax.numpy as jnp
from jax import lax
from jax.experimental import pallas as pl
from jax.experimental.pallas import tpu as pltpu
from jax.experimental.pallas import tpu_sc as plsc

N_NODES = 10000
N_PAD = 10240
E_EDGES = 320000
E_PAD = 323584
D_IN = 128
H1 = 256
H2 = 128
H3 = 128

NUM_SC = 2
NUM_TILES = 16
STRIP = N_PAD // NUM_TILES
CHUNK = 128
NB = 4
SNB = 2

_MESH = plsc.VectorSubcoreMesh(core_axis_name="c", subcore_axis_name="s")


DEGW = 128


def _deg_body(dst_hbm, zeros_hbm, ones_hbm, deg_out,
              dacc, ones_v, idst2, idst2b, buf, s0, s1, s2, s3):
    c = lax.axis_index("c")
    s = lax.axis_index("s")
    r0 = s * STRIP

    pltpu.sync_copy(ones_hbm, ones_v)
    pltpu.sync_copy(zeros_hbm, buf)

    def init_body(i, _):
        pltpu.sync_copy(buf, dacc.at[pl.ds(r0 + i * CHUNK, CHUNK)])
        return 0

    lax.fori_loop(0, STRIP // CHUNK, init_body, 0)
    plsc.subcore_barrier()

    ed = E_PAD // (NUM_SC * NUM_TILES)
    base = (c * NUM_TILES + s) * ed

    def pair_body(k, _):
        e0 = base + k * 2 * CHUNK
        i0 = pltpu.async_copy(dst_hbm.at[pl.ds(e0, CHUNK)], idst2, s0)
        i1 = pltpu.async_copy(dst_hbm.at[pl.ds(e0 + CHUNK, CHUNK)], idst2b, s1)
        i0.wait()
        a0 = pltpu.async_copy(ones_v, dacc.at[idst2], s2, add=True)
        i1.wait()
        a1 = pltpu.async_copy(ones_v, dacc.at[idst2b], s3, add=True)
        a0.wait()
        a1.wait()
        return 0

    lax.fori_loop(0, ed // (2 * CHUNK), pair_body, 0)
    if ed % (2 * CHUNK):
        e0 = base + (ed // (2 * CHUNK)) * 2 * CHUNK
        pltpu.sync_copy(dst_hbm.at[pl.ds(e0, CHUNK)], idst2)
        pltpu.sync_copy(ones_v, dacc.at[idst2], add=True)
    plsc.subcore_barrier()

    def wb_body(i, _):
        off = r0 + i * CHUNK
        pltpu.sync_copy(dacc.at[pl.ds(off, CHUNK)], buf)
        pltpu.sync_copy(buf, deg_out.at[c].at[pl.ds(off, CHUNK)])
        return 0

    lax.fori_loop(0, STRIP // CHUNK, wb_body, 0)


_deg_kernel = pl.kernel(
    _deg_body,
    out_type=jax.ShapeDtypeStruct((NUM_SC, N_PAD, DEGW), jnp.float32),
    mesh=_MESH,
    scratch_types=[
        pltpu.VMEM_SHARED((N_PAD, DEGW), jnp.float32),
        pltpu.VMEM((CHUNK, DEGW), jnp.float32),
        pltpu.VMEM((CHUNK,), jnp.int32),
        pltpu.VMEM((CHUNK,), jnp.int32),
        pltpu.VMEM((CHUNK, DEGW), jnp.float32),
        pltpu.SemaphoreType.DMA,
        pltpu.SemaphoreType.DMA,
        pltpu.SemaphoreType.DMA,
        pltpu.SemaphoreType.DMA,
    ],
)


def _make_scatter(fh, feat_split):

    def body(h_hbm, src_hbm, dst_hbm, zero_hbm, out_hbm,
             acc, isrc, idst, msg, isrc1, idst1, msg1, gsem, gsem1, ssem, ssem1):
        c = lax.axis_index("c")
        s = lax.axis_index("s")
        r0 = s * STRIP

        def table():
            return h_hbm.at[c] if feat_split else h_hbm

        def init_body(i, _):
            off = r0 + i * CHUNK
            if feat_split:
                pltpu.sync_copy(table().at[pl.ds(off, CHUNK)], msg1)
            else:
                @pl.when(c == 0)
                def _():
                    pltpu.sync_copy(table().at[pl.ds(off, CHUNK)], msg1)

                @pl.when(c != 0)
                def _():
                    pltpu.sync_copy(zero_hbm, msg1)
            pltpu.sync_copy(msg1, acc.at[pl.ds(off, CHUNK)])
            return 0

        lax.fori_loop(0, STRIP // CHUNK, init_body, 0)
        plsc.subcore_barrier()

        if feat_split:
            et = E_PAD // NUM_TILES
            base = s * et
        else:
            et = E_PAD // (NUM_SC * NUM_TILES)
            base = (c * NUM_TILES + s) * et

        def edge_body(k, _):
            e0 = base + k * 2 * CHUNK
            i0 = pltpu.async_copy(src_hbm.at[pl.ds(e0, CHUNK)], isrc, gsem)
            i1 = pltpu.async_copy(dst_hbm.at[pl.ds(e0, CHUNK)], idst, gsem1)
            i2 = pltpu.async_copy(src_hbm.at[pl.ds(e0 + CHUNK, CHUNK)],
                                  isrc1, ssem)
            i3 = pltpu.async_copy(dst_hbm.at[pl.ds(e0 + CHUNK, CHUNK)],
                                  idst1, ssem1)
            i0.wait()
            i1.wait()
            i2.wait()
            i3.wait()
            g0 = pltpu.async_copy(table().at[isrc], msg, gsem)
            g1 = pltpu.async_copy(table().at[isrc1], msg1, gsem1)
            g0.wait()
            s0 = pltpu.async_copy(msg, acc.at[idst], ssem, add=True)
            g1.wait()
            s1 = pltpu.async_copy(msg1, acc.at[idst1], ssem1, add=True)
            s0.wait()
            s1.wait()
            return 0

        lax.fori_loop(0, et // (2 * CHUNK), edge_body, 0)
        if et % (2 * CHUNK):
            e0 = base + (et // (2 * CHUNK)) * 2 * CHUNK
            pltpu.sync_copy(src_hbm.at[pl.ds(e0, CHUNK)], isrc)
            pltpu.sync_copy(dst_hbm.at[pl.ds(e0, CHUNK)], idst)
            pltpu.async_copy(table().at[isrc], msg, gsem).wait()
            pltpu.async_copy(msg, acc.at[idst], ssem, add=True).wait()
        plsc.subcore_barrier()

        def wb_body(i, _):
            off = r0 + i * CHUNK
            pltpu.sync_copy(acc.at[pl.ds(off, CHUNK)], msg1)
            pltpu.sync_copy(msg1, out_hbm.at[c].at[pl.ds(off, CHUNK)])
            return 0

        lax.fori_loop(0, STRIP // CHUNK, wb_body, 0)

    return pl.kernel(
        body,
        out_type=jax.ShapeDtypeStruct((NUM_SC, N_PAD, fh), jnp.float32),
        mesh=_MESH,
        scratch_types=[
            pltpu.VMEM_SHARED((N_PAD, fh), jnp.float32),
            pltpu.VMEM((CHUNK,), jnp.int32),
            pltpu.VMEM((CHUNK,), jnp.int32),
            pltpu.VMEM((CHUNK, fh), jnp.float32),
            pltpu.VMEM((CHUNK,), jnp.int32),
            pltpu.VMEM((CHUNK,), jnp.int32),
            pltpu.VMEM((CHUNK, fh), jnp.float32),
            pltpu.SemaphoreType.DMA,
            pltpu.SemaphoreType.DMA,
            pltpu.SemaphoreType.DMA,
            pltpu.SemaphoreType.DMA,
        ],
    )


_scatter_feat = _make_scatter(128, True)
_scatter_edge = _make_scatter(128, False)


ROWS = 512


def _dis_from_deg(deg_blk):
    deg = deg_blk[0, :, 0:1] + deg_blk[1, :, 0:1] + 1.0
    return lax.rsqrt(deg)


def _pre1_body(x_ref, deg_ref, w_ref, out_ref):
    dis = _dis_from_deg(deg_ref[...])
    h = jnp.dot(x_ref[...], w_ref[...], preferred_element_type=jnp.float32)
    hp = h * dis
    fh = h.shape[1] // 2
    out_ref[0] = hp[:, :fh]
    out_ref[1] = hp[:, fh:]


def _ln(u, g, b):
    m = jnp.mean(u, axis=1, keepdims=True)
    d = u - m
    v = jnp.mean(d * d, axis=1, keepdims=True)
    return d * lax.rsqrt(v + 1e-5) * g + b


def _combine_t(t_blk, concat):
    if concat:
        return jnp.concatenate([t_blk[0], t_blk[1]], axis=1)
    return t_blk[0] + t_blk[1]


def _make_post_pre_body(concat):
    def body(t_ref, deg_ref, cb_ref, g_ref, b_ref, w_ref, out_ref):
        dis = _dis_from_deg(deg_ref[...])
        t = _combine_t(t_ref[...], concat)
        u = jax.nn.relu(t * dis + cb_ref[...])
        u = _ln(u, g_ref[...], b_ref[...])
        out_ref[...] = jnp.dot(u, w_ref[...],
                               preferred_element_type=jnp.float32) * dis

    return body


def _final_body(t_ref, deg_ref, cb_ref, g_ref, b_ref, x_ref,
                w1_ref, b1_ref, w2_ref, b2_ref, w3_ref, b3_ref, w4_ref, b4_ref,
                out_ref):
    dis = _dis_from_deg(deg_ref[...])
    t = _combine_t(t_ref[...], False)
    u = jax.nn.relu(t * dis + cb_ref[...])
    gg = _ln(u, g_ref[...], b_ref[...])

    x = x_ref[...]
    f = jax.nn.relu(jnp.dot(x, w1_ref[...], preferred_element_type=jnp.float32) + b1_ref[...])
    f = jax.nn.relu(jnp.dot(f, w2_ref[...], preferred_element_type=jnp.float32) + b2_ref[...])
    f = jax.nn.relu(jnp.dot(f, w3_ref[...], preferred_element_type=jnp.float32) + b3_ref[...])
    f = jnp.dot(f, w4_ref[...], preferred_element_type=jnp.float32) + b4_ref[...]
    out_ref[...] = (gg + f) * 0.5


def _row_grid():
    return N_PAD // ROWS


def _spec_rows(fdim):
    return pl.BlockSpec((ROWS, fdim), lambda i: (i, 0))


def _spec_halves(fh):
    return pl.BlockSpec((NUM_SC, ROWS, fh), lambda i: (0, i, 0))


def _spec_deg():
    return pl.BlockSpec((NUM_SC, ROWS, DEGW), lambda i: (0, i, 0))


def _spec_full(shape):
    nd = len(shape)
    return pl.BlockSpec(shape, lambda i: (0,) * nd)


def _pre1(x_pad, deg2, w1):
    return pl.pallas_call(
        _pre1_body,
        grid=(_row_grid(),),
        in_specs=[_spec_rows(D_IN), _spec_deg(), _spec_full(w1.shape)],
        out_specs=_spec_halves(H1 // 2),
        out_shape=jax.ShapeDtypeStruct((NUM_SC, N_PAD, H1 // 2), jnp.float32),
    )(x_pad, deg2, w1)


def _post_pre(t, deg2, cb, g, b, w, fin, fout, concat):
    thw = fin // 2 if concat else fin
    return pl.pallas_call(
        _make_post_pre_body(concat),
        grid=(_row_grid(),),
        in_specs=[
            _spec_halves(thw), _spec_deg(), _spec_full((1, fin)),
            _spec_full((1, fin)), _spec_full((1, fin)), _spec_full(w.shape),
        ],
        out_specs=_spec_rows(fout),
        out_shape=jax.ShapeDtypeStruct((N_PAD, fout), jnp.float32),
    )(t, deg2, cb, g, b, w)


def _final(t, deg2, cb, g, b, x_pad, w1, b1, w2, b2, w3, b3, w4, b4):
    return pl.pallas_call(
        _final_body,
        grid=(_row_grid(),),
        in_specs=[
            _spec_halves(H3), _spec_deg(), _spec_full((1, H3)),
            _spec_full((1, H3)), _spec_full((1, H3)), _spec_rows(D_IN),
            _spec_full(w1.shape), _spec_full((1, H1)),
            _spec_full(w2.shape), _spec_full((1, H1)),
            _spec_full(w3.shape), _spec_full((1, H2)),
            _spec_full(w4.shape), _spec_full((1, H3)),
        ],
        out_specs=_spec_rows(H3),
        out_shape=jax.ShapeDtypeStruct((N_PAD, H3), jnp.float32),
    )(t, deg2, cb, g, b, x_pad, w1, b1, w2, b2, w3, b3, w4, b4)


def kernel(x, edge_index, conv1_W, conv1_b, conv2_W, conv2_b, conv3_W, conv3_b,
           norm1_g, norm1_b, norm2_g, norm2_b, norm3_g, norm3_b,
           fc1_W, fc1_b, fc2_W, fc2_b, fc3_W, fc3_b, fc4_W, fc4_b):
    x_pad = jnp.pad(x, ((0, N_PAD - N_NODES), (0, 0)))
    src = jnp.pad(edge_index[0], (0, E_PAD - E_EDGES),
                  constant_values=N_NODES)
    dst = jnp.pad(edge_index[1], (0, E_PAD - E_EDGES),
                  constant_values=N_NODES)

    r = lambda v: v[None, :]

    deg2 = _deg_kernel(dst, jnp.zeros((CHUNK, DEGW), jnp.float32),
                       jnp.ones((CHUNK, DEGW), jnp.float32))

    zc = jnp.zeros((CHUNK, 128), jnp.float32)
    h1 = _pre1(x_pad, deg2, conv1_W)
    t1 = _scatter_feat(h1, src, dst, zc)
    h2 = _post_pre(t1, deg2, r(conv1_b), r(norm1_g), r(norm1_b), conv2_W,
                   H1, H2, concat=True)
    t2 = _scatter_edge(h2, src, dst, zc)
    h3 = _post_pre(t2, deg2, r(conv2_b), r(norm2_g), r(norm2_b), conv3_W,
                   H2, H3, concat=False)
    t3 = _scatter_edge(h3, src, dst, zc)
    out = _final(t3, deg2, r(conv3_b), r(norm3_g), r(norm3_b), x_pad,
                 fc1_W, r(fc1_b), fc2_W, r(fc2_b), fc3_W, r(fc3_b),
                 fc4_W, r(fc4_b))
    return out[:N_NODES]

# --- scband reference (transcript-rebuilt; emitter-appended) ---
"""Pipeline reference for scband-gnn-75685913690122 (READ-ONLY COPY).

The authoritative reference and input builder live on the scoring server;
editing this copy changes nothing except your own understanding.
"""

import jax, jax.numpy as jnp
import numpy as np

N = 10000
E = 320000
D = 128
H = 256
O = 128


def setup_inputs(seed: int = 0) -> dict:
    key = jax.random.key(seed)
    ks = jax.random.split(key, 16)

    def p(k, shape):
        return jax.random.normal(k, shape, dtype=jnp.float32) * 0.05

    inp = {}
    inp["x"] = jax.random.normal(ks[0], (N, D), dtype=jnp.float32)
    inp["edge_index"] = jax.random.randint(ks[1], (2, E), 0, N, dtype=jnp.int32)
    inp["conv1_W"] = p(ks[2], (D, H)); inp["conv1_b"] = jnp.zeros((H,), jnp.float32)
    inp["conv2_W"] = p(ks[3], (H, H // 2)); inp["conv2_b"] = jnp.zeros((H // 2,), jnp.float32)
    inp["conv3_W"] = p(ks[4], (H // 2, O)); inp["conv3_b"] = jnp.zeros((O,), jnp.float32)
    inp["norm1_g"] = jnp.ones((H,), jnp.float32); inp["norm1_b"] = jnp.zeros((H,), jnp.float32)
    inp["norm2_g"] = jnp.ones((H // 2,), jnp.float32); inp["norm2_b"] = jnp.zeros((H // 2,), jnp.float32)
    inp["norm3_g"] = jnp.ones((O,), jnp.float32); inp["norm3_b"] = jnp.zeros((O,), jnp.float32)
    inp["fc1_W"] = p(ks[5], (D, H)); inp["fc1_b"] = jnp.zeros((H,), jnp.float32)
    inp["fc2_W"] = p(ks[6], (H, H)); inp["fc2_b"] = jnp.zeros((H,), jnp.float32)
    inp["fc3_W"] = p(ks[7], (H, H // 2)); inp["fc3_b"] = jnp.zeros((H // 2,), jnp.float32)
    inp["fc4_W"] = p(ks[8], (H // 2, O)); inp["fc4_b"] = jnp.zeros((O,), jnp.float32)
    return inp


def _layer_norm(x, g, b):
    m = jnp.mean(x, axis=-1, keepdims=True)
    v = jnp.var(x, axis=-1, keepdims=True)
    return (x - m) / jnp.sqrt(v + 1e-5) * g + b


def _gcn(x, src, dst, W, b):
    # GCNConv with added self-loops and symmetric normalization (PyG semantics)
    loop = jnp.arange(N, dtype=src.dtype)
    s = jnp.concatenate([src, loop])
    d = jnp.concatenate([dst, loop])
    deg = jnp.zeros((N,), jnp.float32).at[d].add(1.0)
    dis = jnp.where(deg > 0, jax.lax.rsqrt(jnp.maximum(deg, 1e-12)), 0.0)
    norm = dis[s] * dis[d]
    h = x @ W
    msg = h[s] * norm[:, None]
    out = jnp.zeros((N, W.shape[1]), jnp.float32).at[d].add(msg)
    return out + b


def reference(x, edge_index, conv1_W, conv1_b, conv2_W, conv2_b, conv3_W, conv3_b,
              norm1_g, norm1_b, norm2_g, norm2_b, norm3_g, norm3_b,
              fc1_W, fc1_b, fc2_W, fc2_b, fc3_W, fc3_b, fc4_W, fc4_b):
    src = edge_index[0]
    dst = edge_index[1]
    g = jax.nn.relu(_gcn(x, src, dst, conv1_W, conv1_b))
    g = _layer_norm(g, norm1_g, norm1_b)
    g = jax.nn.relu(_gcn(g, src, dst, conv2_W, conv2_b))
    g = _layer_norm(g, norm2_g, norm2_b)
    g = jax.nn.relu(_gcn(g, src, dst, conv3_W, conv3_b))
    g = _layer_norm(g, norm3_g, norm3_b)
    f = jax.nn.relu(x @ fc1_W + fc1_b)
    f = jax.nn.relu(f @ fc2_W + fc2_b)
    f = jax.nn.relu(f @ fc3_W + fc3_b)
    f = f @ fc4_W + fc4_b
    return (g + f) / 2.0

if __name__ == "__main__":
    import jax
    _d = setup_inputs()
    print(jax.jit(kernel)(*tuple(_d.values())))

</pallas_src>

<mosaic_0001>
#map = affine_map<(d0, d1) -> (0, 0)>
#map1 = affine_map<(d0, d1) -> (0)>
#map2 = affine_map<(d0, d1) -> (0, 0, 0)>
module attributes {stable_mosaic.version = 14 : i64} {
  func.func @body(%arg0: i32, %arg1: i32, %arg2: memref<10240x128xf32, #tpu.memory_space<hbm>>, %arg3: memref<323584xi32, #tpu.memory_space<hbm>>, %arg4: memref<323584xi32, #tpu.memory_space<hbm>>, %arg5: memref<128x128xf32, #tpu.memory_space<hbm>>, %arg6: memref<2x10240x128xf32, #tpu.memory_space<hbm>>, %arg7: memref<10240x128xf32, #tpu.memory_space<vmem_shared>>, %arg8: memref<128xi32, #tpu.memory_space<vmem>>, %arg9: memref<128xi32, #tpu.memory_space<vmem>>, %arg10: memref<128x128xf32, #tpu.memory_space<vmem>>, %arg11: memref<128xi32, #tpu.memory_space<vmem>>, %arg12: memref<128xi32, #tpu.memory_space<vmem>>, %arg13: memref<128x128xf32, #tpu.memory_space<vmem>>, %arg14: memref<!tpu.dma_semaphore, #tpu.memory_space<semaphore_mem>>, %arg15: memref<!tpu.dma_semaphore, #tpu.memory_space<semaphore_mem>>, %arg16: memref<!tpu.dma_semaphore, #tpu.memory_space<semaphore_mem>>, %arg17: memref<!tpu.dma_semaphore, #tpu.memory_space<semaphore_mem>>) attributes {dimension_semantics = [#tpu.dimension_semantics<core_parallel>, #tpu.dimension_semantics<subcore_parallel>], iteration_bounds = array<i64: 2, 16>, scalar_prefetch = 0 : i64, scratch_operands = 11 : i64, tpu.core_type = #tpu.core_type<sc_vector_subcore>, window_params = [{transform_indices = #map}, {transform_indices = #map1}, {transform_indices = #map1}, {transform_indices = #map}, {transform_indices = #map2}]} {
    %mul3A = arith.constant 640 : i32
    %mul3A_0 = arith.muli %arg1, %mul3A : i32
    %scan3A = arith.constant 0 : i32
    %scan3A_1 = arith.constant 0 : i32
    %scan3A_2 = arith.constant 5 : i32
    %scan3A_3 = arith.addi %scan3A_1, %scan3A_2 : i32
    %scan3A_4 = arith.constant 1 : i32
    %scan3A_5 = scf.for %scan3A_38 = %scan3A_1 to %scan3A_3 step %scan3A_4 iter_args(%scan3A_39 = %scan3A) -> (i32)  : i32 {
      %mul3A_40 = arith.constant 128 : i32
      %mul3A_41 = arith.muli %scan3A_38, %mul3A_40 : i32
      %add3A_42 = arith.addi %mul3A_0, %mul3A_41 : i32
      %eq3A = arith.constant 0 : i32
      %eq3A_43 = arith.cmpi eq, %arg0, %eq3A : i32
      %convert_element_type3A = arith.extui %eq3A_43 : i1 to i32
      %cond3A = arith.constant 0 : i32
      %cond3A_44 = arith.cmpi ne, %convert_element_type3A, %cond3A : i32
      scf.if %cond3A_44 {
        "tpu.region"() ({
          %run_scoped3A = tpu.sem_alloc : memref<!tpu.dma_semaphore, #tpu.memory_space<semaphore_mem>>
          %dma_start3A_50 = arith.constant 0 : i32
          %dma_start3A_51 = tpu.memref_slice %arg2[%add3A_42, %dma_start3A_50] : memref<10240x128xf32, #tpu.memory_space<hbm>> -> memref<128x128xf32, #tpu.memory_space<hbm>>
          %dma_start3A_52 = arith.constant 0 : i32
          %dma_start3A_53 = tpu.memref_slice %arg2[%add3A_42, %dma_start3A_52] : memref<10240x128xf32, #tpu.memory_space<hbm>> -> memref<128x128xf32, #tpu.memory_space<hbm>>
          tpu.enqueue_dma source(%dma_start3A_53 : memref<128x128xf32, #tpu.memory_space<hbm>>) target(%arg13 : memref<128x128xf32, #tpu.memory_space<vmem>>) target_semaphore(%run_scoped3A : memref<!tpu.dma_semaphore, #tpu.memory_space<semaphore_mem>>)
          %dma_wait3A_54 = arith.constant 0 : i32
          %dma_wait3A_55 = tpu.memref_slice %arg2[%add3A_42, %dma_wait3A_54] : memref<10240x128xf32, #tpu.memory_space<hbm>> -> memref<128x128xf32, #tpu.memory_space<hbm>>
          %dma_wait3A_56 = arith.constant 0 : i32
          %dma_wait3A_57 = tpu.memref_slice %arg2[%add3A_42, %dma_wait3A_56] : memref<10240x128xf32, #tpu.memory_space<hbm>> -> memref<128x128xf32, #tpu.memory_space<hbm>>
          tpu.wait_dma2 semaphore(%run_scoped3A : memref<!tpu.dma_semaphore, #tpu.memory_space<semaphore_mem>>) src(%dma_wait3A_57 : memref<128x128xf32, #tpu.memory_space<hbm>>) dst(%arg13 : memref<128x128xf32, #tpu.memory_space<vmem>>)
          tpu.yield
        }) : () -> ()
      } else {
      }
      %ne3A = arith.constant 0 : i32
      %ne3A_45 = arith.cmpi ne, %arg0, %ne3A : i32
      %convert_element_type3A_46 = arith.extui %ne3A_45 : i1 to i32
      %cond3A_47 = arith.constant 0 : i32
      %cond3A_48 = arith.cmpi ne, %convert_element_type3A_46, %cond3A_47 : i32
      scf.if %cond3A_48 {
        "tpu.region"() ({
          %run_scoped3A = tpu.sem_alloc : memref<!tpu.dma_semaphore, #tpu.memory_space<semaphore_mem>>
          tpu.enqueue_dma source(%arg5 : memref<128x128xf32, #tpu.memory_space<hbm>>) target(%arg13 : memref<128x128xf32, #tpu.memory_space<vmem>>) target_semaphore(%run_scoped3A : memref<!tpu.dma_semaphore, #tpu.memory_space<semaphore_mem>>)
          tpu.wait_dma2 semaphore(%run_scoped3A : memref<!tpu.dma_semaphore, #tpu.memory_space<semaphore_mem>>) src(%arg5 : memref<128x128xf32, #tpu.memory_space<hbm>>) dst(%arg13 : memref<128x128xf32, #tpu.memory_space<vmem>>)
          tpu.yield
        }) : () -> ()
      } else {
      }
      "tpu.region"() ({
        %run_scoped3A = tpu.sem_alloc : memref<!tpu.dma_semaphore, #tpu.memory_space<semaphore_mem>>
        %dma_start3A_50 = arith.constant 0 : i32
        %dma_start3A_51 = tpu.memref_slice %arg7[%add3A_42, %dma_start3A_50] : memref<10240x128xf32, #tpu.memory_space<vmem_shared>> -> memref<128x128xf32, #tpu.memory_space<vmem_shared>>
        %dma_start3A_52 = arith.constant 0 : i32
        %dma_start3A_53 = tpu.memref_slice %arg7[%add3A_42, %dma_start3A_52] : memref<10240x128xf32, #tpu.memory_space<vmem_shared>> -> memref<128x128xf32, #tpu.memory_space<vmem_shared>>
        tpu.enqueue_dma source(%arg13 : memref<128x128xf32, #tpu.memory_space<vmem>>) target(%dma_start3A_53 : memref<128x128xf32, #tpu.memory_space<vmem_shared>>) target_semaphore(%run_scoped3A : memref<!tpu.dma_semaphore, #tpu.memory_space<semaphore_mem>>)
        %dma_wait3A_54 = arith.constant 0 : i32
        %dma_wait3A_55 = tpu.memref_slice %arg7[%add3A_42, %dma_wait3A_54] : memref<10240x128xf32, #tpu.memory_space<vmem_shared>> -> memref<128x128xf32, #tpu.memory_space<vmem_shared>>
        %dma_wait3A_56 = arith.constant 0 : i32
        %dma_wait3A_57 = tpu.memref_slice %arg7[%add3A_42, %dma_wait3A_56] : memref<10240x128xf32, #tpu.memory_space<vmem_shared>> -> memref<128x128xf32, #tpu.memory_space<vmem_shared>>
        tpu.wait_dma2 semaphore(%run_scoped3A : memref<!tpu.dma_semaphore, #tpu.memory_space<semaphore_mem>>) src(%arg13 : memref<128x128xf32, #tpu.memory_space<vmem>>) dst(%dma_wait3A_57 : memref<128x128xf32, #tpu.memory_space<vmem_shared>>)
        tpu.yield
      }) : () -> ()
      %scan3A_49 = arith.constant 0 : i32
      scf.yield %scan3A_49 : i32
    }
    %scan3A_6 = arith.constant 5 : i32
    %barrier3A = arith.constant 0 : index
    tpu.barrier barrier_id(%barrier3A)
    %mul3A_7 = arith.constant 16 : i32
    %mul3A_8 = arith.muli %arg0, %mul3A_7 : i32
    %add3A = arith.addi %mul3A_8, %arg1 : i32
    %mul3A_9 = arith.constant 10112 : i32
    %mul3A_10 = arith.muli %add3A, %mul3A_9 : i32
    %scan3A_11 = arith.constant 0 : i32
    %scan3A_12 = arith.constant 0 : i32
    %scan3A_13 = arith.constant 39 : i32
    %scan3A_14 = arith.addi %scan3A_12, %scan3A_13 : i32
    %scan3A_15 = arith.constant 1 : i32
    %scan3A_16 = scf.for %scan3A_38 = %scan3A_12 to %scan3A_14 step %scan3A_15 iter_args(%scan3A_39 = %scan3A_11) -> (i32)  : i32 {
      %mul3A_40 = arith.constant 2 : i32
      %mul3A_41 = arith.muli %scan3A_38, %mul3A_40 : i32
      %mul3A_42 = arith.constant 128 : i32
      %mul3A_43 = arith.muli %mul3A_41, %mul3A_42 : i32
      %add3A_44 = arith.addi %mul3A_10, %mul3A_43 : i32
      %dma_start3A_45 = tpu.memref_slice %arg3[%add3A_44] : memref<323584xi32, #tpu.memory_space<hbm>> -> memref<128xi32, #tpu.memory_space<hbm>>
      %dma_start3A_46 = tpu.memref_slice %arg3[%add3A_44] : memref<323584xi32, #tpu.memory_space<hbm>> -> memref<128xi32, #tpu.memory_space<hbm>>
      tpu.enqueue_dma source(%dma_start3A_46 : memref<128xi32, #tpu.memory_space<hbm>>) target(%arg8 : memref<128xi32, #tpu.memory_space<vmem>>) target_semaphore(%arg14 : memref<!tpu.dma_semaphore, #tpu.memory_space<semaphore_mem>>)
      %dma_start3A_47 = tpu.memref_slice %arg4[%add3A_44] : memref<323584xi32, #tpu.memory_space<hbm>> -> memref<128xi32, #tpu.memory_space<hbm>>
      %dma_start3A_48 = tpu.memref_slice %arg4[%add3A_44] : memref<323584xi32, #tpu.memory_space<hbm>> -> memref<128xi32, #tpu.memory_space<hbm>>
      tpu.enqueue_dma source(%dma_start3A_48 : memref<128xi32, #tpu.memory_space<hbm>>) target(%arg9 : memref<128xi32, #tpu.memory_space<vmem>>) target_semaphore(%arg15 : memref<!tpu.dma_semaphore, #tpu.memory_space<semaphore_mem>>)
      %add3A_49 = arith.constant 128 : i32
      %add3A_50 = arith.addi %add3A_44, %add3A_49 : i32
      %dma_start3A_51 = tpu.memref_slice %arg3[%add3A_50] : memref<323584xi32, #tpu.memory_space<hbm>> -> memref<128xi32, #tpu.memory_space<hbm>>
      %dma_start3A_52 = tpu.memref_slice %arg3[%add3A_50] : memref<323584xi32, #tpu.memory_space<hbm>> -> memref<128xi32, #tpu.memory_space<hbm>>
      tpu.enqueue_dma source(%dma_start3A_52 : memref<128xi32, #tpu.memory_space<hbm>>) target(%arg11 : memref<128xi32, #tpu.memory_space<vmem>>) target_semaphore(%arg16 : memref<!tpu.dma_semaphore, #tpu.memory_space<semaphore_mem>>)
      %add3A_53 = arith.constant 128 : i32
      %add3A_54 = arith.addi %add3A_44, %add3A_53 : i32
      %dma_start3A_55 = tpu.memref_slice %arg4[%add3A_54] : memref<323584xi32, #tpu.memory_space<hbm>> -> memref<128xi32, #tpu.memory_space<hbm>>
      %dma_start3A_56 = tpu.memref_slice %arg4[%add3A_54] : memref<323584xi32, #tpu.memory_space<hbm>> -> memref<128xi32, #tpu.memory_space<hbm>>
      tpu.enqueue_dma source(%dma_start3A_56 : memref<128xi32, #tpu.memory_space<hbm>>) target(%arg12 : memref<128xi32, #tpu.memory_space<vmem>>) target_semaphore(%arg17 : memref<!tpu.dma_semaphore, #tpu.memory_space<semaphore_mem>>)
      %dma_wait3A_57 = tpu.memref_slice %arg3[%add3A_44] : memref<323584xi32, #tpu.memory_space<hbm>> -> memref<128xi32, #tpu.memory_space<hbm>>
      %dma_wait3A_58 = tpu.memref_slice %arg3[%add3A_44] : memref<323584xi32, #tpu.memory_space<hbm>> -> memref<128xi32, #tpu.memory_space<hbm>>
      tpu.wait_dma2 semaphore(%arg14 : memref<!tpu.dma_semaphore, #tpu.memory_space<semaphore_mem>>) src(%dma_wait3A_58 : memref<128xi32, #tpu.memory_space<hbm>>) dst(%arg8 : memref<128xi32, #tpu.memory_space<vmem>>)
      %dma_wait3A_59 = tpu.memref_slice %arg4[%add3A_44] : memref<323584xi32, #tpu.memory_space<hbm>> -> memref<128xi32, #tpu.memory_space<hbm>>
      %dma_wait3A_60 = tpu.memref_slice %arg4[%add3A_44] : memref<323584xi32, #tpu.memory_space<hbm>> -> memref<128xi32, #tpu.memory_space<hbm>>
      tpu.wait_dma2 semaphore(%arg15 : memref<!tpu.dma_semaphore, #tpu.memory_space<semaphore_mem>>) src(%dma_wait3A_60 : memref<128xi32, #tpu.memory_space<hbm>>) dst(%arg9 : memref<128xi32, #tpu.memory_space<vmem>>)
      %dma_wait3A_61 = tpu.memref_slice %arg3[%add3A_50] : memref<323584xi32, #tpu.memory_space<hbm>> -> memref<128xi32, #tpu.memory_space<hbm>>
      %dma_wait3A_62 = tpu.memref_slice %arg3[%add3A_50] : memref<323584xi32, #tpu.memory_space<hbm>> -> memref<128xi32, #tpu.memory_space<hbm>>
      tpu.wait_dma2 semaphore(%arg16 : memref<!tpu.dma_semaphore, #tpu.memory_space<semaphore_mem>>) src(%dma_wait3A_62 : memref<128xi32, #tpu.memory_space<hbm>>) dst(%arg11 : memref<128xi32, #tpu.memory_space<vmem>>)
      %dma_wait3A_63 = tpu.memref_slice %arg4[%add3A_54] : memref<323584xi32, #tpu.memory_space<hbm>> -> memref<128xi32, #tpu.memory_space<hbm>>
      %dma_wait3A_64 = tpu.memref_slice %arg4[%add3A_54] : memref<323584xi32, #tpu.memory_space<hbm>> -> memref<128xi32, #tpu.memory_space<hbm>>
      tpu.wait_dma2 semaphore(%arg17 : memref<!tpu.dma_semaphore, #tpu.memory_space<semaphore_mem>>) src(%dma_wait3A_64 : memref<128xi32, #tpu.memory_space<hbm>>) dst(%arg12 : memref<128xi32, #tpu.memory_space<vmem>>)
      %dma_start3A_65 = arith.constant 0 : i32
      %dma_start3A_66 = arith.constant 0 : i32
      %dma_start3A_67 = tpu.memref_slice %arg2[%dma_start3A_65, %dma_start3A_66] : memref<10240x128xf32, #tpu.memory_space<hbm>> -> memref<10240x128xf32, #tpu.memory_space<hbm>>
      tpu.enqueue_indirect_dma source(%dma_start3A_67 : memref<10240x128xf32, #tpu.memory_space<hbm>>) target(%arg10 : memref<128x128xf32, #tpu.memory_space<vmem>>) offsets(%arg8 : memref<128xi32, #tpu.memory_space<vmem>>) semaphore(%arg14 : memref<!tpu.dma_semaphore, #tpu.memory_space<semaphore_mem>>)
      %dma_start3A_68 = arith.constant 0 : i32
      %dma_start3A_69 = arith.constant 0 : i32
      %dma_start3A_70 = tpu.memref_slice %arg2[%dma_start3A_68, %dma_start3A_69] : memref<10240x128xf32, #tpu.memory_space<hbm>> -> memref<10240x128xf32, #tpu.memory_space<hbm>>
      tpu.enqueue_indirect_dma source(%dma_start3A_70 : memref<10240x128xf32, #tpu.memory_space<hbm>>) target(%arg13 : memref<128x128xf32, #tpu.memory_space<vmem>>) offsets(%arg11 : memref<128xi32, #tpu.memory_space<vmem>>) semaphore(%arg15 : memref<!tpu.dma_semaphore, #tpu.memory_space<semaphore_mem>>)
      %dma_wait3A_71 = arith.constant 0 : i32
      %dma_wait3A_72 = arith.constant 0 : i32
      %dma_wait3A_73 = tpu.memref_slice %arg2[%dma_wait3A_71, %dma_wait3A_72] : memref<10240x128xf32, #tpu.memory_space<hbm>> -> memref<10240x128xf32, #tpu.memory_space<hbm>>
      tpu.wait_indirect_dma semaphore(%arg14 : memref<!tpu.dma_semaphore, #tpu.memory_space<semaphore_mem>>) src(%dma_wait3A_73 : memref<10240x128xf32, #tpu.memory_space<hbm>>) dst(%arg10 : memref<128x128xf32, #tpu.memory_space<vmem>>)
      %dma_start3A_74 = arith.constant 0 : i32
      %dma_start3A_75 = arith.constant 0 : i32
      %dma_start3A_76 = tpu.memref_slice %arg7[%dma_start3A_74, %dma_start3A_75] : memref<10240x128xf32, #tpu.memory_space<vmem_shared>> -> memref<10240x128xf32, #tpu.memory_space<vmem_shared>>
      tpu.enqueue_indirect_dma source(%arg10 : memref<128x128xf32, #tpu.memory_space<vmem>>) target(%dma_start3A_76 : memref<10240x128xf32, #tpu.memory_space<vmem_shared>>) offsets(%arg9 : memref<128xi32, #tpu.memory_space<vmem>>) semaphore(%arg16 : memref<!tpu.dma_semaphore, #tpu.memory_space<semaphore_mem>>) {add = true}
      %dma_wait3A_77 = arith.constant 0 : i32
      %dma_wait3A_78 = arith.constant 0 : i32
      %dma_wait3A_79 = tpu.memref_slice %arg2[%dma_wait3A_77, %dma_wait3A_78] : memref<10240x128xf32, #tpu.memory_space<hbm>> -> memref<10240x128xf32, #tpu.memory_space<hbm>>
      tpu.wait_indirect_dma semaphore(%arg15 : memref<!tpu.dma_semaphore, #tpu.memory_space<semaphore_mem>>) src(%dma_wait3A_79 : memref<10240x128xf32, #tpu.memory_space<hbm>>) dst(%arg13 : memref<128x128xf32, #tpu.memory_space<vmem>>)
      %dma_start3A_80 = arith.constant 0 : i32
      %dma_start3A_81 = arith.constant 0 : i32
      %dma_start3A_82 = tpu.memref_slice %arg7[%dma_start3A_80, %dma_start3A_81] : memref<10240x128xf32, #tpu.memory_space<vmem_shared>> -> memref<10240x128xf32, #tpu.memory_space<vmem_shared>>
      tpu.enqueue_indirect_dma source(%arg13 : memref<128x128xf32, #tpu.memory_space<vmem>>) target(%dma_start3A_82 : memref<10240x128xf32, #tpu.memory_space<vmem_shared>>) offsets(%arg12 : memref<128xi32, #tpu.memory_space<vmem>>) semaphore(%arg17 : memref<!tpu.dma_semaphore, #tpu.memory_space<semaphore_mem>>) {add = true}
      %dma_wait3A_83 = arith.constant 0 : i32
      %dma_wait3A_84 = arith.constant 0 : i32
      %dma_wait3A_85 = tpu.memref_slice %arg7[%dma_wait3A_83, %dma_wait3A_84] : memref<10240x128xf32, #tpu.memory_space<vmem_shared>> -> memref<10240x128xf32, #tpu.memory_space<vmem_shared>>
      tpu.wait_indirect_dma semaphore(%arg16 : memref<!tpu.dma_semaphore, #tpu.memory_space<semaphore_mem>>) src(%arg10 : memref<128x128xf32, #tpu.memory_space<vmem>>) dst(%dma_wait3A_85 : memref<10240x128xf32, #tpu.memory_space<vmem_shared>>)
      %dma_wait3A_86 = arith.constant 0 : i32
      %dma_wait3A_87 = arith.constant 0 : i32
      %dma_wait3A_88 = tpu.memref_slice %arg7[%dma_wait3A_86, %dma_wait3A_87] : memref<10240x128xf32, #tpu.memory_space<vmem_shared>> -> memref<10240x128xf32, #tpu.memory_space<vmem_shared>>
      tpu.wait_indirect_dma semaphore(%arg17 : memref<!tpu.dma_semaphore, #tpu.memory_space<semaphore_mem>>) src(%arg13 : memref<128x128xf32, #tpu.memory_space<vmem>>) dst(%dma_wait3A_88 : memref<10240x128xf32, #tpu.memory_space<vmem_shared>>)
      %scan3A_89 = arith.constant 0 : i32
      scf.yield %scan3A_89 : i32
    }
    %scan3A_17 = arith.constant 39 : i32
    %add3A_18 = arith.constant 9984 : i32
    %add3A_19 = arith.addi %mul3A_10, %add3A_18 : i32
    "tpu.region"() ({
      %run_scoped3A = tpu.sem_alloc : memref<!tpu.dma_semaphore, #tpu.memory_space<semaphore_mem>>
      %dma_start3A_38 = tpu.memref_slice %arg3[%add3A_19] : memref<323584xi32, #tpu.memory_space<hbm>> -> memref<128xi32, #tpu.memory_space<hbm>>
      %dma_start3A_39 = tpu.memref_slice %arg3[%add3A_19] : memref<323584xi32, #tpu.memory_space<hbm>> -> memref<128xi32, #tpu.memory_space<hbm>>
      tpu.enqueue_dma source(%dma_start3A_39 : memref<128xi32, #tpu.memory_space<hbm>>) target(%arg8 : memref<128xi32, #tpu.memory_space<vmem>>) target_semaphore(%run_scoped3A : memref<!tpu.dma_semaphore, #tpu.memory_space<semaphore_mem>>)
      %dma_wait3A_40 = tpu.memref_slice %arg3[%add3A_19] : memref<323584xi32, #tpu.memory_space<hbm>> -> memref<128xi32, #tpu.memory_space<hbm>>
      %dma_wait3A_41 = tpu.memref_slice %arg3[%add3A_19] : memref<323584xi32, #tpu.memory_space<hbm>> -> memref<128xi32, #tpu.memory_space<hbm>>
      tpu.wait_dma2 semaphore(%run_scoped3A : memref<!tpu.dma_semaphore, #tpu.memory_space<semaphore_mem>>) src(%dma_wait3A_41 : memref<128xi32, #tpu.memory_space<hbm>>) dst(%arg8 : memref<128xi32, #tpu.memory_space<vmem>>)
      tpu.yield
    }) : () -> ()
    "tpu.region"() ({
      %run_scoped3A = tpu.sem_alloc : memref<!tpu.dma_semaphore, #tpu.memory_space<semaphore_mem>>
      %dma_start3A_38 = tpu.memref_slice %arg4[%add3A_19] : memref<323584xi32, #tpu.memory_space<hbm>> -> memref<128xi32, #tpu.memory_space<hbm>>
      %dma_start3A_39 = tpu.memref_slice %arg4[%add3A_19] : memref<323584xi32, #tpu.memory_space<hbm>> -> memref<128xi32, #tpu.memory_space<hbm>>
      tpu.enqueue_dma source(%dma_start3A_39 : memref<128xi32, #tpu.memory_space<hbm>>) target(%arg9 : memref<128xi32, #tpu.memory_space<vmem>>) target_semaphore(%run_scoped3A : memref<!tpu.dma_semaphore, #tpu.memory_space<semaphore_mem>>)
      %dma_wait3A_40 = tpu.memref_slice %arg4[%add3A_19] : memref<323584xi32, #tpu.memory_space<hbm>> -> memref<128xi32, #tpu.memory_space<hbm>>
      %dma_wait3A_41 = tpu.memref_slice %arg4[%add3A_19] : memref<323584xi32, #tpu.memory_space<hbm>> -> memref<128xi32, #tpu.memory_space<hbm>>
      tpu.wait_dma2 semaphore(%run_scoped3A : memref<!tpu.dma_semaphore, #tpu.memory_space<semaphore_mem>>) src(%dma_wait3A_41 : memref<128xi32, #tpu.memory_space<hbm>>) dst(%arg9 : memref<128xi32, #tpu.memory_space<vmem>>)
      tpu.yield
    }) : () -> ()
    %dma_start3A = arith.constant 0 : i32
    %dma_start3A_20 = arith.constant 0 : i32
    %dma_start3A_21 = tpu.memref_slice %arg2[%dma_start3A, %dma_start3A_20] : memref<10240x128xf32, #tpu.memory_space<hbm>> -> memref<10240x128xf32, #tpu.memory_space<hbm>>
    tpu.enqueue_indirect_dma source(%dma_start3A_21 : memref<10240x128xf32, #tpu.memory_space<hbm>>) target(%arg10 : memref<128x128xf32, #tpu.memory_space<vmem>>) offsets(%arg8 : memref<128xi32, #tpu.memory_space<vmem>>) semaphore(%arg14 : memref<!tpu.dma_semaphore, #tpu.memory_space<semaphore_mem>>)
    %dma_wait3A = arith.constant 0 : i32
    %dma_wait3A_22 = arith.constant 0 : i32
    %dma_wait3A_23 = tpu.memref_slice %arg2[%dma_wait3A, %dma_wait3A_22] : memref<10240x128xf32, #tpu.memory_space<hbm>> -> memref<10240x128xf32, #tpu.memory_space<hbm>>
    tpu.wait_indirect_dma semaphore(%arg14 : memref<!tpu.dma_semaphore, #tpu.memory_space<semaphore_mem>>) src(%dma_wait3A_23 : memref<10240x128xf32, #tpu.memory_space<hbm>>) dst(%arg10 : memref<128x128xf32, #tpu.memory_space<vmem>>)
    %dma_start3A_24 = arith.constant 0 : i32
    %dma_start3A_25 = arith.constant 0 : i32
    %dma_start3A_26 = tpu.memref_slice %arg7[%dma_start3A_24, %dma_start3A_25] : memref<10240x128xf32, #tpu.memory_space<vmem_shared>> -> memref<10240x128xf32, #tpu.memory_space<vmem_shared>>
    tpu.enqueue_indirect_dma source(%arg10 : memref<128x128xf32, #tpu.memory_space<vmem>>) target(%dma_start3A_26 : memref<10240x128xf32, #tpu.memory_space<vmem_shared>>) offsets(%arg9 : memref<128xi32, #tpu.memory_space<vmem>>) semaphore(%arg16 : memref<!tpu.dma_semaphore, #tpu.memory_space<semaphore_mem>>) {add = true}
    %dma_wait3A_27 = arith.constant 0 : i32
    %dma_wait3A_28 = arith.constant 0 : i32
    %dma_wait3A_29 = tpu.memref_slice %arg7[%dma_wait3A_27, %dma_wait3A_28] : memref<10240x128xf32, #tpu.memory_space<vmem_shared>> -> memref<10240x128xf32, #tpu.memory_space<vmem_shared>>
    tpu.wait_indirect_dma semaphore(%arg16 : memref<!tpu.dma_semaphore, #tpu.memory_space<semaphore_mem>>) src(%arg10 : memref<128x128xf32, #tpu.memory_space<vmem>>) dst(%dma_wait3A_29 : memref<10240x128xf32, #tpu.memory_space<vmem_shared>>)
    %barrier3A_30 = arith.constant 0 : index
    tpu.barrier barrier_id(%barrier3A_30)
    %scan3A_31 = arith.constant 0 : i32
    %scan3A_32 = arith.constant 0 : i32
    %scan3A_33 = arith.constant 5 : i32
    %scan3A_34 = arith.addi %scan3A_32, %scan3A_33 : i32
    %scan3A_35 = arith.constant 1 : i32
    %scan3A_36 = scf.for %scan3A_38 = %scan3A_32 to %scan3A_34 step %scan3A_35 iter_args(%scan3A_39 = %scan3A_31) -> (i32)  : i32 {
      %mul3A_40 = arith.constant 128 : i32
      %mul3A_41 = arith.muli %scan3A_38, %mul3A_40 : i32
      %add3A_42 = arith.addi %mul3A_0, %mul3A_41 : i32
      "tpu.region"() ({
        %run_scoped3A = tpu.sem_alloc : memref<!tpu.dma_semaphore, #tpu.memory_space<semaphore_mem>>
        %dma_start3A_44 = arith.constant 0 : i32
        %dma_start3A_45 = tpu.memref_slice %arg7[%add3A_42, %dma_start3A_44] : memref<10240x128xf32, #tpu.memory_space<vmem_shared>> -> memref<128x128xf32, #tpu.memory_space<vmem_shared>>
        %dma_start3A_46 = arith.constant 0 : i32
        %dma_start3A_47 = tpu.memref_slice %arg7[%add3A_42, %dma_start3A_46] : memref<10240x128xf32, #tpu.memory_space<vmem_shared>> -> memref<128x128xf32, #tpu.memory_space<vmem_shared>>
        tpu.enqueue_dma source(%dma_start3A_47 : memref<128x128xf32, #tpu.memory_space<vmem_shared>>) target(%arg13 : memref<128x128xf32, #tpu.memory_space<vmem>>) target_semaphore(%run_scoped3A : memref<!tpu.dma_semaphore, #tpu.memory_space<semaphore_mem>>)
        %dma_wait3A_48 = arith.constant 0 : i32
        %dma_wait3A_49 = tpu.memref_slice %arg7[%add3A_42, %dma_wait3A_48] : memref<10240x128xf32, #tpu.memory_space<vmem_shared>> -> memref<128x128xf32, #tpu.memory_space<vmem_shared>>
        %dma_wait3A_50 = arith.constant 0 : i32
        %dma_wait3A_51 = tpu.memref_slice %arg7[%add3A_42, %dma_wait3A_50] : memref<10240x128xf32, #tpu.memory_space<vmem_shared>> -> memref<128x128xf32, #tpu.memory_space<vmem_shared>>
        tpu.wait_dma2 semaphore(%run_scoped3A : memref<!tpu.dma_semaphore, #tpu.memory_space<semaphore_mem>>) src(%dma_wait3A_51 : memref<128x128xf32, #tpu.memory_space<vmem_shared>>) dst(%arg13 : memref<128x128xf32, #tpu.memory_space<vmem>>)
        tpu.yield
      }) : () -> ()
      "tpu.region"() ({
        %run_scoped3A = tpu.sem_alloc : memref<!tpu.dma_semaphore, #tpu.memory_space<semaphore_mem>>
        %dma_start3A_44 = arith.constant 0 : i32
        %dma_start3A_45 = arith.constant 0 : i32
        %dma_start3A_46 = tpu.memref_slice %arg6[%arg0, %dma_start3A_44, %dma_start3A_45] : memref<2x10240x128xf32, #tpu.memory_space<hbm>> -> memref<1x10240x128xf32, #tpu.memory_space<hbm>>
        %dma_start3A_47 = tpu.memref_squeeze %dma_start3A_46 : memref<1x10240x128xf32, #tpu.memory_space<hbm>> -> memref<10240x128xf32, #tpu.memory_space<hbm>>
        %dma_start3A_48 = arith.constant 0 : i32
        %dma_start3A_49 = tpu.memref_slice %dma_start3A_47[%add3A_42, %dma_start3A_48] : memref<10240x128xf32, #tpu.memory_space<hbm>> -> memref<128x128xf32, #tpu.memory_space<hbm>>
        %dma_start3A_50 = arith.constant 0 : i32
        %dma_start3A_51 = arith.constant 0 : i32
        %dma_start3A_52 = tpu.memref_slice %arg6[%arg0, %dma_start3A_50, %dma_start3A_51] : memref<2x10240x128xf32, #tpu.memory_space<hbm>> -> memref<1x10240x128xf32, #tpu.memory_space<hbm>>
        %dma_start3A_53 = tpu.memref_squeeze %dma_start3A_52 : memref<1x10240x128xf32, #tpu.memory_space<hbm>> -> memref<10240x128xf32, #tpu.memory_space<hbm>>
        %dma_start3A_54 = arith.constant 0 : i32
        %dma_start3A_55 = tpu.memref_slice %dma_start3A_53[%add3A_42, %dma_start3A_54] : memref<10240x128xf32, #tpu.memory_space<hbm>> -> memref<128x128xf32, #tpu.memory_space<hbm>>
        tpu.enqueue_dma source(%arg13 : memref<128x128xf32, #tpu.memory_space<vmem>>) target(%dma_start3A_55 : memref<128x128xf32, #tpu.memory_space<hbm>>) target_semaphore(%run_scoped3A : memref<!tpu.dma_semaphore, #tpu.memory_space<semaphore_mem>>)
        %dma_wait3A_56 = arith.constant 0 : i32
        %dma_wait3A_57 = arith.constant 0 : i32
        %dma_wait3A_58 = tpu.memref_slice %arg6[%arg0, %dma_wait3A_56, %dma_wait3A_57] : memref<2x10240x128xf32, #tpu.memory_space<hbm>> -> memref<1x10240x128xf32, #tpu.memory_space<hbm>>
        %dma_wait3A_59 = tpu.memref_squeeze %dma_wait3A_58 : memref<1x10240x128xf32, #tpu.memory_space<hbm>> -> memref<10240x128xf32, #tpu.memory_space<hbm>>
        %dma_wait3A_60 = arith.constant 0 : i32
        %dma_wait3A_61 = tpu.memref_slice %dma_wait3A_59[%add3A_42, %dma_wait3A_60] : memref<10240x128xf32, #tpu.memory_space<hbm>> -> memref<128x128xf32, #tpu.memory_space<hbm>>
        %dma_wait3A_62 = arith.constant 0 : i32
        %dma_wait3A_63 = arith.constant 0 : i32
        %dma_wait3A_64 = tpu.memref_slice %arg6[%arg0, %dma_wait3A_62, %dma_wait3A_63] : memref<2x10240x128xf32, #tpu.memory_space<hbm>> -> memref<1x10240x128xf32, #tpu.memory_space<hbm>>
        %dma_wait3A_65 = tpu.memref_squeeze %dma_wait3A_64 : memref<1x10240x128xf32, #tpu.memory_space<hbm>> -> memref<10240x128xf32, #tpu.memory_space<hbm>>
        %dma_wait3A_66 = arith.constant 0 : i32
        %dma_wait3A_67 = tpu.memref_slice %dma_wait3A_65[%add3A_42, %dma_wait3A_66] : memref<10240x128xf32, #tpu.memory_space<hbm>> -> memref<128x128xf32, #tpu.memory_space<hbm>>
        tpu.wait_dma2 semaphore(%run_scoped3A : memref<!tpu.dma_semaphore, #tpu.memory_space<semaphore_mem>>) src(%arg13 : memref<128x128xf32, #tpu.memory_space<vmem>>) dst(%dma_wait3A_67 : memref<128x128xf32, #tpu.memory_space<hbm>>)
        tpu.yield
      }) : () -> ()
      %scan3A_43 = arith.constant 0 : i32
      scf.yield %scan3A_43 : i32
    }
    %scan3A_37 = arith.constant 5 : i32
    return
  }
}

#map = affine_map<(d0, d1) -> (0)>
#map1 = affine_map<(d0, d1) -> (0, 0)>
#map2 = affine_map<(d0, d1) -> (0, 0, 0)>
module attributes {stable_mosaic.version = 14 : i64} {
  func.func @_deg_body(%arg0: i32, %arg1: i32, %arg2: memref<323584xi32, #tpu.memory_space<hbm>>, %arg3: memref<128x128xf32, #tpu.memory_space<hbm>>, %arg4: memref<128x128xf32, #tpu.memory_space<hbm>>, %arg5: memref<2x10240x128xf32, #tpu.memory_space<hbm>>, %arg6: memref<10240x128xf32, #tpu.memory_space<vmem_shared>>, %arg7: memref<128x128xf32, #tpu.memory_space<vmem>>, %arg8: memref<128xi32, #tpu.memory_space<vmem>>, %arg9: memref<128xi32, #tpu.memory_space<vmem>>, %arg10: memref<128x128xf32, #tpu.memory_space<vmem>>, %arg11: memref<!tpu.dma_semaphore, #tpu.memory_space<semaphore_mem>>, %arg12: memref<!tpu.dma_semaphore, #tpu.memory_space<semaphore_mem>>, %arg13: memref<!tpu.dma_semaphore, #tpu.memory_space<semaphore_mem>>, %arg14: memref<!tpu.dma_semaphore, #tpu.memory_space<semaphore_mem>>) attributes {dimension_semantics = [#tpu.dimension_semantics<core_parallel>, #tpu.dimension_semantics<subcore_parallel>], iteration_bounds = array<i64: 2, 16>, scalar_prefetch = 0 : i64, scratch_operands = 9 : i64, tpu.core_type = #tpu.core_type<sc_vector_subcore>, window_params = [{transform_indices = #map}, {transform_indices = #map1}, {transform_indices = #map1}, {transform_indices = #map2}]} {
    %mul3A = arith.constant 640 : i32
    %mul3A_0 = arith.muli %arg1, %mul3A : i32
    "tpu.region"() ({
      %run_scoped3A = tpu.sem_alloc : memref<!tpu.dma_semaphore, #tpu.memory_space<semaphore_mem>>
      tpu.enqueue_dma source(%arg4 : memref<128x128xf32, #tpu.memory_space<hbm>>) target(%arg7 : memref<128x128xf32, #tpu.memory_space<vmem>>) target_semaphore(%run_scoped3A : memref<!tpu.dma_semaphore, #tpu.memory_space<semaphore_mem>>)
      tpu.wait_dma2 semaphore(%run_scoped3A : memref<!tpu.dma_semaphore, #tpu.memory_space<semaphore_mem>>) src(%arg4 : memref<128x128xf32, #tpu.memory_space<hbm>>) dst(%arg7 : memref<128x128xf32, #tpu.memory_space<vmem>>)
      tpu.yield
    }) : () -> ()
    "tpu.region"() ({
      %run_scoped3A = tpu.sem_alloc : memref<!tpu.dma_semaphore, #tpu.memory_space<semaphore_mem>>
      tpu.enqueue_dma source(%arg3 : memref<128x128xf32, #tpu.memory_space<hbm>>) target(%arg10 : memref<128x128xf32, #tpu.memory_space<vmem>>) target_semaphore(%run_scoped3A : memref<!tpu.dma_semaphore, #tpu.memory_space<semaphore_mem>>)
      tpu.wait_dma2 semaphore(%run_scoped3A : memref<!tpu.dma_semaphore, #tpu.memory_space<semaphore_mem>>) src(%arg3 : memref<128x128xf32, #tpu.memory_space<hbm>>) dst(%arg10 : memref<128x128xf32, #tpu.memory_space<vmem>>)
      tpu.yield
    }) : () -> ()
    %scan3A = arith.constant 0 : i32
    %scan3A_1 = arith.constant 0 : i32
    %scan3A_2 = arith.constant 5 : i32
    %scan3A_3 = arith.addi %scan3A_1, %scan3A_2 : i32
    %scan3A_4 = arith.constant 1 : i32
    %scan3A_5 = scf.for %scan3A_28 = %scan3A_1 to %scan3A_3 step %scan3A_4 iter_args(%scan3A_29 = %scan3A) -> (i32)  : i32 {
      %mul3A_30 = arith.constant 128 : i32
      %mul3A_31 = arith.muli %scan3A_28, %mul3A_30 : i32
      %add3A_32 = arith.addi %mul3A_0, %mul3A_31 : i32
      "tpu.region"() ({
        %run_scoped3A = tpu.sem_alloc : memref<!tpu.dma_semaphore, #tpu.memory_space<semaphore_mem>>
        %dma_start3A = arith.constant 0 : i32
        %dma_start3A_34 = tpu.memref_slice %arg6[%add3A_32, %dma_start3A] : memref<10240x128xf32, #tpu.memory_space<vmem_shared>> -> memref<128x128xf32, #tpu.memory_space<vmem_shared>>
        %dma_start3A_35 = arith.constant 0 : i32
        %dma_start3A_36 = tpu.memref_slice %arg6[%add3A_32, %dma_start3A_35] : memref<10240x128xf32, #tpu.memory_space<vmem_shared>> -> memref<128x128xf32, #tpu.memory_space<vmem_shared>>
        tpu.enqueue_dma source(%arg10 : memref<128x128xf32, #tpu.memory_space<vmem>>) target(%dma_start3A_36 : memref<128x128xf32, #tpu.memory_space<vmem_shared>>) target_semaphore(%run_scoped3A : memref<!tpu.dma_semaphore, #tpu.memory_space<semaphore_mem>>)
        %dma_wait3A = arith.constant 0 : i32
        %dma_wait3A_37 = tpu.memref_slice %arg6[%add3A_32, %dma_wait3A] : memref<10240x128xf32, #tpu.memory_space<vmem_shared>> -> memref<128x128xf32, #tpu.memory_space<vmem_shared>>
        %dma_wait3A_38 = arith.constant 0 : i32
        %dma_wait3A_39 = tpu.memref_slice %arg6[%add3A_32, %dma_wait3A_38] : memref<10240x128xf32, #tpu.memory_space<vmem_shared>> -> memref<128x128xf32, #tpu.memory_space<vmem_shared>>
        tpu.wait_dma2 semaphore(%run_scoped3A : memref<!tpu.dma_semaphore, #tpu.memory_space<semaphore_mem>>) src(%arg10 : memref<128x128xf32, #tpu.memory_space<vmem>>) dst(%dma_wait3A_39 : memref<128x128xf32, #tpu.memory_space<vmem_shared>>)
        tpu.yield
      }) : () -> ()
      %scan3A_33 = arith.constant 0 : i32
      scf.yield %scan3A_33 : i32
    }
    %scan3A_6 = arith.constant 5 : i32
    %barrier3A = arith.constant 0 : index
    tpu.barrier barrier_id(%barrier3A)
    %mul3A_7 = arith.constant 16 : i32
    %mul3A_8 = arith.muli %arg0, %mul3A_7 : i32
    %add3A = arith.addi %mul3A_8, %arg1 : i32
    %mul3A_9 = arith.constant 10112 : i32
    %mul3A_10 = arith.muli %add3A, %mul3A_9 : i32
    %scan3A_11 = arith.constant 0 : i32
    %scan3A_12 = arith.constant 0 : i32
    %scan3A_13 = arith.constant 39 : i32
    %scan3A_14 = arith.addi %scan3A_12, %scan3A_13 : i32
    %scan3A_15 = arith.constant 1 : i32
    %scan3A_16 = scf.for %scan3A_28 = %scan3A_12 to %scan3A_14 step %scan3A_15 iter_args(%scan3A_29 = %scan3A_11) -> (i32)  : i32 {
      %mul3A_30 = arith.constant 2 : i32
      %mul3A_31 = arith.muli %scan3A_28, %mul3A_30 : i32
      %mul3A_32 = arith.constant 128 : i32
      %mul3A_33 = arith.muli %mul3A_31, %mul3A_32 : i32
      %add3A_34 = arith.addi %mul3A_10, %mul3A_33 : i32
      %dma_start3A = tpu.memref_slice %arg2[%add3A_34] : memref<323584xi32, #tpu.memory_space<hbm>> -> memref<128xi32, #tpu.memory_space<hbm>>
      %dma_start3A_35 = tpu.memref_slice %arg2[%add3A_34] : memref<323584xi32, #tpu.memory_space<hbm>> -> memref<128xi32, #tpu.memory_space<hbm>>
      tpu.enqueue_dma source(%dma_start3A_35 : memref<128xi32, #tpu.memory_space<hbm>>) target(%arg8 : memref<128xi32, #tpu.memory_space<vmem>>) target_semaphore(%arg11 : memref<!tpu.dma_semaphore, #tpu.memory_space<semaphore_mem>>)
      %add3A_36 = arith.constant 128 : i32
      %add3A_37 = arith.addi %add3A_34, %add3A_36 : i32
      %dma_start3A_38 = tpu.memref_slice %arg2[%add3A_37] : memref<323584xi32, #tpu.memory_space<hbm>> -> memref<128xi32, #tpu.memory_space<hbm>>
      %dma_start3A_39 = tpu.memref_slice %arg2[%add3A_37] : memref<323584xi32, #tpu.memory_space<hbm>> -> memref<128xi32, #tpu.memory_space<hbm>>
      tpu.enqueue_dma source(%dma_start3A_39 : memref<128xi32, #tpu.memory_space<hbm>>) target(%arg9 : memref<128xi32, #tpu.memory_space<vmem>>) target_semaphore(%arg12 : memref<!tpu.dma_semaphore, #tpu.memory_space<semaphore_mem>>)
      %dma_wait3A = tpu.memref_slice %arg2[%add3A_34] : memref<323584xi32, #tpu.memory_space<hbm>> -> memref<128xi32, #tpu.memory_space<hbm>>
      %dma_wait3A_40 = tpu.memref_slice %arg2[%add3A_34] : memref<323584xi32, #tpu.memory_space<hbm>> -> memref<128xi32, #tpu.memory_space<hbm>>
      tpu.wait_dma2 semaphore(%arg11 : memref<!tpu.dma_semaphore, #tpu.memory_space<semaphore_mem>>) src(%dma_wait3A_40 : memref<128xi32, #tpu.memory_space<hbm>>) dst(%arg8 : memref<128xi32, #tpu.memory_space<vmem>>)
      %dma_start3A_41 = arith.constant 0 : i32
      %dma_start3A_42 = arith.constant 0 : i32
      %dma_start3A_43 = tpu.memref_slice %arg6[%dma_start3A_41, %dma_start3A_42] : memref<10240x128xf32, #tpu.memory_space<vmem_shared>> -> memref<10240x128xf32, #tpu.memory_space<vmem_shared>>
      tpu.enqueue_indirect_dma source(%arg7 : memref<128x128xf32, #tpu.memory_space<vmem>>) target(%dma_start3A_43 : memref<10240x128xf32, #tpu.memory_space<vmem_shared>>) offsets(%arg8 : memref<128xi32, #tpu.memory_space<vmem>>) semaphore(%arg13 : memref<!tpu.dma_semaphore, #tpu.memory_space<semaphore_mem>>) {add = true}
      %dma_wait3A_44 = tpu.memref_slice %arg2[%add3A_37] : memref<323584xi32, #tpu.memory_space<hbm>> -> memref<128xi32, #tpu.memory_space<hbm>>
      %dma_wait3A_45 = tpu.memref_slice %arg2[%add3A_37] : memref<323584xi32, #tpu.memory_space<hbm>> -> memref<128xi32, #tpu.memory_space<hbm>>
      tpu.wait_dma2 semaphore(%arg12 : memref<!tpu.dma_semaphore, #tpu.memory_space<semaphore_mem>>) src(%dma_wait3A_45 : memref<128xi32, #tpu.memory_space<hbm>>) dst(%arg9 : memref<128xi32, #tpu.memory_space<vmem>>)
      %dma_start3A_46 = arith.constant 0 : i32
      %dma_start3A_47 = arith.constant 0 : i32
      %dma_start3A_48 = tpu.memref_slice %arg6[%dma_start3A_46, %dma_start3A_47] : memref<10240x128xf32, #tpu.memory_space<vmem_shared>> -> memref<10240x128xf32, #tpu.memory_space<vmem_shared>>
      tpu.enqueue_indirect_dma source(%arg7 : memref<128x128xf32, #tpu.memory_space<vmem>>) target(%dma_start3A_48 : memref<10240x128xf32, #tpu.memory_space<vmem_shared>>) offsets(%arg9 : memref<128xi32, #tpu.memory_space<vmem>>) semaphore(%arg14 : memref<!tpu.dma_semaphore, #tpu.memory_space<semaphore_mem>>) {add = true}
      %dma_wait3A_49 = arith.constant 0 : i32
      %dma_wait3A_50 = arith.constant 0 : i32
      %dma_wait3A_51 = tpu.memref_slice %arg6[%dma_wait3A_49, %dma_wait3A_50] : memref<10240x128xf32, #tpu.memory_space<vmem_shared>> -> memref<10240x128xf32, #tpu.memory_space<vmem_shared>>
      tpu.wait_indirect_dma semaphore(%arg13 : memref<!tpu.dma_semaphore, #tpu.memory_space<semaphore_mem>>) src(%arg7 : memref<128x128xf32, #tpu.memory_space<vmem>>) dst(%dma_wait3A_51 : memref<10240x128xf32, #tpu.memory_space<vmem_shared>>)
      %dma_wait3A_52 = arith.constant 0 : i32
      %dma_wait3A_53 = arith.constant 0 : i32
      %dma_wait3A_54 = tpu.memref_slice %arg6[%dma_wait3A_52, %dma_wait3A_53] : memref<10240x128xf32, #tpu.memory_space<vmem_shared>> -> memref<10240x128xf32, #tpu.memory_space<vmem_shared>>
      tpu.wait_indirect_dma semaphore(%arg14 : memref<!tpu.dma_semaphore, #tpu.memory_space<semaphore_mem>>) src(%arg7 : memref<128x128xf32, #tpu.memory_space<vmem>>) dst(%dma_wait3A_54 : memref<10240x128xf32, #tpu.memory_space<vmem_shared>>)
      %scan3A_55 = arith.constant 0 : i32
      scf.yield %scan3A_55 : i32
    }
    %scan3A_17 = arith.constant 39 : i32
    %add3A_18 = arith.constant 9984 : i32
    %add3A_19 = arith.addi %mul3A_10, %add3A_18 : i32
    "tpu.region"() ({
      %run_scoped3A = tpu.sem_alloc : memref<!tpu.dma_semaphore, #tpu.memory_space<semaphore_mem>>
      %dma_start3A = tpu.memref_slice %arg2[%add3A_19] : memref<323584xi32, #tpu.memory_space<hbm>> -> memref<128xi32, #tpu.memory_space<hbm>>
      %dma_start3A_28 = tpu.memref_slice %arg2[%add3A_19] : memref<323584xi32, #tpu.memory_space<hbm>> -> memref<128xi32, #tpu.memory_space<hbm>>
      tpu.enqueue_dma source(%dma_start3A_28 : memref<128xi32, #tpu.memory_space<hbm>>) target(%arg8 : memref<128xi32, #tpu.memory_space<vmem>>) target_semaphore(%run_scoped3A : memref<!tpu.dma_semaphore, #tpu.memory_space<semaphore_mem>>)
      %dma_wait3A = tpu.memref_slice %arg2[%add3A_19] : memref<323584xi32, #tpu.memory_space<hbm>> -> memref<128xi32, #tpu.memory_space<hbm>>
      %dma_wait3A_29 = tpu.memref_slice %arg2[%add3A_19] : memref<323584xi32, #tpu.memory_space<hbm>> -> memref<128xi32, #tpu.memory_space<hbm>>
      tpu.wait_dma2 semaphore(%run_scoped3A : memref<!tpu.dma_semaphore, #tpu.memory_space<semaphore_mem>>) src(%dma_wait3A_29 : memref<128xi32, #tpu.memory_space<hbm>>) dst(%arg8 : memref<128xi32, #tpu.memory_space<vmem>>)
      tpu.yield
    }) : () -> ()
    "tpu.region"() ({
      %run_scoped3A = tpu.sem_alloc : memref<!tpu.dma_semaphore, #tpu.memory_space<semaphore_mem>>
      %dma_start3A = arith.constant 0 : i32
      %dma_start3A_28 = arith.constant 0 : i32
      %dma_start3A_29 = tpu.memref_slice %arg6[%dma_start3A, %dma_start3A_28] : memref<10240x128xf32, #tpu.memory_space<vmem_shared>> -> memref<10240x128xf32, #tpu.memory_space<vmem_shared>>
      tpu.enqueue_indirect_dma source(%arg7 : memref<128x128xf32, #tpu.memory_space<vmem>>) target(%dma_start3A_29 : memref<10240x128xf32, #tpu.memory_space<vmem_shared>>) offsets(%arg8 : memref<128xi32, #tpu.memory_space<vmem>>) semaphore(%run_scoped3A : memref<!tpu.dma_semaphore, #tpu.memory_space<semaphore_mem>>) {add = true}
      %dma_wait3A = arith.constant 0 : i32
      %dma_wait3A_30 = arith.constant 0 : i32
      %dma_wait3A_31 = tpu.memref_slice %arg6[%dma_wait3A, %dma_wait3A_30] : memref<10240x128xf32, #tpu.memory_space<vmem_shared>> -> memref<10240x128xf32, #tpu.memory_space<vmem_shared>>
      tpu.wait_indirect_dma semaphore(%run_scoped3A : memref<!tpu.dma_semaphore, #tpu.memory_space<semaphore_mem>>) src(%arg7 : memref<128x128xf32, #tpu.memory_space<vmem>>) dst(%dma_wait3A_31 : memref<10240x128xf32, #tpu.memory_space<vmem_shared>>)
      tpu.yield
    }) : () -> ()
    %barrier3A_20 = arith.constant 0 : index
    tpu.barrier barrier_id(%barrier3A_20)
    %scan3A_21 = arith.constant 0 : i32
    %scan3A_22 = arith.constant 0 : i32
    %scan3A_23 = arith.constant 5 : i32
    %scan3A_24 = arith.addi %scan3A_22, %scan3A_23 : i32
    %scan3A_25 = arith.constant 1 : i32
    %scan3A_26 = scf.for %scan3A_28 = %scan3A_22 to %scan3A_24 step %scan3A_25 iter_args(%scan3A_29 = %scan3A_21) -> (i32)  : i32 {
      %mul3A_30 = arith.constant 128 : i32
      %mul3A_31 = arith.muli %scan3A_28, %mul3A_30 : i32
      %add3A_32 = arith.addi %mul3A_0, %mul3A_31 : i32
      "tpu.region"() ({
        %run_scoped3A = tpu.sem_alloc : memref<!tpu.dma_semaphore, #tpu.memory_space<semaphore_mem>>
        %dma_start3A = arith.constant 0 : i32
        %dma_start3A_34 = tpu.memref_slice %arg6[%add3A_32, %dma_start3A] : memref<10240x128xf32, #tpu.memory_space<vmem_shared>> -> memref<128x128xf32, #tpu.memory_space<vmem_shared>>
        %dma_start3A_35 = arith.constant 0 : i32
        %dma_start3A_36 = tpu.memref_slice %arg6[%add3A_32, %dma_start3A_35] : memref<10240x128xf32, #tpu.memory_space<vmem_shared>> -> memref<128x128xf32, #tpu.memory_space<vmem_shared>>
        tpu.enqueue_dma source(%dma_start3A_36 : memref<128x128xf32, #tpu.memory_space<vmem_shared>>) target(%arg10 : memref<128x128xf32, #tpu.memory_space<vmem>>) target_semaphore(%run_scoped3A : memref<!tpu.dma_semaphore, #tpu.memory_space<semaphore_mem>>)
        %dma_wait3A = arith.constant 0 : i32
        %dma_wait3A_37 = tpu.memref_slice %arg6[%add3A_32, %dma_wait3A] : memref<10240x128xf32, #tpu.memory_space<vmem_shared>> -> memref<128x128xf32, #tpu.memory_space<vmem_shared>>
        %dma_wait3A_38 = arith.constant 0 : i32
        %dma_wait3A_39 = tpu.memref_slice %arg6[%add3A_32, %dma_wait3A_38] : memref<10240x128xf32, #tpu.memory_space<vmem_shared>> -> memref<128x128xf32, #tpu.memory_space<vmem_shared>>
        tpu.wait_dma2 semaphore(%run_scoped3A : memref<!tpu.dma_semaphore, #tpu.memory_space<semaphore_mem>>) src(%dma_wait3A_39 : memref<128x128xf32, #tpu.memory_space<vmem_shared>>) dst(%arg10 : memref<128x128xf32, #tpu.memory_space<vmem>>)
        tpu.yield
      }) : () -> ()
      "tpu.region"() ({
        %run_scoped3A = tpu.sem_alloc : memref<!tpu.dma_semaphore, #tpu.memory_space<semaphore_mem>>
        %dma_start3A = arith.constant 0 : i32
        %dma_start3A_34 = arith.constant 0 : i32
        %dma_start3A_35 = tpu.memref_slice %arg5[%arg0, %dma_start3A, %dma_start3A_34] : memref<2x10240x128xf32, #tpu.memory_space<hbm>> -> memref<1x10240x128xf32, #tpu.memory_space<hbm>>
        %dma_start3A_36 = tpu.memref_squeeze %dma_start3A_35 : memref<1x10240x128xf32, #tpu.memory_space<hbm>> -> memref<10240x128xf32, #tpu.memory_space<hbm>>
        %dma_start3A_37 = arith.constant 0 : i32
        %dma_start3A_38 = tpu.memref_slice %dma_start3A_36[%add3A_32, %dma_start3A_37] : memref<10240x128xf32, #tpu.memory_space<hbm>> -> memref<128x128xf32, #tpu.memory_space<hbm>>
        %dma_start3A_39 = arith.constant 0 : i32
        %dma_start3A_40 = arith.constant 0 : i32
        %dma_start3A_41 = tpu.memref_slice %arg5[%arg0, %dma_start3A_39, %dma_start3A_40] : memref<2x10240x128xf32, #tpu.memory_space<hbm>> -> memref<1x10240x128xf32, #tpu.memory_space<hbm>>
        %dma_start3A_42 = tpu.memref_squeeze %dma_start3A_41 : memref<1x10240x128xf32, #tpu.memory_space<hbm>> -> memref<10240x128xf32, #tpu.memory_space<hbm>>
        %dma_start3A_43 = arith.constant 0 : i32
        %dma_start3A_44 = tpu.memref_slice %dma_start3A_42[%add3A_32, %dma_start3A_43] : memref<10240x128xf32, #tpu.memory_space<hbm>> -> memref<128x128xf32, #tpu.memory_space<hbm>>
        tpu.enqueue_dma source(%arg10 : memref<128x128xf32, #tpu.memory_space<vmem>>) target(%dma_start3A_44 : memref<128x128xf32, #tpu.memory_space<hbm>>) target_semaphore(%run_scoped3A : memref<!tpu.dma_semaphore, #tpu.memory_space<semaphore_mem>>)
        %dma_wait3A = arith.constant 0 : i32
        %dma_wait3A_45 = arith.constant 0 : i32
        %dma_wait3A_46 = tpu.memref_slice %arg5[%arg0, %dma_wait3A, %dma_wait3A_45] : memref<2x10240x128xf32, #tpu.memory_space<hbm>> -> memref<1x10240x128xf32, #tpu.memory_space<hbm>>
        %dma_wait3A_47 = tpu.memref_squeeze %dma_wait3A_46 : memref<1x10240x128xf32, #tpu.memory_space<hbm>> -> memref<10240x128xf32, #tpu.memory_space<hbm>>
        %dma_wait3A_48 = arith.constant 0 : i32
        %dma_wait3A_49 = tpu.memref_slice %dma_wait3A_47[%add3A_32, %dma_wait3A_48] : memref<10240x128xf32, #tpu.memory_space<hbm>> -> memref<128x128xf32, #tpu.memory_space<hbm>>
        %dma_wait3A_50 = arith.constant 0 : i32
        %dma_wait3A_51 = arith.constant 0 : i32
        %dma_wait3A_52 = tpu.memref_slice %arg5[%arg0, %dma_wait3A_50, %dma_wait3A_51] : memref<2x10240x128xf32, #tpu.memory_space<hbm>> -> memref<1x10240x128xf32, #tpu.memory_space<hbm>>
        %dma_wait3A_53 = tpu.memref_squeeze %dma_wait3A_52 : memref<1x10240x128xf32, #tpu.memory_space<hbm>> -> memref<10240x128xf32, #tpu.memory_space<hbm>>
        %dma_wait3A_54 = arith.constant 0 : i32
        %dma_wait3A_55 = tpu.memref_slice %dma_wait3A_53[%add3A_32, %dma_wait3A_54] : memref<10240x128xf32, #tpu.memory_space<hbm>> -> memref<128x128xf32, #tpu.memory_space<hbm>>
        tpu.wait_dma2 semaphore(%run_scoped3A : memref<!tpu.dma_semaphore, #tpu.memory_space<semaphore_mem>>) src(%arg10 : memref<128x128xf32, #tpu.memory_space<vmem>>) dst(%dma_wait3A_55 : memref<128x128xf32, #tpu.memory_space<hbm>>)
        tpu.yield
      }) : () -> ()
      %scan3A_33 = arith.constant 0 : i32
      scf.yield %scan3A_33 : i32
    }
    %scan3A_27 = arith.constant 5 : i32
    return
  }
}

#map = affine_map<(d0, d1) -> (0, 0)>
#map1 = affine_map<(d0, d1) -> (0)>
#map2 = affine_map<(d0, d1) -> (0, 0, 0)>
module attributes {stable_mosaic.version = 14 : i64} {
  func.func @body(%arg0: i32, %arg1: i32, %arg2: memref<10240x128xf32, #tpu.memory_space<hbm>>, %arg3: memref<323584xi32, #tpu.memory_space<hbm>>, %arg4: memref<323584xi32, #tpu.memory_space<hbm>>, %arg5: memref<128x128xf32, #tpu.memory_space<hbm>>, %arg6: memref<2x10240x128xf32, #tpu.memory_space<hbm>>, %arg7: memref<10240x128xf32, #tpu.memory_space<vmem_shared>>, %arg8: memref<128xi32, #tpu.memory_space<vmem>>, %arg9: memref<128xi32, #tpu.memory_space<vmem>>, %arg10: memref<128x128xf32, #tpu.memory_space<vmem>>, %arg11: memref<128xi32, #tpu.memory_space<vmem>>, %arg12: memref<128xi32, #tpu.memory_space<vmem>>, %arg13: memref<128x128xf32, #tpu.memory_space<vmem>>, %arg14: memref<!tpu.dma_semaphore, #tpu.memory_space<semaphore_mem>>, %arg15: memref<!tpu.dma_semaphore, #tpu.memory_space<semaphore_mem>>, %arg16: memref<!tpu.dma_semaphore, #tpu.memory_space<semaphore_mem>>, %arg17: memref<!tpu.dma_semaphore, #tpu.memory_space<semaphore_mem>>) attributes {dimension_semantics = [#tpu.dimension_semantics<core_parallel>, #tpu.dimension_semantics<subcore_parallel>], iteration_bounds = array<i64: 2, 16>, scalar_prefetch = 0 : i64, scratch_operands = 11 : i64, tpu.core_type = #tpu.core_type<sc_vector_subcore>, window_params = [{transform_indices = #map}, {transform_indices = #map1}, {transform_indices = #map1}, {transform_indices = #map}, {transform_indices = #map2}]} {
    %mul3A = arith.constant 640 : i32
    %mul3A_0 = arith.muli %arg1, %mul3A : i32
    %scan3A = arith.constant 0 : i32
    %scan3A_1 = arith.constant 0 : i32
    %scan3A_2 = arith.constant 5 : i32
    %scan3A_3 = arith.addi %scan3A_1, %scan3A_2 : i32
    %scan3A_4 = arith.constant 1 : i32
    %scan3A_5 = scf.for %scan3A_38 = %scan3A_1 to %scan3A_3 step %scan3A_4 iter_args(%scan3A_39 = %scan3A) -> (i32)  : i32 {
      %mul3A_40 = arith.constant 128 : i32
      %mul3A_41 = arith.muli %scan3A_38, %mul3A_40 : i32
      %add3A_42 = arith.addi %mul3A_0, %mul3A_41 : i32
      %eq3A = arith.constant 0 : i32
      %eq3A_43 = arith.cmpi eq, %arg0, %eq3A : i32
      %convert_element_type3A = arith.extui %eq3A_43 : i1 to i32
      %cond3A = arith.constant 0 : i32
      %cond3A_44 = arith.cmpi ne, %convert_element_type3A, %cond3A : i32
      scf.if %cond3A_44 {
        "tpu.region"() ({
          %run_scoped3A = tpu.sem_alloc : memref<!tpu.dma_semaphore, #tpu.memory_space<semaphore_mem>>
          %dma_start3A_50 = arith.constant 0 : i32
          %dma_start3A_51 = tpu.memref_slice %arg2[%add3A_42, %dma_start3A_50] : memref<10240x128xf32, #tpu.memory_space<hbm>> -> memref<128x128xf32, #tpu.memory_space<hbm>>
          %dma_start3A_52 = arith.constant 0 : i32
          %dma_start3A_53 = tpu.memref_slice %arg2[%add3A_42, %dma_start3A_52] : memref<10240x128xf32, #tpu.memory_space<hbm>> -> memref<128x128xf32, #tpu.memory_space<hbm>>
          tpu.enqueue_dma source(%dma_start3A_53 : memref<128x128xf32, #tpu.memory_space<hbm>>) target(%arg13 : memref<128x128xf32, #tpu.memory_space<vmem>>) target_semaphore(%run_scoped3A : memref<!tpu.dma_semaphore, #tpu.memory_space<semaphore_mem>>)
          %dma_wait3A_54 = arith.constant 0 : i32
          %dma_wait3A_55 = tpu.memref_slice %arg2[%add3A_42, %dma_wait3A_54] : memref<10240x128xf32, #tpu.memory_space<hbm>> -> memref<128x128xf32, #tpu.memory_space<hbm>>
          %dma_wait3A_56 = arith.constant 0 : i32
          %dma_wait3A_57 = tpu.memref_slice %arg2[%add3A_42, %dma_wait3A_56] : memref<10240x128xf32, #tpu.memory_space<hbm>> -> memref<128x128xf32, #tpu.memory_space<hbm>>
          tpu.wait_dma2 semaphore(%run_scoped3A : memref<!tpu.dma_semaphore, #tpu.memory_space<semaphore_mem>>) src(%dma_wait3A_57 : memref<128x128xf32, #tpu.memory_space<hbm>>) dst(%arg13 : memref<128x128xf32, #tpu.memory_space<vmem>>)
          tpu.yield
        }) : () -> ()
      } else {
      }
      %ne3A = arith.constant 0 : i32
      %ne3A_45 = arith.cmpi ne, %arg0, %ne3A : i32
      %convert_element_type3A_46 = arith.extui %ne3A_45 : i1 to i32
      %cond3A_47 = arith.constant 0 : i32
      %cond3A_48 = arith.cmpi ne, %convert_element_type3A_46, %cond3A_47 : i32
      scf.if %cond3A_48 {
        "tpu.region"() ({
          %run_scoped3A = tpu.sem_alloc : memref<!tpu.dma_semaphore, #tpu.memory_space<semaphore_mem>>
          tpu.enqueue_dma source(%arg5 : memref<128x128xf32, #tpu.memory_space<hbm>>) target(%arg13 : memref<128x128xf32, #tpu.memory_space<vmem>>) target_semaphore(%run_scoped3A : memref<!tpu.dma_semaphore, #tpu.memory_space<semaphore_mem>>)
          tpu.wait_dma2 semaphore(%run_scoped3A : memref<!tpu.dma_semaphore, #tpu.memory_space<semaphore_mem>>) src(%arg5 : memref<128x128xf32, #tpu.memory_space<hbm>>) dst(%arg13 : memref<128x128xf32, #tpu.memory_space<vmem>>)
          tpu.yield
        }) : () -> ()
      } else {
      }
      "tpu.region"() ({
        %run_scoped3A = tpu.sem_alloc : memref<!tpu.dma_semaphore, #tpu.memory_space<semaphore_mem>>
        %dma_start3A_50 = arith.constant 0 : i32
        %dma_start3A_51 = tpu.memref_slice %arg7[%add3A_42, %dma_start3A_50] : memref<10240x128xf32, #tpu.memory_space<vmem_shared>> -> memref<128x128xf32, #tpu.memory_space<vmem_shared>>
        %dma_start3A_52 = arith.constant 0 : i32
        %dma_start3A_53 = tpu.memref_slice %arg7[%add3A_42, %dma_start3A_52] : memref<10240x128xf32, #tpu.memory_space<vmem_shared>> -> memref<128x128xf32, #tpu.memory_space<vmem_shared>>
        tpu.enqueue_dma source(%arg13 : memref<128x128xf32, #tpu.memory_space<vmem>>) target(%dma_start3A_53 : memref<128x128xf32, #tpu.memory_space<vmem_shared>>) target_semaphore(%run_scoped3A : memref<!tpu.dma_semaphore, #tpu.memory_space<semaphore_mem>>)
        %dma_wait3A_54 = arith.constant 0 : i32
        %dma_wait3A_55 = tpu.memref_slice %arg7[%add3A_42, %dma_wait3A_54] : memref<10240x128xf32, #tpu.memory_space<vmem_shared>> -> memref<128x128xf32, #tpu.memory_space<vmem_shared>>
        %dma_wait3A_56 = arith.constant 0 : i32
        %dma_wait3A_57 = tpu.memref_slice %arg7[%add3A_42, %dma_wait3A_56] : memref<10240x128xf32, #tpu.memory_space<vmem_shared>> -> memref<128x128xf32, #tpu.memory_space<vmem_shared>>
        tpu.wait_dma2 semaphore(%run_scoped3A : memref<!tpu.dma_semaphore, #tpu.memory_space<semaphore_mem>>) src(%arg13 : memref<128x128xf32, #tpu.memory_space<vmem>>) dst(%dma_wait3A_57 : memref<128x128xf32, #tpu.memory_space<vmem_shared>>)
        tpu.yield
      }) : () -> ()
      %scan3A_49 = arith.constant 0 : i32
      scf.yield %scan3A_49 : i32
    }
    %scan3A_6 = arith.constant 5 : i32
    %barrier3A = arith.constant 0 : index
    tpu.barrier barrier_id(%barrier3A)
    %mul3A_7 = arith.constant 16 : i32
    %mul3A_8 = arith.muli %arg0, %mul3A_7 : i32
    %add3A = arith.addi %mul3A_8, %arg1 : i32
    %mul3A_9 = arith.constant 10112 : i32
    %mul3A_10 = arith.muli %add3A, %mul3A_9 : i32
    %scan3A_11 = arith.constant 0 : i32
    %scan3A_12 = arith.constant 0 : i32
    %scan3A_13 = arith.constant 39 : i32
    %scan3A_14 = arith.addi %scan3A_12, %scan3A_13 : i32
    %scan3A_15 = arith.constant 1 : i32
    %scan3A_16 = scf.for %scan3A_38 = %scan3A_12 to %scan3A_14 step %scan3A_15 iter_args(%scan3A_39 = %scan3A_11) -> (i32)  : i32 {
      %mul3A_40 = arith.constant 2 : i32
      %mul3A_41 = arith.muli %scan3A_38, %mul3A_40 : i32
      %mul3A_42 = arith.constant 128 : i32
      %mul3A_43 = arith.muli %mul3A_41, %mul3A_42 : i32
      %add3A_44 = arith.addi %mul3A_10, %mul3A_43 : i32
      %dma_start3A_45 = tpu.memref_slice %arg3[%add3A_44] : memref<323584xi32, #tpu.memory_space<hbm>> -> memref<128xi32, #tpu.memory_space<hbm>>
      %dma_start3A_46 = tpu.memref_slice %arg3[%add3A_44] : memref<323584xi32, #tpu.memory_space<hbm>> -> memref<128xi32, #tpu.memory_space<hbm>>
      tpu.enqueue_dma source(%dma_start3A_46 : memref<128xi32, #tpu.memory_space<hbm>>) target(%arg8 : memref<128xi32, #tpu.memory_space<vmem>>) target_semaphore(%arg14 : memref<!tpu.dma_semaphore, #tpu.memory_space<semaphore_mem>>)
      %dma_start3A_47 = tpu.memref_slice %arg4[%add3A_44] : memref<323584xi32, #tpu.memory_space<hbm>> -> memref<128xi32, #tpu.memory_space<hbm>>
      %dma_start3A_48 = tpu.memref_slice %arg4[%add3A_44] : memref<323584xi32, #tpu.memory_space<hbm>> -> memref<128xi32, #tpu.memory_space<hbm>>
      tpu.enqueue_dma source(%dma_start3A_48 : memref<128xi32, #tpu.memory_space<hbm>>) target(%arg9 : memref<128xi32, #tpu.memory_space<vmem>>) target_semaphore(%arg15 : memref<!tpu.dma_semaphore, #tpu.memory_space<semaphore_mem>>)
      %add3A_49 = arith.constant 128 : i32
      %add3A_50 = arith.addi %add3A_44, %add3A_49 : i32
      %dma_start3A_51 = tpu.memref_slice %arg3[%add3A_50] : memref<323584xi32, #tpu.memory_space<hbm>> -> memref<128xi32, #tpu.memory_space<hbm>>
      %dma_start3A_52 = tpu.memref_slice %arg3[%add3A_50] : memref<323584xi32, #tpu.memory_space<hbm>> -> memref<128xi32, #tpu.memory_space<hbm>>
      tpu.enqueue_dma source(%dma_start3A_52 : memref<128xi32, #tpu.memory_space<hbm>>) target(%arg11 : memref<128xi32, #tpu.memory_space<vmem>>) target_semaphore(%arg16 : memref<!tpu.dma_semaphore, #tpu.memory_space<semaphore_mem>>)
      %add3A_53 = arith.constant 128 : i32
      %add3A_54 = arith.addi %add3A_44, %add3A_53 : i32
      %dma_start3A_55 = tpu.memref_slice %arg4[%add3A_54] : memref<323584xi32, #tpu.memory_space<hbm>> -> memref<128xi32, #tpu.memory_space<hbm>>
      %dma_start3A_56 = tpu.memref_slice %arg4[%add3A_54] : memref<323584xi32, #tpu.memory_space<hbm>> -> memref<128xi32, #tpu.memory_space<hbm>>
      tpu.enqueue_dma source(%dma_start3A_56 : memref<128xi32, #tpu.memory_space<hbm>>) target(%arg12 : memref<128xi32, #tpu.memory_space<vmem>>) target_semaphore(%arg17 : memref<!tpu.dma_semaphore, #tpu.memory_space<semaphore_mem>>)
      %dma_wait3A_57 = tpu.memref_slice %arg3[%add3A_44] : memref<323584xi32, #tpu.memory_space<hbm>> -> memref<128xi32, #tpu.memory_space<hbm>>
      %dma_wait3A_58 = tpu.memref_slice %arg3[%add3A_44] : memref<323584xi32, #tpu.memory_space<hbm>> -> memref<128xi32, #tpu.memory_space<hbm>>
      tpu.wait_dma2 semaphore(%arg14 : memref<!tpu.dma_semaphore, #tpu.memory_space<semaphore_mem>>) src(%dma_wait3A_58 : memref<128xi32, #tpu.memory_space<hbm>>) dst(%arg8 : memref<128xi32, #tpu.memory_space<vmem>>)
      %dma_wait3A_59 = tpu.memref_slice %arg4[%add3A_44] : memref<323584xi32, #tpu.memory_space<hbm>> -> memref<128xi32, #tpu.memory_space<hbm>>
      %dma_wait3A_60 = tpu.memref_slice %arg4[%add3A_44] : memref<323584xi32, #tpu.memory_space<hbm>> -> memref<128xi32, #tpu.memory_space<hbm>>
      tpu.wait_dma2 semaphore(%arg15 : memref<!tpu.dma_semaphore, #tpu.memory_space<semaphore_mem>>) src(%dma_wait3A_60 : memref<128xi32, #tpu.memory_space<hbm>>) dst(%arg9 : memref<128xi32, #tpu.memory_space<vmem>>)
      %dma_wait3A_61 = tpu.memref_slice %arg3[%add3A_50] : memref<323584xi32, #tpu.memory_space<hbm>> -> memref<128xi32, #tpu.memory_space<hbm>>
      %dma_wait3A_62 = tpu.memref_slice %arg3[%add3A_50] : memref<323584xi32, #tpu.memory_space<hbm>> -> memref<128xi32, #tpu.memory_space<hbm>>
      tpu.wait_dma2 semaphore(%arg16 : memref<!tpu.dma_semaphore, #tpu.memory_space<semaphore_mem>>) src(%dma_wait3A_62 : memref<128xi32, #tpu.memory_space<hbm>>) dst(%arg11 : memref<128xi32, #tpu.memory_space<vmem>>)
      %dma_wait3A_63 = tpu.memref_slice %arg4[%add3A_54] : memref<323584xi32, #tpu.memory_space<hbm>> -> memref<128xi32, #tpu.memory_space<hbm>>
      %dma_wait3A_64 = tpu.memref_slice %arg4[%add3A_54] : memref<323584xi32, #tpu.memory_space<hbm>> -> memref<128xi32, #tpu.memory_space<hbm>>
      tpu.wait_dma2 semaphore(%arg17 : memref<!tpu.dma_semaphore, #tpu.memory_space<semaphore_mem>>) src(%dma_wait3A_64 : memref<128xi32, #tpu.memory_space<hbm>>) dst(%arg12 : memref<128xi32, #tpu.memory_space<vmem>>)
      %dma_start3A_65 = arith.constant 0 : i32
      %dma_start3A_66 = arith.constant 0 : i32
      %dma_start3A_67 = tpu.memref_slice %arg2[%dma_start3A_65, %dma_start3A_66] : memref<10240x128xf32, #tpu.memory_space<hbm>> -> memref<10240x128xf32, #tpu.memory_space<hbm>>
      tpu.enqueue_indirect_dma source(%dma_start3A_67 : memref<10240x128xf32, #tpu.memory_space<hbm>>) target(%arg10 : memref<128x128xf32, #tpu.memory_space<vmem>>) offsets(%arg8 : memref<128xi32, #tpu.memory_space<vmem>>) semaphore(%arg14 : memref<!tpu.dma_semaphore, #tpu.memory_space<semaphore_mem>>)
      %dma_start3A_68 = arith.constant 0 : i32
      %dma_start3A_69 = arith.constant 0 : i32
      %dma_start3A_70 = tpu.memref_slice %arg2[%dma_start3A_68, %dma_start3A_69] : memref<10240x128xf32, #tpu.memory_space<hbm>> -> memref<10240x128xf32, #tpu.memory_space<hbm>>
      tpu.enqueue_indirect_dma source(%dma_start3A_70 : memref<10240x128xf32, #tpu.memory_space<hbm>>) target(%arg13 : memref<128x128xf32, #tpu.memory_space<vmem>>) offsets(%arg11 : memref<128xi32, #tpu.memory_space<vmem>>) semaphore(%arg15 : memref<!tpu.dma_semaphore, #tpu.memory_space<semaphore_mem>>)
      %dma_wait3A_71 = arith.constant 0 : i32
      %dma_wait3A_72 = arith.constant 0 : i32
      %dma_wait3A_73 = tpu.memref_slice %arg2[%dma_wait3A_71, %dma_wait3A_72] : memref<10240x128xf32, #tpu.memory_space<hbm>> -> memref<10240x128xf32, #tpu.memory_space<hbm>>
      tpu.wait_indirect_dma semaphore(%arg14 : memref<!tpu.dma_semaphore, #tpu.memory_space<semaphore_mem>>) src(%dma_wait3A_73 : memref<10240x128xf32, #tpu.memory_space<hbm>>) dst(%arg10 : memref<128x128xf32, #tpu.memory_space<vmem>>)
      %dma_start3A_74 = arith.constant 0 : i32
      %dma_start3A_75 = arith.constant 0 : i32
      %dma_start3A_76 = tpu.memref_slice %arg7[%dma_start3A_74, %dma_start3A_75] : memref<10240x128xf32, #tpu.memory_space<vmem_shared>> -> memref<10240x128xf32, #tpu.memory_space<vmem_shared>>
      tpu.enqueue_indirect_dma source(%arg10 : memref<128x128xf32, #tpu.memory_space<vmem>>) target(%dma_start3A_76 : memref<10240x128xf32, #tpu.memory_space<vmem_shared>>) offsets(%arg9 : memref<128xi32, #tpu.memory_space<vmem>>) semaphore(%arg16 : memref<!tpu.dma_semaphore, #tpu.memory_space<semaphore_mem>>) {add = true}
      %dma_wait3A_77 = arith.constant 0 : i32
      %dma_wait3A_78 = arith.constant 0 : i32
      %dma_wait3A_79 = tpu.memref_slice %arg2[%dma_wait3A_77, %dma_wait3A_78] : memref<10240x128xf32, #tpu.memory_space<hbm>> -> memref<10240x128xf32, #tpu.memory_space<hbm>>
      tpu.wait_indirect_dma semaphore(%arg15 : memref<!tpu.dma_semaphore, #tpu.memory_space<semaphore_mem>>) src(%dma_wait3A_79 : memref<10240x128xf32, #tpu.memory_space<hbm>>) dst(%arg13 : memref<128x128xf32, #tpu.memory_space<vmem>>)
      %dma_start3A_80 = arith.constant 0 : i32
      %dma_start3A_81 = arith.constant 0 : i32
      %dma_start3A_82 = tpu.memref_slice %arg7[%dma_start3A_80, %dma_start3A_81] : memref<10240x128xf32, #tpu.memory_space<vmem_shared>> -> memref<10240x128xf32, #tpu.memory_space<vmem_shared>>
      tpu.enqueue_indirect_dma source(%arg13 : memref<128x128xf32, #tpu.memory_space<vmem>>) target(%dma_start3A_82 : memref<10240x128xf32, #tpu.memory_space<vmem_shared>>) offsets(%arg12 : memref<128xi32, #tpu.memory_space<vmem>>) semaphore(%arg17 : memref<!tpu.dma_semaphore, #tpu.memory_space<semaphore_mem>>) {add = true}
      %dma_wait3A_83 = arith.constant 0 : i32
      %dma_wait3A_84 = arith.constant 0 : i32
      %dma_wait3A_85 = tpu.memref_slice %arg7[%dma_wait3A_83, %dma_wait3A_84] : memref<10240x128xf32, #tpu.memory_space<vmem_shared>> -> memref<10240x128xf32, #tpu.memory_space<vmem_shared>>
      tpu.wait_indirect_dma semaphore(%arg16 : memref<!tpu.dma_semaphore, #tpu.memory_space<semaphore_mem>>) src(%arg10 : memref<128x128xf32, #tpu.memory_space<vmem>>) dst(%dma_wait3A_85 : memref<10240x128xf32, #tpu.memory_space<vmem_shared>>)
      %dma_wait3A_86 = arith.constant 0 : i32
      %dma_wait3A_87 = arith.constant 0 : i32
      %dma_wait3A_88 = tpu.memref_slice %arg7[%dma_wait3A_86, %dma_wait3A_87] : memref<10240x128xf32, #tpu.memory_space<vmem_shared>> -> memref<10240x128xf32, #tpu.memory_space<vmem_shared>>
      tpu.wait_indirect_dma semaphore(%arg17 : memref<!tpu.dma_semaphore, #tpu.memory_space<semaphore_mem>>) src(%arg13 : memref<128x128xf32, #tpu.memory_space<vmem>>) dst(%dma_wait3A_88 : memref<10240x128xf32, #tpu.memory_space<vmem_shared>>)
      %scan3A_89 = arith.constant 0 : i32
      scf.yield %scan3A_89 : i32
    }
    %scan3A_17 = arith.constant 39 : i32
    %add3A_18 = arith.constant 9984 : i32
    %add3A_19 = arith.addi %mul3A_10, %add3A_18 : i32
    "tpu.region"() ({
      %run_scoped3A = tpu.sem_alloc : memref<!tpu.dma_semaphore, #tpu.memory_space<semaphore_mem>>
      %dma_start3A_38 = tpu.memref_slice %arg3[%add3A_19] : memref<323584xi32, #tpu.memory_space<hbm>> -> memref<128xi32, #tpu.memory_space<hbm>>
      %dma_start3A_39 = tpu.memref_slice %arg3[%add3A_19] : memref<323584xi32, #tpu.memory_space<hbm>> -> memref<128xi32, #tpu.memory_space<hbm>>
      tpu.enqueue_dma source(%dma_start3A_39 : memref<128xi32, #tpu.memory_space<hbm>>) target(%arg8 : memref<128xi32, #tpu.memory_space<vmem>>) target_semaphore(%run_scoped3A : memref<!tpu.dma_semaphore, #tpu.memory_space<semaphore_mem>>)
      %dma_wait3A_40 = tpu.memref_slice %arg3[%add3A_19] : memref<323584xi32, #tpu.memory_space<hbm>> -> memref<128xi32, #tpu.memory_space<hbm>>
      %dma_wait3A_41 = tpu.memref_slice %arg3[%add3A_19] : memref<323584xi32, #tpu.memory_space<hbm>> -> memref<128xi32, #tpu.memory_space<hbm>>
      tpu.wait_dma2 semaphore(%run_scoped3A : memref<!tpu.dma_semaphore, #tpu.memory_space<semaphore_mem>>) src(%dma_wait3A_41 : memref<128xi32, #tpu.memory_space<hbm>>) dst(%arg8 : memref<128xi32, #tpu.memory_space<vmem>>)
      tpu.yield
    }) : () -> ()
    "tpu.region"() ({
      %run_scoped3A = tpu.sem_alloc : memref<!tpu.dma_semaphore, #tpu.memory_space<semaphore_mem>>
      %dma_start3A_38 = tpu.memref_slice %arg4[%add3A_19] : memref<323584xi32, #tpu.memory_space<hbm>> -> memref<128xi32, #tpu.memory_space<hbm>>
      %dma_start3A_39 = tpu.memref_slice %arg4[%add3A_19] : memref<323584xi32, #tpu.memory_space<hbm>> -> memref<128xi32, #tpu.memory_space<hbm>>
      tpu.enqueue_dma source(%dma_start3A_39 : memref<128xi32, #tpu.memory_space<hbm>>) target(%arg9 : memref<128xi32, #tpu.memory_space<vmem>>) target_semaphore(%run_scoped3A : memref<!tpu.dma_semaphore, #tpu.memory_space<semaphore_mem>>)
      %dma_wait3A_40 = tpu.memref_slice %arg4[%add3A_19] : memref<323584xi32, #tpu.memory_space<hbm>> -> memref<128xi32, #tpu.memory_space<hbm>>
      %dma_wait3A_41 = tpu.memref_slice %arg4[%add3A_19] : memref<323584xi32, #tpu.memory_space<hbm>> -> memref<128xi32, #tpu.memory_space<hbm>>
      tpu.wait_dma2 semaphore(%run_scoped3A : memref<!tpu.dma_semaphore, #tpu.memory_space<semaphore_mem>>) src(%dma_wait3A_41 : memref<128xi32, #tpu.memory_space<hbm>>) dst(%arg9 : memref<128xi32, #tpu.memory_space<vmem>>)
      tpu.yield
    }) : () -> ()
    %dma_start3A = arith.constant 0 : i32
    %dma_start3A_20 = arith.constant 0 : i32
    %dma_start3A_21 = tpu.memref_slice %arg2[%dma_start3A, %dma_start3A_20] : memref<10240x128xf32, #tpu.memory_space<hbm>> -> memref<10240x128xf32, #tpu.memory_space<hbm>>
    tpu.enqueue_indirect_dma source(%dma_start3A_21 : memref<10240x128xf32, #tpu.memory_space<hbm>>) target(%arg10 : memref<128x128xf32, #tpu.memory_space<vmem>>) offsets(%arg8 : memref<128xi32, #tpu.memory_space<vmem>>) semaphore(%arg14 : memref<!tpu.dma_semaphore, #tpu.memory_space<semaphore_mem>>)
    %dma_wait3A = arith.constant 0 : i32
    %dma_wait3A_22 = arith.constant 0 : i32
    %dma_wait3A_23 = tpu.memref_slice %arg2[%dma_wait3A, %dma_wait3A_22] : memref<10240x128xf32, #tpu.memory_space<hbm>> -> memref<10240x128xf32, #tpu.memory_space<hbm>>
    tpu.wait_indirect_dma semaphore(%arg14 : memref<!tpu.dma_semaphore, #tpu.memory_space<semaphore_mem>>) src(%dma_wait3A_23 : memref<10240x128xf32, #tpu.memory_space<hbm>>) dst(%arg10 : memref<128x128xf32, #tpu.memory_space<vmem>>)
    %dma_start3A_24 = arith.constant 0 : i32
    %dma_start3A_25 = arith.constant 0 : i32
    %dma_start3A_26 = tpu.memref_slice %arg7[%dma_start3A_24, %dma_start3A_25] : memref<10240x128xf32, #tpu.memory_space<vmem_shared>> -> memref<10240x128xf32, #tpu.memory_space<vmem_shared>>
    tpu.enqueue_indirect_dma source(%arg10 : memref<128x128xf32, #tpu.memory_space<vmem>>) target(%dma_start3A_26 : memref<10240x128xf32, #tpu.memory_space<vmem_shared>>) offsets(%arg9 : memref<128xi32, #tpu.memory_space<vmem>>) semaphore(%arg16 : memref<!tpu.dma_semaphore, #tpu.memory_space<semaphore_mem>>) {add = true}
    %dma_wait3A_27 = arith.constant 0 : i32
    %dma_wait3A_28 = arith.constant 0 : i32
    %dma_wait3A_29 = tpu.memref_slice %arg7[%dma_wait3A_27, %dma_wait3A_28] : memref<10240x128xf32, #tpu.memory_space<vmem_shared>> -> memref<10240x128xf32, #tpu.memory_space<vmem_shared>>
    tpu.wait_indirect_dma semaphore(%arg16 : memref<!tpu.dma_semaphore, #tpu.memory_space<semaphore_mem>>) src(%arg10 : memref<128x128xf32, #tpu.memory_space<vmem>>) dst(%dma_wait3A_29 : memref<10240x128xf32, #tpu.memory_space<vmem_shared>>)
    %barrier3A_30 = arith.constant 0 : index
    tpu.barrier barrier_id(%barrier3A_30)
    %scan3A_31 = arith.constant 0 : i32
    %scan3A_32 = arith.constant 0 : i32
    %scan3A_33 = arith.constant 5 : i32
    %scan3A_34 = arith.addi %scan3A_32, %scan3A_33 : i32
    %scan3A_35 = arith.constant 1 : i32
    %scan3A_36 = scf.for %scan3A_38 = %scan3A_32 to %scan3A_34 step %scan3A_35 iter_args(%scan3A_39 = %scan3A_31) -> (i32)  : i32 {
      %mul3A_40 = arith.constant 128 : i32
      %mul3A_41 = arith.muli %scan3A_38, %mul3A_40 : i32
      %add3A_42 = arith.addi %mul3A_0, %mul3A_41 : i32
      "tpu.region"() ({
        %run_scoped3A = tpu.sem_alloc : memref<!tpu.dma_semaphore, #tpu.memory_space<semaphore_mem>>
        %dma_start3A_44 = arith.constant 0 : i32
        %dma_start3A_45 = tpu.memref_slice %arg7[%add3A_42, %dma_start3A_44] : memref<10240x128xf32, #tpu.memory_space<vmem_shared>> -> memref<128x128xf32, #tpu.memory_space<vmem_shared>>
        %dma_start3A_46 = arith.constant 0 : i32
        %dma_start3A_47 = tpu.memref_slice %arg7[%add3A_42, %dma_start3A_46] : memref<10240x128xf32, #tpu.memory_space<vmem_shared>> -> memref<128x128xf32, #tpu.memory_space<vmem_shared>>
        tpu.enqueue_dma source(%dma_start3A_47 : memref<128x128xf32, #tpu.memory_space<vmem_shared>>) target(%arg13 : memref<128x128xf32, #tpu.memory_space<vmem>>) target_semaphore(%run_scoped3A : memref<!tpu.dma_semaphore, #tpu.memory_space<semaphore_mem>>)
        %dma_wait3A_48 = arith.constant 0 : i32
        %dma_wait3A_49 = tpu.memref_slice %arg7[%add3A_42, %dma_wait3A_48] : memref<10240x128xf32, #tpu.memory_space<vmem_shared>> -> memref<128x128xf32, #tpu.memory_space<vmem_shared>>
        %dma_wait3A_50 = arith.constant 0 : i32
        %dma_wait3A_51 = tpu.memref_slice %arg7[%add3A_42, %dma_wait3A_50] : memref<10240x128xf32, #tpu.memory_space<vmem_shared>> -> memref<128x128xf32, #tpu.memory_space<vmem_shared>>
        tpu.wait_dma2 semaphore(%run_scoped3A : memref<!tpu.dma_semaphore, #tpu.memory_space<semaphore_mem>>) src(%dma_wait3A_51 : memref<128x128xf32, #tpu.memory_space<vmem_shared>>) dst(%arg13 : memref<128x128xf32, #tpu.memory_space<vmem>>)
        tpu.yield
      }) : () -> ()
      "tpu.region"() ({
        %run_scoped3A = tpu.sem_alloc : memref<!tpu.dma_semaphore, #tpu.memory_space<semaphore_mem>>
        %dma_start3A_44 = arith.constant 0 : i32
        %dma_start3A_45 = arith.constant 0 : i32
        %dma_start3A_46 = tpu.memref_slice %arg6[%arg0, %dma_start3A_44, %dma_start3A_45] : memref<2x10240x128xf32, #tpu.memory_space<hbm>> -> memref<1x10240x128xf32, #tpu.memory_space<hbm>>
        %dma_start3A_47 = tpu.memref_squeeze %dma_start3A_46 : memref<1x10240x128xf32, #tpu.memory_space<hbm>> -> memref<10240x128xf32, #tpu.memory_space<hbm>>
        %dma_start3A_48 = arith.constant 0 : i32
        %dma_start3A_49 = tpu.memref_slice %dma_start3A_47[%add3A_42, %dma_start3A_48] : memref<10240x128xf32, #tpu.memory_space<hbm>> -> memref<128x128xf32, #tpu.memory_space<hbm>>
        %dma_start3A_50 = arith.constant 0 : i32
        %dma_start3A_51 = arith.constant 0 : i32
        %dma_start3A_52 = tpu.memref_slice %arg6[%arg0, %dma_start3A_50, %dma_start3A_51] : memref<2x10240x128xf32, #tpu.memory_space<hbm>> -> memref<1x10240x128xf32, #tpu.memory_space<hbm>>
        %dma_start3A_53 = tpu.memref_squeeze %dma_start3A_52 : memref<1x10240x128xf32, #tpu.memory_space<hbm>> -> memref<10240x128xf32, #tpu.memory_space<hbm>>
        %dma_start3A_54 = arith.constant 0 : i32
        %dma_start3A_55 = tpu.memref_slice %dma_start3A_53[%add3A_42, %dma_start3A_54] : memref<10240x128xf32, #tpu.memory_space<hbm>> -> memref<128x128xf32, #tpu.memory_space<hbm>>
        tpu.enqueue_dma source(%arg13 : memref<128x128xf32, #tpu.memory_space<vmem>>) target(%dma_start3A_55 : memref<128x128xf32, #tpu.memory_space<hbm>>) target_semaphore(%run_scoped3A : memref<!tpu.dma_semaphore, #tpu.memory_space<semaphore_mem>>)
        %dma_wait3A_56 = arith.constant 0 : i32
        %dma_wait3A_57 = arith.constant 0 : i32
        %dma_wait3A_58 = tpu.memref_slice %arg6[%arg0, %dma_wait3A_56, %dma_wait3A_57] : memref<2x10240x128xf32, #tpu.memory_space<hbm>> -> memref<1x10240x128xf32, #tpu.memory_space<hbm>>
        %dma_wait3A_59 = tpu.memref_squeeze %dma_wait3A_58 : memref<1x10240x128xf32, #tpu.memory_space<hbm>> -> memref<10240x128xf32, #tpu.memory_space<hbm>>
        %dma_wait3A_60 = arith.constant 0 : i32
        %dma_wait3A_61 = tpu.memref_slice %dma_wait3A_59[%add3A_42, %dma_wait3A_60] : memref<10240x128xf32, #tpu.memory_space<hbm>> -> memref<128x128xf32, #tpu.memory_space<hbm>>
        %dma_wait3A_62 = arith.constant 0 : i32
        %dma_wait3A_63 = arith.constant 0 : i32
        %dma_wait3A_64 = tpu.memref_slice %arg6[%arg0, %dma_wait3A_62, %dma_wait3A_63] : memref<2x10240x128xf32, #tpu.memory_space<hbm>> -> memref<1x10240x128xf32, #tpu.memory_space<hbm>>
        %dma_wait3A_65 = tpu.memref_squeeze %dma_wait3A_64 : memref<1x10240x128xf32, #tpu.memory_space<hbm>> -> memref<10240x128xf32, #tpu.memory_space<hbm>>
        %dma_wait3A_66 = arith.constant 0 : i32
        %dma_wait3A_67 = tpu.memref_slice %dma_wait3A_65[%add3A_42, %dma_wait3A_66] : memref<10240x128xf32, #tpu.memory_space<hbm>> -> memref<128x128xf32, #tpu.memory_space<hbm>>
        tpu.wait_dma2 semaphore(%run_scoped3A : memref<!tpu.dma_semaphore, #tpu.memory_space<semaphore_mem>>) src(%arg13 : memref<128x128xf32, #tpu.memory_space<vmem>>) dst(%dma_wait3A_67 : memref<128x128xf32, #tpu.memory_space<hbm>>)
        tpu.yield
      }) : () -> ()
      %scan3A_43 = arith.constant 0 : i32
      scf.yield %scan3A_43 : i32
    }
    %scan3A_37 = arith.constant 5 : i32
    return
  }
}

#map = affine_map<(d0, d1) -> (0, 0, 0)>
#map1 = affine_map<(d0, d1) -> (0)>
#map2 = affine_map<(d0, d1) -> (0, 0)>
module attributes {stable_mosaic.version = 14 : i64} {
  func.func @body(%arg0: i32, %arg1: i32, %arg2: memref<2x10240x128xf32, #tpu.memory_space<hbm>>, %arg3: memref<323584xi32, #tpu.memory_space<hbm>>, %arg4: memref<323584xi32, #tpu.memory_space<hbm>>, %arg5: memref<128x128xf32, #tpu.memory_space<hbm>>, %arg6: memref<2x10240x128xf32, #tpu.memory_space<hbm>>, %arg7: memref<10240x128xf32, #tpu.memory_space<vmem_shared>>, %arg8: memref<128xi32, #tpu.memory_space<vmem>>, %arg9: memref<128xi32, #tpu.memory_space<vmem>>, %arg10: memref<128x128xf32, #tpu.memory_space<vmem>>, %arg11: memref<128xi32, #tpu.memory_space<vmem>>, %arg12: memref<128xi32, #tpu.memory_space<vmem>>, %arg13: memref<128x128xf32, #tpu.memory_space<vmem>>, %arg14: memref<!tpu.dma_semaphore, #tpu.memory_space<semaphore_mem>>, %arg15: memref<!tpu.dma_semaphore, #tpu.memory_space<semaphore_mem>>, %arg16: memref<!tpu.dma_semaphore, #tpu.memory_space<semaphore_mem>>, %arg17: memref<!tpu.dma_semaphore, #tpu.memory_space<semaphore_mem>>) attributes {dimension_semantics = [#tpu.dimension_semantics<core_parallel>, #tpu.dimension_semantics<subcore_parallel>], iteration_bounds = array<i64: 2, 16>, scalar_prefetch = 0 : i64, scratch_operands = 11 : i64, tpu.core_type = #tpu.core_type<sc_vector_subcore>, window_params = [{transform_indices = #map}, {transform_indices = #map1}, {transform_indices = #map1}, {transform_indices = #map2}, {transform_indices = #map}]} {
    %mul3A = arith.constant 640 : i32
    %mul3A_0 = arith.muli %arg1, %mul3A : i32
    %scan3A = arith.constant 0 : i32
    %scan3A_1 = arith.constant 0 : i32
    %scan3A_2 = arith.constant 5 : i32
    %scan3A_3 = arith.addi %scan3A_1, %scan3A_2 : i32
    %scan3A_4 = arith.constant 1 : i32
    %scan3A_5 = scf.for %scan3A_24 = %scan3A_1 to %scan3A_3 step %scan3A_4 iter_args(%scan3A_25 = %scan3A) -> (i32)  : i32 {
      %mul3A_26 = arith.constant 128 : i32
      %mul3A_27 = arith.muli %scan3A_24, %mul3A_26 : i32
      %add3A = arith.addi %mul3A_0, %mul3A_27 : i32
      "tpu.region"() ({
        %run_scoped3A = tpu.sem_alloc : memref<!tpu.dma_semaphore, #tpu.memory_space<semaphore_mem>>
        %dma_start3A = arith.constant 0 : i32
        %dma_start3A_29 = arith.constant 0 : i32
        %dma_start3A_30 = tpu.memref_slice %arg2[%arg0, %dma_start3A, %dma_start3A_29] : memref<2x10240x128xf32, #tpu.memory_space<hbm>> -> memref<1x10240x128xf32, #tpu.memory_space<hbm>>
        %dma_start3A_31 = tpu.memref_squeeze %dma_start3A_30 : memref<1x10240x128xf32, #tpu.memory_space<hbm>> -> memref<10240x128xf32, #tpu.memory_space<hbm>>
        %dma_start3A_32 = arith.constant 0 : i32
        %dma_start3A_33 = tpu.memref_slice %dma_start3A_31[%add3A, %dma_start3A_32] : memref<10240x128xf32, #tpu.memory_space<hbm>> -> memref<128x128xf32, #tpu.memory_space<hbm>>
        %dma_start3A_34 = arith.constant 0 : i32
        %dma_start3A_35 = arith.constant 0 : i32
        %dma_start3A_36 = tpu.memref_slice %arg2[%arg0, %dma_start3A_34, %dma_start3A_35] : memref<2x10240x128xf32, #tpu.memory_space<hbm>> -> memref<1x10240x128xf32, #tpu.memory_space<hbm>>
        %dma_start3A_37 = tpu.memref_squeeze %dma_start3A_36 : memref<1x10240x128xf32, #tpu.memory_space<hbm>> -> memref<10240x128xf32, #tpu.memory_space<hbm>>
        %dma_start3A_38 = arith.constant 0 : i32
        %dma_start3A_39 = tpu.memref_slice %dma_start3A_37[%add3A, %dma_start3A_38] : memref<10240x128xf32, #tpu.memory_space<hbm>> -> memref<128x128xf32, #tpu.memory_space<hbm>>
        tpu.enqueue_dma source(%dma_start3A_39 : memref<128x128xf32, #tpu.memory_space<hbm>>) target(%arg13 : memref<128x128xf32, #tpu.memory_space<vmem>>) target_semaphore(%run_scoped3A : memref<!tpu.dma_semaphore, #tpu.memory_space<semaphore_mem>>)
        %dma_wait3A = arith.constant 0 : i32
        %dma_wait3A_40 = arith.constant 0 : i32
        %dma_wait3A_41 = tpu.memref_slice %arg2[%arg0, %dma_wait3A, %dma_wait3A_40] : memref<2x10240x128xf32, #tpu.memory_space<hbm>> -> memref<1x10240x128xf32, #tpu.memory_space<hbm>>
        %dma_wait3A_42 = tpu.memref_squeeze %dma_wait3A_41 : memref<1x10240x128xf32, #tpu.memory_space<hbm>> -> memref<10240x128xf32, #tpu.memory_space<hbm>>
        %dma_wait3A_43 = arith.constant 0 : i32
        %dma_wait3A_44 = tpu.memref_slice %dma_wait3A_42[%add3A, %dma_wait3A_43] : memref<10240x128xf32, #tpu.memory_space<hbm>> -> memref<128x128xf32, #tpu.memory_space<hbm>>
        %dma_wait3A_45 = arith.constant 0 : i32
        %dma_wait3A_46 = arith.constant 0 : i32
        %dma_wait3A_47 = tpu.memref_slice %arg2[%arg0, %dma_wait3A_45, %dma_wait3A_46] : memref<2x10240x128xf32, #tpu.memory_space<hbm>> -> memref<1x10240x128xf32, #tpu.memory_space<hbm>>
        %dma_wait3A_48 = tpu.memref_squeeze %dma_wait3A_47 : memref<1x10240x128xf32, #tpu.memory_space<hbm>> -> memref<10240x128xf32, #tpu.memory_space<hbm>>
        %dma_wait3A_49 = arith.constant 0 : i32
        %dma_wait3A_50 = tpu.memref_slice %dma_wait3A_48[%add3A, %dma_wait3A_49] : memref<10240x128xf32, #tpu.memory_space<hbm>> -> memref<128x128xf32, #tpu.memory_space<hbm>>
        tpu.wait_dma2 semaphore(%run_scoped3A : memref<!tpu.dma_semaphore, #tpu.memory_space<semaphore_mem>>) src(%dma_wait3A_50 : memref<128x128xf32, #tpu.memory_space<hbm>>) dst(%arg13 : memref<128x128xf32, #tpu.memory_space<vmem>>)
        tpu.yield
      }) : () -> ()
      "tpu.region"() ({
        %run_scoped3A = tpu.sem_alloc : memref<!tpu.dma_semaphore, #tpu.memory_space<semaphore_mem>>
        %dma_start3A = arith.constant 0 : i32
        %dma_start3A_29 = tpu.memref_slice %arg7[%add3A, %dma_start3A] : memref<10240x128xf32, #tpu.memory_space<vmem_shared>> -> memref<128x128xf32, #tpu.memory_space<vmem_shared>>
        %dma_start3A_30 = arith.constant 0 : i32
        %dma_start3A_31 = tpu.memref_slice %arg7[%add3A, %dma_start3A_30] : memref<10240x128xf32, #tpu.memory_space<vmem_shared>> -> memref<128x128xf32, #tpu.memory_space<vmem_shared>>
        tpu.enqueue_dma source(%arg13 : memref<128x128xf32, #tpu.memory_space<vmem>>) target(%dma_start3A_31 : memref<128x128xf32, #tpu.memory_space<vmem_shared>>) target_semaphore(%run_scoped3A : memref<!tpu.dma_semaphore, #tpu.memory_space<semaphore_mem>>)
        %dma_wait3A = arith.constant 0 : i32
        %dma_wait3A_32 = tpu.memref_slice %arg7[%add3A, %dma_wait3A] : memref<10240x128xf32, #tpu.memory_space<vmem_shared>> -> memref<128x128xf32, #tpu.memory_space<vmem_shared>>
        %dma_wait3A_33 = arith.constant 0 : i32
        %dma_wait3A_34 = tpu.memref_slice %arg7[%add3A, %dma_wait3A_33] : memref<10240x128xf32, #tpu.memory_space<vmem_shared>> -> memref<128x128xf32, #tpu.memory_space<vmem_shared>>
        tpu.wait_dma2 semaphore(%run_scoped3A : memref<!tpu.dma_semaphore, #tpu.memory_space<semaphore_mem>>) src(%arg13 : memref<128x128xf32, #tpu.memory_space<vmem>>) dst(%dma_wait3A_34 : memref<128x128xf32, #tpu.memory_space<vmem_shared>>)
        tpu.yield
      }) : () -> ()
      %scan3A_28 = arith.constant 0 : i32
      scf.yield %scan3A_28 : i32
    }
    %scan3A_6 = arith.constant 5 : i32
    %barrier3A = arith.constant 0 : index
    tpu.barrier barrier_id(%barrier3A)
    %mul3A_7 = arith.constant 20224 : i32
    %mul3A_8 = arith.muli %arg1, %mul3A_7 : i32
    %scan3A_9 = arith.constant 0 : i32
    %scan3A_10 = arith.constant 0 : i32
    %scan3A_11 = arith.constant 79 : i32
    %scan3A_12 = arith.addi %scan3A_10, %scan3A_11 : i32
    %scan3A_13 = arith.constant 1 : i32
    %scan3A_14 = scf.for %scan3A_24 = %scan3A_10 to %scan3A_12 step %scan3A_13 iter_args(%scan3A_25 = %scan3A_9) -> (i32)  : i32 {
      %mul3A_26 = arith.constant 2 : i32
      %mul3A_27 = arith.muli %scan3A_24, %mul3A_26 : i32
      %mul3A_28 = arith.constant 128 : i32
      %mul3A_29 = arith.muli %mul3A_27, %mul3A_28 : i32
      %add3A = arith.addi %mul3A_8, %mul3A_29 : i32
      %dma_start3A = tpu.memref_slice %arg3[%add3A] : memref<323584xi32, #tpu.memory_space<hbm>> -> memref<128xi32, #tpu.memory_space<hbm>>
      %dma_start3A_30 = tpu.memref_slice %arg3[%add3A] : memref<323584xi32, #tpu.memory_space<hbm>> -> memref<128xi32, #tpu.memory_space<hbm>>
      tpu.enqueue_dma source(%dma_start3A_30 : memref<128xi32, #tpu.memory_space<hbm>>) target(%arg8 : memref<128xi32, #tpu.memory_space<vmem>>) target_semaphore(%arg14 : memref<!tpu.dma_semaphore, #tpu.memory_space<semaphore_mem>>)
      %dma_start3A_31 = tpu.memref_slice %arg4[%add3A] : memref<323584xi32, #tpu.memory_space<hbm>> -> memref<128xi32, #tpu.memory_space<hbm>>
      %dma_start3A_32 = tpu.memref_slice %arg4[%add3A] : memref<323584xi32, #tpu.memory_space<hbm>> -> memref<128xi32, #tpu.memory_space<hbm>>
      tpu.enqueue_dma source(%dma_start3A_32 : memref<128xi32, #tpu.memory_space<hbm>>) target(%arg9 : memref<128xi32, #tpu.memory_space<vmem>>) target_semaphore(%arg15 : memref<!tpu.dma_semaphore, #tpu.memory_space<semaphore_mem>>)
      %add3A_33 = arith.constant 128 : i32
      %add3A_34 = arith.addi %add3A, %add3A_33 : i32
      %dma_start3A_35 = tpu.memref_slice %arg3[%add3A_34] : memref<323584xi32, #tpu.memory_space<hbm>> -> memref<128xi32, #tpu.memory_space<hbm>>
      %dma_start3A_36 = tpu.memref_slice %arg3[%add3A_34] : memref<323584xi32, #tpu.memory_space<hbm>> -> memref<128xi32, #tpu.memory_space<hbm>>
      tpu.enqueue_dma source(%dma_start3A_36 : memref<128xi32, #tpu.memory_space<hbm>>) target(%arg11 : memref<128xi32, #tpu.memory_space<vmem>>) target_semaphore(%arg16 : memref<!tpu.dma_semaphore, #tpu.memory_space<semaphore_mem>>)
      %add3A_37 = arith.constant 128 : i32
      %add3A_38 = arith.addi %add3A, %add3A_37 : i32
      %dma_start3A_39 = tpu.memref_slice %arg4[%add3A_38] : memref<323584xi32, #tpu.memory_space<hbm>> -> memref<128xi32, #tpu.memory_space<hbm>>
      %dma_start3A_40 = tpu.memref_slice %arg4[%add3A_38] : memref<323584xi32, #tpu.memory_space<hbm>> -> memref<128xi32, #tpu.memory_space<hbm>>
      tpu.enqueue_dma source(%dma_start3A_40 : memref<128xi32, #tpu.memory_space<hbm>>) target(%arg12 : memref<128xi32, #tpu.memory_space<vmem>>) target_semaphore(%arg17 : memref<!tpu.dma_semaphore, #tpu.memory_space<semaphore_mem>>)
      %dma_wait3A = tpu.memref_slice %arg3[%add3A] : memref<323584xi32, #tpu.memory_space<hbm>> -> memref<128xi32, #tpu.memory_space<hbm>>
      %dma_wait3A_41 = tpu.memref_slice %arg3[%add3A] : memref<323584xi32, #tpu.memory_space<hbm>> -> memref<128xi32, #tpu.memory_space<hbm>>
      tpu.wait_dma2 semaphore(%arg14 : memref<!tpu.dma_semaphore, #tpu.memory_space<semaphore_mem>>) src(%dma_wait3A_41 : memref<128xi32, #tpu.memory_space<hbm>>) dst(%arg8 : memref<128xi32, #tpu.memory_space<vmem>>)
      %dma_wait3A_42 = tpu.memref_slice %arg4[%add3A] : memref<323584xi32, #tpu.memory_space<hbm>> -> memref<128xi32, #tpu.memory_space<hbm>>
      %dma_wait3A_43 = tpu.memref_slice %arg4[%add3A] : memref<323584xi32, #tpu.memory_space<hbm>> -> memref<128xi32, #tpu.memory_space<hbm>>
      tpu.wait_dma2 semaphore(%arg15 : memref<!tpu.dma_semaphore, #tpu.memory_space<semaphore_mem>>) src(%dma_wait3A_43 : memref<128xi32, #tpu.memory_space<hbm>>) dst(%arg9 : memref<128xi32, #tpu.memory_space<vmem>>)
      %dma_wait3A_44 = tpu.memref_slice %arg3[%add3A_34] : memref<323584xi32, #tpu.memory_space<hbm>> -> memref<128xi32, #tpu.memory_space<hbm>>
      %dma_wait3A_45 = tpu.memref_slice %arg3[%add3A_34] : memref<323584xi32, #tpu.memory_space<hbm>> -> memref<128xi32, #tpu.memory_space<hbm>>
      tpu.wait_dma2 semaphore(%arg16 : memref<!tpu.dma_semaphore, #tpu.memory_space<semaphore_mem>>) src(%dma_wait3A_45 : memref<128xi32, #tpu.memory_space<hbm>>) dst(%arg11 : memref<128xi32, #tpu.memory_space<vmem>>)
      %dma_wait3A_46 = tpu.memref_slice %arg4[%add3A_38] : memref<323584xi32, #tpu.memory_space<hbm>> -> memref<128xi32, #tpu.memory_space<hbm>>
      %dma_wait3A_47 = tpu.memref_slice %arg4[%add3A_38] : memref<323584xi32, #tpu.memory_space<hbm>> -> memref<128xi32, #tpu.memory_space<hbm>>
      tpu.wait_dma2 semaphore(%arg17 : memref<!tpu.dma_semaphore, #tpu.memory_space<semaphore_mem>>) src(%dma_wait3A_47 : memref<128xi32, #tpu.memory_space<hbm>>) dst(%arg12 : memref<128xi32, #tpu.memory_space<vmem>>)
      %dma_start3A_48 = arith.constant 0 : i32
      %dma_start3A_49 = arith.constant 0 : i32
      %dma_start3A_50 = tpu.memref_slice %arg2[%arg0, %dma_start3A_48, %dma_start3A_49] : memref<2x10240x128xf32, #tpu.memory_space<hbm>> -> memref<1x10240x128xf32, #tpu.memory_space<hbm>>
      %dma_start3A_51 = tpu.memref_squeeze %dma_start3A_50 : memref<1x10240x128xf32, #tpu.memory_space<hbm>> -> memref<10240x128xf32, #tpu.memory_space<hbm>>
      %dma_start3A_52 = arith.constant 0 : i32
      %dma_start3A_53 = arith.constant 0 : i32
      %dma_start3A_54 = tpu.memref_slice %dma_start3A_51[%dma_start3A_52, %dma_start3A_53] : memref<10240x128xf32, #tpu.memory_space<hbm>> -> memref<10240x128xf32, #tpu.memory_space<hbm>>
      tpu.enqueue_indirect_dma source(%dma_start3A_54 : memref<10240x128xf32, #tpu.memory_space<hbm>>) target(%arg10 : memref<128x128xf32, #tpu.memory_space<vmem>>) offsets(%arg8 : memref<128xi32, #tpu.memory_space<vmem>>) semaphore(%arg14 : memref<!tpu.dma_semaphore, #tpu.memory_space<semaphore_mem>>)
      %dma_start3A_55 = arith.constant 0 : i32
      %dma_start3A_56 = arith.constant 0 : i32
      %dma_start3A_57 = tpu.memref_slice %arg2[%arg0, %dma_start3A_55, %dma_start3A_56] : memref<2x10240x128xf32, #tpu.memory_space<hbm>> -> memref<1x10240x128xf32, #tpu.memory_space<hbm>>
      %dma_start3A_58 = tpu.memref_squeeze %dma_start3A_57 : memref<1x10240x128xf32, #tpu.memory_space<hbm>> -> memref<10240x128xf32, #tpu.memory_space<hbm>>
      %dma_start3A_59 = arith.constant 0 : i32
      %dma_start3A_60 = arith.constant 0 : i32
      %dma_start3A_61 = tpu.memref_slice %dma_start3A_58[%dma_start3A_59, %dma_start3A_60] : memref<10240x128xf32, #tpu.memory_space<hbm>> -> memref<10240x128xf32, #tpu.memory_space<hbm>>
      tpu.enqueue_indirect_dma source(%dma_start3A_61 : memref<10240x128xf32, #tpu.memory_space<hbm>>) target(%arg13 : memref<128x128xf32, #tpu.memory_space<vmem>>) offsets(%arg11 : memref<128xi32, #tpu.memory_space<vmem>>) semaphore(%arg15 : memref<!tpu.dma_semaphore, #tpu.memory_space<semaphore_mem>>)
      %dma_wait3A_62 = arith.constant 0 : i32
      %dma_wait3A_63 = arith.constant 0 : i32
      %dma_wait3A_64 = tpu.memref_slice %arg2[%arg0, %dma_wait3A_62, %dma_wait3A_63] : memref<2x10240x128xf32, #tpu.memory_space<hbm>> -> memref<1x10240x128xf32, #tpu.memory_space<hbm>>
      %dma_wait3A_65 = tpu.memref_squeeze %dma_wait3A_64 : memref<1x10240x128xf32, #tpu.memory_space<hbm>> -> memref<10240x128xf32, #tpu.memory_space<hbm>>
      %dma_wait3A_66 = arith.constant 0 : i32
      %dma_wait3A_67 = arith.constant 0 : i32
      %dma_wait3A_68 = tpu.memref_slice %dma_wait3A_65[%dma_wait3A_66, %dma_wait3A_67] : memref<10240x128xf32, #tpu.memory_space<hbm>> -> memref<10240x128xf32, #tpu.memory_space<hbm>>
      tpu.wait_indirect_dma semaphore(%arg14 : memref<!tpu.dma_semaphore, #tpu.memory_space<semaphore_mem>>) src(%dma_wait3A_68 : memref<10240x128xf32, #tpu.memory_space<hbm>>) dst(%arg10 : memref<128x128xf32, #tpu.memory_space<vmem>>)
      %dma_start3A_69 = arith.constant 0 : i32
      %dma_start3A_70 = arith.constant 0 : i32
      %dma_start3A_71 = tpu.memref_slice %arg7[%dma_start3A_69, %dma_start3A_70] : memref<10240x128xf32, #tpu.memory_space<vmem_shared>> -> memref<10240x128xf32, #tpu.memory_space<vmem_shared>>
      tpu.enqueue_indirect_dma source(%arg10 : memref<128x128xf32, #tpu.memory_space<vmem>>) target(%dma_start3A_71 : memref<10240x128xf32, #tpu.memory_space<vmem_shared>>) offsets(%arg9 : memref<128xi32, #tpu.memory_space<vmem>>) semaphore(%arg16 : memref<!tpu.dma_semaphore, #tpu.memory_space<semaphore_mem>>) {add = true}
      %dma_wait3A_72 = arith.constant 0 : i32
      %dma_wait3A_73 = arith.constant 0 : i32
      %dma_wait3A_74 = tpu.memref_slice %arg2[%arg0, %dma_wait3A_72, %dma_wait3A_73] : memref<2x10240x128xf32, #tpu.memory_space<hbm>> -> memref<1x10240x128xf32, #tpu.memory_space<hbm>>
      %dma_wait3A_75 = tpu.memref_squeeze %dma_wait3A_74 : memref<1x10240x128xf32, #tpu.memory_space<hbm>> -> memref<10240x128xf32, #tpu.memory_space<hbm>>
      %dma_wait3A_76 = arith.constant 0 : i32
      %dma_wait3A_77 = arith.constant 0 : i32
      %dma_wait3A_78 = tpu.memref_slice %dma_wait3A_75[%dma_wait3A_76, %dma_wait3A_77] : memref<10240x128xf32, #tpu.memory_space<hbm>> -> memref<10240x128xf32, #tpu.memory_space<hbm>>
      tpu.wait_indirect_dma semaphore(%arg15 : memref<!tpu.dma_semaphore, #tpu.memory_space<semaphore_mem>>) src(%dma_wait3A_78 : memref<10240x128xf32, #tpu.memory_space<hbm>>) dst(%arg13 : memref<128x128xf32, #tpu.memory_space<vmem>>)
      %dma_start3A_79 = arith.constant 0 : i32
      %dma_start3A_80 = arith.constant 0 : i32
      %dma_start3A_81 = tpu.memref_slice %arg7[%dma_start3A_79, %dma_start3A_80] : memref<10240x128xf32, #tpu.memory_space<vmem_shared>> -> memref<10240x128xf32, #tpu.memory_space<vmem_shared>>
      tpu.enqueue_indirect_dma source(%arg13 : memref<128x128xf32, #tpu.memory_space<vmem>>) target(%dma_start3A_81 : memref<10240x128xf32, #tpu.memory_space<vmem_shared>>) offsets(%arg12 : memref<128xi32, #tpu.memory_space<vmem>>) semaphore(%arg17 : memref<!tpu.dma_semaphore, #tpu.memory_space<semaphore_mem>>) {add = true}
      %dma_wait3A_82 = arith.constant 0 : i32
      %dma_wait3A_83 = arith.constant 0 : i32
      %dma_wait3A_84 = tpu.memref_slice %arg7[%dma_wait3A_82, %dma_wait3A_83] : memref<10240x128xf32, #tpu.memory_space<vmem_shared>> -> memref<10240x128xf32, #tpu.memory_space<vmem_shared>>
      tpu.wait_indirect_dma semaphore(%arg16 : memref<!tpu.dma_semaphore, #tpu.memory_space<semaphore_mem>>) src(%arg10 : memref<128x128xf32, #tpu.memory_space<vmem>>) dst(%dma_wait3A_84 : memref<10240x128xf32, #tpu.memory_space<vmem_shared>>)
      %dma_wait3A_85 = arith.constant 0 : i32
      %dma_wait3A_86 = arith.constant 0 : i32
      %dma_wait3A_87 = tpu.memref_slice %arg7[%dma_wait3A_85, %dma_wait3A_86] : memref<10240x128xf32, #tpu.memory_space<vmem_shared>> -> memref<10240x128xf32, #tpu.memory_space<vmem_shared>>
      tpu.wait_indirect_dma semaphore(%arg17 : memref<!tpu.dma_semaphore, #tpu.memory_space<semaphore_mem>>) src(%arg13 : memref<128x128xf32, #tpu.memory_space<vmem>>) dst(%dma_wait3A_87 : memref<10240x128xf32, #tpu.memory_space<vmem_shared>>)
      %scan3A_88 = arith.constant 0 : i32
      scf.yield %scan3A_88 : i32
    }
    %scan3A_15 = arith.constant 79 : i32
    %barrier3A_16 = arith.constant 0 : index
    tpu.barrier barrier_id(%barrier3A_16)
    %scan3A_17 = arith.constant 0 : i32
    %scan3A_18 = arith.constant 0 : i32
    %scan3A_19 = arith.constant 5 : i32
    %scan3A_20 = arith.addi %scan3A_18, %scan3A_19 : i32
    %scan3A_21 = arith.constant 1 : i32
    %scan3A_22 = scf.for %scan3A_24 = %scan3A_18 to %scan3A_20 step %scan3A_21 iter_args(%scan3A_25 = %scan3A_17) -> (i32)  : i32 {
      %mul3A_26 = arith.constant 128 : i32
      %mul3A_27 = arith.muli %scan3A_24, %mul3A_26 : i32
      %add3A = arith.addi %mul3A_0, %mul3A_27 : i32
      "tpu.region"() ({
        %run_scoped3A = tpu.sem_alloc : memref<!tpu.dma_semaphore, #tpu.memory_space<semaphore_mem>>
        %dma_start3A = arith.constant 0 : i32
        %dma_start3A_29 = tpu.memref_slice %arg7[%add3A, %dma_start3A] : memref<10240x128xf32, #tpu.memory_space<vmem_shared>> -> memref<128x128xf32, #tpu.memory_space<vmem_shared>>
        %dma_start3A_30 = arith.constant 0 : i32
        %dma_start3A_31 = tpu.memref_slice %arg7[%add3A, %dma_start3A_30] : memref<10240x128xf32, #tpu.memory_space<vmem_shared>> -> memref<128x128xf32, #tpu.memory_space<vmem_shared>>
        tpu.enqueue_dma source(%dma_start3A_31 : memref<128x128xf32, #tpu.memory_space<vmem_shared>>) target(%arg13 : memref<128x128xf32, #tpu.memory_space<vmem>>) target_semaphore(%run_scoped3A : memref<!tpu.dma_semaphore, #tpu.memory_space<semaphore_mem>>)
        %dma_wait3A = arith.constant 0 : i32
        %dma_wait3A_32 = tpu.memref_slice %arg7[%add3A, %dma_wait3A] : memref<10240x128xf32, #tpu.memory_space<vmem_shared>> -> memref<128x128xf32, #tpu.memory_space<vmem_shared>>
        %dma_wait3A_33 = arith.constant 0 : i32
        %dma_wait3A_34 = tpu.memref_slice %arg7[%add3A, %dma_wait3A_33] : memref<10240x128xf32, #tpu.memory_space<vmem_shared>> -> memref<128x128xf32, #tpu.memory_space<vmem_shared>>
        tpu.wait_dma2 semaphore(%run_scoped3A : memref<!tpu.dma_semaphore, #tpu.memory_space<semaphore_mem>>) src(%dma_wait3A_34 : memref<128x128xf32, #tpu.memory_space<vmem_shared>>) dst(%arg13 : memref<128x128xf32, #tpu.memory_space<vmem>>)
        tpu.yield
      }) : () -> ()
      "tpu.region"() ({
        %run_scoped3A = tpu.sem_alloc : memref<!tpu.dma_semaphore, #tpu.memory_space<semaphore_mem>>
        %dma_start3A = arith.constant 0 : i32
        %dma_start3A_29 = arith.constant 0 : i32
        %dma_start3A_30 = tpu.memref_slice %arg6[%arg0, %dma_start3A, %dma_start3A_29] : memref<2x10240x128xf32, #tpu.memory_space<hbm>> -> memref<1x10240x128xf32, #tpu.memory_space<hbm>>
        %dma_start3A_31 = tpu.memref_squeeze %dma_start3A_30 : memref<1x10240x128xf32, #tpu.memory_space<hbm>> -> memref<10240x128xf32, #tpu.memory_space<hbm>>
        %dma_start3A_32 = arith.constant 0 : i32
        %dma_start3A_33 = tpu.memref_slice %dma_start3A_31[%add3A, %dma_start3A_32] : memref<10240x128xf32, #tpu.memory_space<hbm>> -> memref<128x128xf32, #tpu.memory_space<hbm>>
        %dma_start3A_34 = arith.constant 0 : i32
        %dma_start3A_35 = arith.constant 0 : i32
        %dma_start3A_36 = tpu.memref_slice %arg6[%arg0, %dma_start3A_34, %dma_start3A_35] : memref<2x10240x128xf32, #tpu.memory_space<hbm>> -> memref<1x10240x128xf32, #tpu.memory_space<hbm>>
        %dma_start3A_37 = tpu.memref_squeeze %dma_start3A_36 : memref<1x10240x128xf32, #tpu.memory_space<hbm>> -> memref<10240x128xf32, #tpu.memory_space<hbm>>
        %dma_start3A_38 = arith.constant 0 : i32
        %dma_start3A_39 = tpu.memref_slice %dma_start3A_37[%add3A, %dma_start3A_38] : memref<10240x128xf32, #tpu.memory_space<hbm>> -> memref<128x128xf32, #tpu.memory_space<hbm>>
        tpu.enqueue_dma source(%arg13 : memref<128x128xf32, #tpu.memory_space<vmem>>) target(%dma_start3A_39 : memref<128x128xf32, #tpu.memory_space<hbm>>) target_semaphore(%run_scoped3A : memref<!tpu.dma_semaphore, #tpu.memory_space<semaphore_mem>>)
        %dma_wait3A = arith.constant 0 : i32
        %dma_wait3A_40 = arith.constant 0 : i32
        %dma_wait3A_41 = tpu.memref_slice %arg6[%arg0, %dma_wait3A, %dma_wait3A_40] : memref<2x10240x128xf32, #tpu.memory_space<hbm>> -> memref<1x10240x128xf32, #tpu.memory_space<hbm>>
        %dma_wait3A_42 = tpu.memref_squeeze %dma_wait3A_41 : memref<1x10240x128xf32, #tpu.memory_space<hbm>> -> memref<10240x128xf32, #tpu.memory_space<hbm>>
        %dma_wait3A_43 = arith.constant 0 : i32
        %dma_wait3A_44 = tpu.memref_slice %dma_wait3A_42[%add3A, %dma_wait3A_43] : memref<10240x128xf32, #tpu.memory_space<hbm>> -> memref<128x128xf32, #tpu.memory_space<hbm>>
        %dma_wait3A_45 = arith.constant 0 : i32
        %dma_wait3A_46 = arith.constant 0 : i32
        %dma_wait3A_47 = tpu.memref_slice %arg6[%arg0, %dma_wait3A_45, %dma_wait3A_46] : memref<2x10240x128xf32, #tpu.memory_space<hbm>> -> memref<1x10240x128xf32, #tpu.memory_space<hbm>>
        %dma_wait3A_48 = tpu.memref_squeeze %dma_wait3A_47 : memref<1x10240x128xf32, #tpu.memory_space<hbm>> -> memref<10240x128xf32, #tpu.memory_space<hbm>>
        %dma_wait3A_49 = arith.constant 0 : i32
        %dma_wait3A_50 = tpu.memref_slice %dma_wait3A_48[%add3A, %dma_wait3A_49] : memref<10240x128xf32, #tpu.memory_space<hbm>> -> memref<128x128xf32, #tpu.memory_space<hbm>>
        tpu.wait_dma2 semaphore(%run_scoped3A : memref<!tpu.dma_semaphore, #tpu.memory_space<semaphore_mem>>) src(%arg13 : memref<128x128xf32, #tpu.memory_space<vmem>>) dst(%dma_wait3A_50 : memref<128x128xf32, #tpu.memory_space<hbm>>)
        tpu.yield
      }) : () -> ()
      %scan3A_28 = arith.constant 0 : i32
      scf.yield %scan3A_28 : i32
    }
    %scan3A_23 = arith.constant 5 : i32
    return
  }
}

module attributes {stable_mosaic.version = 14 : i64} {
  func.func @_pre1_body(%arg0: i32, %arg1: memref<512x128xf32, #tpu.memory_space<vmem>>, %arg2: memref<2x512x128xf32, #tpu.memory_space<vmem>>, %arg3: memref<128x256xf32, #tpu.memory_space<vmem>>, %arg4: memref<2x512x128xf32, #tpu.memory_space<vmem>>) attributes {dimension_semantics = [#tpu.dimension_semantics<arbitrary>], iteration_bounds = array<i64: 20>, scalar_prefetch = 0 : i64, scratch_operands = 0 : i64, tpu.core_type = #tpu.core_type<tc>, window_params = [{transform_indices = @transform_0, window_bounds = array<i64: 512, 128>}, {transform_indices = @transform_1, window_bounds = array<i64: 2, 512, 128>}, {pipeline_mode = #tpu.pipeline_mode<synchronous>, transform_indices = @transform_2, window_bounds = array<i64: 128, 256>}, {transform_indices = @transform_3, window_bounds = array<i64: 2, 512, 128>}]} {
    %get3A = arith.constant 0 : index
    %get3A_0 = arith.constant 0 : index
    %get3A_1 = arith.constant 0 : index
    %get3A_2 = vector.load %arg2[%get3A, %get3A_0, %get3A_1] : memref<2x512x128xf32, #tpu.memory_space<vmem>>, vector<2x512x128xf32>
    %slice3A = vector.extract_strided_slice %get3A_2 {offsets = [0, 0, 0], sizes = [1, 512, 1], strides = [1, 1, 1]} : vector<2x512x128xf32> to vector<1x512x1xf32>
    %squeeze3A = vector.shape_cast %slice3A : vector<1x512x1xf32> to vector<512x1xf32>
    %slice3A_3 = vector.extract_strided_slice %get3A_2 {offsets = [1, 0, 0], sizes = [1, 512, 1], strides = [1, 1, 1]} : vector<2x512x128xf32> to vector<1x512x1xf32>
    %squeeze3A_4 = vector.shape_cast %slice3A_3 : vector<1x512x1xf32> to vector<512x1xf32>
    %add3A = arith.addf %squeeze3A, %squeeze3A_4 : vector<512x1xf32>
    %add3A_5 = arith.constant 1.000000e+00 : f32
    %add3A_6 = vector.broadcast %add3A_5 : f32 to vector<512x1xf32>
    %add3A_7 = arith.addf %add3A, %add3A_6 : vector<512x1xf32>
    %rsqrt3A = math.rsqrt %add3A_7 : vector<512x1xf32>
    %get3A_8 = arith.constant 0 : index
    %get3A_9 = arith.constant 0 : index
    %get3A_10 = vector.load %arg1[%get3A_8, %get3A_9] : memref<512x128xf32, #tpu.memory_space<vmem>>, vector<512x128xf32>
    %get3A_11 = arith.constant 0 : index
    %get3A_12 = arith.constant 0 : index
    %get3A_13 = vector.load %arg3[%get3A_11, %get3A_12] : memref<128x256xf32, #tpu.memory_space<vmem>>, vector<128x256xf32>
    %dot_general3A = arith.constant dense<0.000000e+00> : vector<512x256xf32>
    %dot_general3A_14 = tpu.matmul %get3A_10, %get3A_13, %dot_general3A {dimension_numbers = #tpu.dot_dimension_numbers<[1], [0], [0], [1], [0, 0, 1, 1], [], []>, transpose_lhs_hint = false} : vector<512x128xf32>, vector<128x256xf32>, vector<512x256xf32> -> vector<512x256xf32>
    %mul3A = vector.broadcast %rsqrt3A : vector<512x1xf32> to vector<512x256xf32>
    %mul3A_15 = arith.mulf %dot_general3A_14, %mul3A : vector<512x256xf32>
    %slice3A_16 = vector.extract_strided_slice %mul3A_15 {offsets = [0, 0], sizes = [512, 128], strides = [1, 1]} : vector<512x256xf32> to vector<512x128xf32>
    %swap3A = arith.constant 0 : index
    %swap3A_17 = arith.constant 0 : index
    %swap3A_18 = arith.constant 0 : index
    %swap3A_19 = vector.load %arg4[%swap3A, %swap3A_17, %swap3A_18] : memref<2x512x128xf32, #tpu.memory_space<vmem>>, vector<1x512x128xf32>
    %swap3A_20 = vector.shape_cast %swap3A_19 : vector<1x512x128xf32> to vector<512x128xf32>
    %swap3A_21 = vector.shape_cast %slice3A_16 : vector<512x128xf32> to vector<1x512x128xf32>
    tpu.vector_store %arg4[%swap3A, %swap3A_17, %swap3A_18], %swap3A_21 {strides = array<i32>} : memref<2x512x128xf32, #tpu.memory_space<vmem>>, vector<1x512x128xf32>,
    %slice3A_22 = vector.extract_strided_slice %mul3A_15 {offsets = [0, 128], sizes = [512, 128], strides = [1, 1]} : vector<512x256xf32> to vector<512x128xf32>
    %swap3A_23 = arith.constant 1 : index
    %swap3A_24 = arith.constant 0 : index
    %swap3A_25 = arith.constant 0 : index
    %swap3A_26 = vector.load %arg4[%swap3A_23, %swap3A_24, %swap3A_25] : memref<2x512x128xf32, #tpu.memory_space<vmem>>, vector<1x512x128xf32>
    %swap3A_27 = vector.shape_cast %swap3A_26 : vector<1x512x128xf32> to vector<512x128xf32>
    %swap3A_28 = vector.shape_cast %slice3A_22 : vector<512x128xf32> to vector<1x512x128xf32>
    tpu.vector_store %arg4[%swap3A_23, %swap3A_24, %swap3A_25], %swap3A_28 {strides = array<i32>} : memref<2x512x128xf32, #tpu.memory_space<vmem>>, vector<1x512x128xf32>,
    return
  }
  func.func @transform_0(%arg0: i32) -> (i32, i32) {
    %c0_i32 = arith.constant 0 : i32
    %c0_i32_0 = arith.constant 0 : i32
    return %arg0, %c0_i32 : i32, i32
  }
  func.func @transform_1(%arg0: i32) -> (i32, i32, i32) {
    %c0_i32 = arith.constant 0 : i32
    %c0_i32_0 = arith.constant 0 : i32
    %c0_i32_1 = arith.constant 0 : i32
    return %c0_i32, %arg0, %c0_i32_0 : i32, i32, i32
  }
  func.func @transform_2(%arg0: i32) -> (i32, i32) {
    %c0_i32 = arith.constant 0 : i32
    %c0_i32_0 = arith.constant 0 : i32
    %c0_i32_1 = arith.constant 0 : i32
    return %c0_i32, %c0_i32_0 : i32, i32
  }
  func.func @transform_3(%arg0: i32) -> (i32, i32, i32) {
    %c0_i32 = arith.constant 0 : i32
    %c0_i32_0 = arith.constant 0 : i32
    %c0_i32_1 = arith.constant 0 : i32
    return %c0_i32, %arg0, %c0_i32_0 : i32, i32, i32
  }
}

module attributes {stable_mosaic.version = 14 : i64} {
  func.func @body(%arg0: i32, %arg1: memref<2x512x128xf32, #tpu.memory_space<vmem>>, %arg2: memref<2x512x128xf32, #tpu.memory_space<vmem>>, %arg3: memref<1x256xf32, #tpu.memory_space<vmem>>, %arg4: memref<1x256xf32, #tpu.memory_space<vmem>>, %arg5: memref<1x256xf32, #tpu.memory_space<vmem>>, %arg6: memref<256x128xf32, #tpu.memory_space<vmem>>, %arg7: memref<512x128xf32, #tpu.memory_space<vmem>>) attributes {dimension_semantics = [#tpu.dimension_semantics<arbitrary>], iteration_bounds = array<i64: 20>, scalar_prefetch = 0 : i64, scratch_operands = 0 : i64, tpu.core_type = #tpu.core_type<tc>, window_params = [{transform_indices = @transform_0, window_bounds = array<i64: 2, 512, 128>}, {transform_indices = @transform_1, window_bounds = array<i64: 2, 512, 128>}, {pipeline_mode = #tpu.pipeline_mode<synchronous>, transform_indices = @transform_2, window_bounds = array<i64: 1, 256>}, {pipeline_mode = #tpu.pipeline_mode<synchronous>, transform_indices = @transform_3, window_bounds = array<i64: 1, 256>}, {pipeline_mode = #tpu.pipeline_mode<synchronous>, transform_indices = @transform_4, window_bounds = array<i64: 1, 256>}, {pipeline_mode = #tpu.pipeline_mode<synchronous>, transform_indices = @transform_5, window_bounds = array<i64: 256, 128>}, {transform_indices = @transform_6, window_bounds = array<i64: 512, 128>}]} {
    %get3A = arith.constant 0 : index
    %get3A_0 = arith.constant 0 : index
    %get3A_1 = arith.constant 0 : index
    %get3A_2 = vector.load %arg2[%get3A, %get3A_0, %get3A_1] : memref<2x512x128xf32, #tpu.memory_space<vmem>>, vector<2x512x128xf32>
    %slice3A = vector.extract_strided_slice %get3A_2 {offsets = [0, 0, 0], sizes = [1, 512, 1], strides = [1, 1, 1]} : vector<2x512x128xf32> to vector<1x512x1xf32>
    %squeeze3A = vector.shape_cast %slice3A : vector<1x512x1xf32> to vector<512x1xf32>
    %slice3A_3 = vector.extract_strided_slice %get3A_2 {offsets = [1, 0, 0], sizes = [1, 512, 1], strides = [1, 1, 1]} : vector<2x512x128xf32> to vector<1x512x1xf32>
    %squeeze3A_4 = vector.shape_cast %slice3A_3 : vector<1x512x1xf32> to vector<512x1xf32>
    %add3A = arith.addf %squeeze3A, %squeeze3A_4 : vector<512x1xf32>
    %add3A_5 = arith.constant 1.000000e+00 : f32
    %add3A_6 = vector.broadcast %add3A_5 : f32 to vector<512x1xf32>
    %add3A_7 = arith.addf %add3A, %add3A_6 : vector<512x1xf32>
    %rsqrt3A = math.rsqrt %add3A_7 : vector<512x1xf32>
    %get3A_8 = arith.constant 0 : index
    %get3A_9 = arith.constant 0 : index
    %get3A_10 = arith.constant 0 : index
    %get3A_11 = vector.load %arg1[%get3A_8, %get3A_9, %get3A_10] : memref<2x512x128xf32, #tpu.memory_space<vmem>>, vector<2x512x128xf32>
    %slice3A_12 = vector.extract_strided_slice %get3A_11 {offsets = [0, 0, 0], sizes = [1, 512, 128], strides = [1, 1, 1]} : vector<2x512x128xf32> to vector<1x512x128xf32>
    %squeeze3A_13 = vector.shape_cast %slice3A_12 : vector<1x512x128xf32> to vector<512x128xf32>
    %slice3A_14 = vector.extract_strided_slice %get3A_11 {offsets = [1, 0, 0], sizes = [1, 512, 128], strides = [1, 1, 1]} : vector<2x512x128xf32> to vector<1x512x128xf32>
    %squeeze3A_15 = vector.shape_cast %slice3A_14 : vector<1x512x128xf32> to vector<512x128xf32>
    %concatenate3A = tpu.concatenate %squeeze3A_13, %squeeze3A_15 in 1 : vector<512x128xf32>, vector<512x128xf32> -> vector<512x256xf32>
    %mul3A = vector.broadcast %rsqrt3A : vector<512x1xf32> to vector<512x256xf32>
    %mul3A_16 = arith.mulf %concatenate3A, %mul3A : vector<512x256xf32>
    %get3A_17 = arith.constant 0 : index
    %get3A_18 = arith.constant 0 : index
    %get3A_19 = vector.load %arg3[%get3A_17, %get3A_18] : memref<1x256xf32, #tpu.memory_space<vmem>>, vector<1x256xf32>
    %add3A_20 = vector.broadcast %get3A_19 : vector<1x256xf32> to vector<512x256xf32>
    %add3A_21 = arith.addf %mul3A_16, %add3A_20 : vector<512x256xf32>
    %max3A = arith.constant 0.000000e+00 : f32
    %max3A_22 = vector.broadcast %max3A : f32 to vector<512x256xf32>
    %max3A_23 = arith.maximumf %add3A_21, %max3A_22 : vector<512x256xf32>
    %get3A_24 = arith.constant 0 : index
    %get3A_25 = arith.constant 0 : index
    %get3A_26 = vector.load %arg4[%get3A_24, %get3A_25] : memref<1x256xf32, #tpu.memory_space<vmem>>, vector<1x256xf32>
    %get3A_27 = arith.constant 0 : index
    %get3A_28 = arith.constant 0 : index
    %get3A_29 = vector.load %arg5[%get3A_27, %get3A_28] : memref<1x256xf32, #tpu.memory_space<vmem>>, vector<1x256xf32>
    %reduce_sum3A = arith.constant dense<0.000000e+00> : vector<512xf32>
    %reduce_sum3A_30 = vector.multi_reduction <add>, %max3A_23, %reduce_sum3A [1] : vector<512x256xf32> to vector<512xf32>
    %broadcast_in_dim3A = vector.shape_cast %reduce_sum3A_30 : vector<512xf32> to vector<512x1xf32>
    %div3A = arith.constant 2.560000e+02 : f32
    %div3A_31 = vector.broadcast %div3A : f32 to vector<512x1xf32>
    %div3A_32 = arith.divf %broadcast_in_dim3A, %div3A_31 : vector<512x1xf32>
    %sub3A = vector.broadcast %div3A_32 : vector<512x1xf32> to vector<512x256xf32>
    %sub3A_33 = arith.subf %max3A_23, %sub3A : vector<512x256xf32>
    %mul3A_34 = arith.mulf %sub3A_33, %sub3A_33 : vector<512x256xf32>
    %reduce_sum3A_35 = arith.constant dense<0.000000e+00> : vector<512xf32>
    %reduce_sum3A_36 = vector.multi_reduction <add>, %mul3A_34, %reduce_sum3A_35 [1] : vector<512x256xf32> to vector<512xf32>
    %broadcast_in_dim3A_37 = vector.shape_cast %reduce_sum3A_36 : vector<512xf32> to vector<512x1xf32>
    %div3A_38 = arith.constant 2.560000e+02 : f32
    %div3A_39 = vector.broadcast %div3A_38 : f32 to vector<512x1xf32>
    %div3A_40 = arith.divf %broadcast_in_dim3A_37, %div3A_39 : vector<512x1xf32>
    %add3A_41 = arith.constant 9.99999974E-6 : f32
    %add3A_42 = vector.broadcast %add3A_41 : f32 to vector<512x1xf32>
    %add3A_43 = arith.addf %div3A_40, %add3A_42 : vector<512x1xf32>
    %rsqrt3A_44 = math.rsqrt %add3A_43 : vector<512x1xf32>
    %mul3A_45 = vector.broadcast %rsqrt3A_44 : vector<512x1xf32> to vector<512x256xf32>
    %mul3A_46 = arith.mulf %sub3A_33, %mul3A_45 : vector<512x256xf32>
    %mul3A_47 = vector.broadcast %get3A_26 : vector<1x256xf32> to vector<512x256xf32>
    %mul3A_48 = arith.mulf %mul3A_46, %mul3A_47 : vector<512x256xf32>
    %add3A_49 = vector.broadcast %get3A_29 : vector<1x256xf32> to vector<512x256xf32>
    %add3A_50 = arith.addf %mul3A_48, %add3A_49 : vector<512x256xf32>
    %get3A_51 = arith.constant 0 : index
    %get3A_52 = arith.constant 0 : index
    %get3A_53 = vector.load %arg6[%get3A_51, %get3A_52] : memref<256x128xf32, #tpu.memory_space<vmem>>, vector<256x128xf32>
    %dot_general3A = arith.constant dense<0.000000e+00> : vector<512x128xf32>
    %dot_general3A_54 = tpu.matmul %add3A_50, %get3A_53, %dot_general3A {dimension_numbers = #tpu.dot_dimension_numbers<[1], [0], [0], [1], [0, 0, 1, 1], [], []>, transpose_lhs_hint = false} : vector<512x256xf32>, vector<256x128xf32>, vector<512x128xf32> -> vector<512x128xf32>
    %mul3A_55 = vector.broadcast %rsqrt3A : vector<512x1xf32> to vector<512x128xf32>
    %mul3A_56 = arith.mulf %dot_general3A_54, %mul3A_55 : vector<512x128xf32>
    %swap3A = arith.constant 0 : index
    %swap3A_57 = arith.constant 0 : index
    %swap3A_58 = vector.load %arg7[%swap3A, %swap3A_57] : memref<512x128xf32, #tpu.memory_space<vmem>>, vector<512x128xf32>
    tpu.vector_store %arg7[%swap3A, %swap3A_57], %mul3A_56 {strides = array<i32>} : memref<512x128xf32, #tpu.memory_space<vmem>>, vector<512x128xf32>,
    return
  }
  func.func @transform_0(%arg0: i32) -> (i32, i32, i32) {
    %c0_i32 = arith.constant 0 : i32
    %c0_i32_0 = arith.constant 0 : i32
    %c0_i32_1 = arith.constant 0 : i32
    return %c0_i32, %arg0, %c0_i32_0 : i32, i32, i32
  }
  func.func @transform_1(%arg0: i32) -> (i32, i32, i32) {
    %c0_i32 = arith.constant 0 : i32
    %c0_i32_0 = arith.constant 0 : i32
    %c0_i32_1 = arith.constant 0 : i32
    return %c0_i32, %arg0, %c0_i32_0 : i32, i32, i32
  }
  func.func @transform_2(%arg0: i32) -> (i32, i32) {
    %c0_i32 = arith.constant 0 : i32
    %c0_i32_0 = arith.constant 0 : i32
    %c0_i32_1 = arith.constant 0 : i32
    return %c0_i32, %c0_i32_0 : i32, i32
  }
  func.func @transform_3(%arg0: i32) -> (i32, i32) {
    %c0_i32 = arith.constant 0 : i32
    %c0_i32_0 = arith.constant 0 : i32
    %c0_i32_1 = arith.constant 0 : i32
    return %c0_i32, %c0_i32_0 : i32, i32
  }
  func.func @transform_4(%arg0: i32) -> (i32, i32) {
    %c0_i32 = arith.constant 0 : i32
    %c0_i32_0 = arith.constant 0 : i32
    %c0_i32_1 = arith.constant 0 : i32
    return %c0_i32, %c0_i32_0 : i32, i32
  }
  func.func @transform_5(%arg0: i32) -> (i32, i32) {
    %c0_i32 = arith.constant 0 : i32
    %c0_i32_0 = arith.constant 0 : i32
    %c0_i32_1 = arith.constant 0 : i32
    return %c0_i32, %c0_i32_0 : i32, i32
  }
  func.func @transform_6(%arg0: i32) -> (i32, i32) {
    %c0_i32 = arith.constant 0 : i32
    %c0_i32_0 = arith.constant 0 : i32
    return %arg0, %c0_i32 : i32, i32
  }
}

module attributes {stable_mosaic.version = 14 : i64} {
  func.func @body(%arg0: i32, %arg1: memref<2x512x128xf32, #tpu.memory_space<vmem>>, %arg2: memref<2x512x128xf32, #tpu.memory_space<vmem>>, %arg3: memref<1x128xf32, #tpu.memory_space<vmem>>, %arg4: memref<1x128xf32, #tpu.memory_space<vmem>>, %arg5: memref<1x128xf32, #tpu.memory_space<vmem>>, %arg6: memref<128x128xf32, #tpu.memory_space<vmem>>, %arg7: memref<512x128xf32, #tpu.memory_space<vmem>>) attributes {dimension_semantics = [#tpu.dimension_semantics<arbitrary>], iteration_bounds = array<i64: 20>, scalar_prefetch = 0 : i64, scratch_operands = 0 : i64, tpu.core_type = #tpu.core_type<tc>, window_params = [{transform_indices = @transform_0, window_bounds = array<i64: 2, 512, 128>}, {transform_indices = @transform_1, window_bounds = array<i64: 2, 512, 128>}, {pipeline_mode = #tpu.pipeline_mode<synchronous>, transform_indices = @transform_2, window_bounds = array<i64: 1, 128>}, {pipeline_mode = #tpu.pipeline_mode<synchronous>, transform_indices = @transform_3, window_bounds = array<i64: 1, 128>}, {pipeline_mode = #tpu.pipeline_mode<synchronous>, transform_indices = @transform_4, window_bounds = array<i64: 1, 128>}, {pipeline_mode = #tpu.pipeline_mode<synchronous>, transform_indices = @transform_5, window_bounds = array<i64: 128, 128>}, {transform_indices = @transform_6, window_bounds = array<i64: 512, 128>}]} {
    %get3A = arith.constant 0 : index
    %get3A_0 = arith.constant 0 : index
    %get3A_1 = arith.constant 0 : index
    %get3A_2 = vector.load %arg2[%get3A, %get3A_0, %get3A_1] : memref<2x512x128xf32, #tpu.memory_space<vmem>>, vector<2x512x128xf32>
    %slice3A = vector.extract_strided_slice %get3A_2 {offsets = [0, 0, 0], sizes = [1, 512, 1], strides = [1, 1, 1]} : vector<2x512x128xf32> to vector<1x512x1xf32>
    %squeeze3A = vector.shape_cast %slice3A : vector<1x512x1xf32> to vector<512x1xf32>
    %slice3A_3 = vector.extract_strided_slice %get3A_2 {offsets = [1, 0, 0], sizes = [1, 512, 1], strides = [1, 1, 1]} : vector<2x512x128xf32> to vector<1x512x1xf32>
    %squeeze3A_4 = vector.shape_cast %slice3A_3 : vector<1x512x1xf32> to vector<512x1xf32>
    %add3A = arith.addf %squeeze3A, %squeeze3A_4 : vector<512x1xf32>
    %add3A_5 = arith.constant 1.000000e+00 : f32
    %add3A_6 = vector.broadcast %add3A_5 : f32 to vector<512x1xf32>
    %add3A_7 = arith.addf %add3A, %add3A_6 : vector<512x1xf32>
    %rsqrt3A = math.rsqrt %add3A_7 : vector<512x1xf32>
    %get3A_8 = arith.constant 0 : index
    %get3A_9 = arith.constant 0 : index
    %get3A_10 = arith.constant 0 : index
    %get3A_11 = vector.load %arg1[%get3A_8, %get3A_9, %get3A_10] : memref<2x512x128xf32, #tpu.memory_space<vmem>>, vector<2x512x128xf32>
    %slice3A_12 = vector.extract_strided_slice %get3A_11 {offsets = [0, 0, 0], sizes = [1, 512, 128], strides = [1, 1, 1]} : vector<2x512x128xf32> to vector<1x512x128xf32>
    %squeeze3A_13 = vector.shape_cast %slice3A_12 : vector<1x512x128xf32> to vector<512x128xf32>
    %slice3A_14 = vector.extract_strided_slice %get3A_11 {offsets = [1, 0, 0], sizes = [1, 512, 128], strides = [1, 1, 1]} : vector<2x512x128xf32> to vector<1x512x128xf32>
    %squeeze3A_15 = vector.shape_cast %slice3A_14 : vector<1x512x128xf32> to vector<512x128xf32>
    %add3A_16 = arith.addf %squeeze3A_13, %squeeze3A_15 : vector<512x128xf32>
    %mul3A = vector.broadcast %rsqrt3A : vector<512x1xf32> to vector<512x128xf32>
    %mul3A_17 = arith.mulf %add3A_16, %mul3A : vector<512x128xf32>
    %get3A_18 = arith.constant 0 : index
    %get3A_19 = arith.constant 0 : index
    %get3A_20 = vector.load %arg3[%get3A_18, %get3A_19] : memref<1x128xf32, #tpu.memory_space<vmem>>, vector<1x128xf32>
    %add3A_21 = vector.broadcast %get3A_20 : vector<1x128xf32> to vector<512x128xf32>
    %add3A_22 = arith.addf %mul3A_17, %add3A_21 : vector<512x128xf32>
    %max3A = arith.constant 0.000000e+00 : f32
    %max3A_23 = vector.broadcast %max3A : f32 to vector<512x128xf32>
    %max3A_24 = arith.maximumf %add3A_22, %max3A_23 : vector<512x128xf32>
    %get3A_25 = arith.constant 0 : index
    %get3A_26 = arith.constant 0 : index
    %get3A_27 = vector.load %arg4[%get3A_25, %get3A_26] : memref<1x128xf32, #tpu.memory_space<vmem>>, vector<1x128xf32>
    %get3A_28 = arith.constant 0 : index
    %get3A_29 = arith.constant 0 : index
    %get3A_30 = vector.load %arg5[%get3A_28, %get3A_29] : memref<1x128xf32, #tpu.memory_space<vmem>>, vector<1x128xf32>
    %reduce_sum3A = arith.constant dense<0.000000e+00> : vector<512xf32>
    %reduce_sum3A_31 = vector.multi_reduction <add>, %max3A_24, %reduce_sum3A [1] : vector<512x128xf32> to vector<512xf32>
    %broadcast_in_dim3A = vector.shape_cast %reduce_sum3A_31 : vector<512xf32> to vector<512x1xf32>
    %div3A = arith.constant 1.280000e+02 : f32
    %div3A_32 = vector.broadcast %div3A : f32 to vector<512x1xf32>
    %div3A_33 = arith.divf %broadcast_in_dim3A, %div3A_32 : vector<512x1xf32>
    %sub3A = vector.broadcast %div3A_33 : vector<512x1xf32> to vector<512x128xf32>
    %sub3A_34 = arith.subf %max3A_24, %sub3A : vector<512x128xf32>
    %mul3A_35 = arith.mulf %sub3A_34, %sub3A_34 : vector<512x128xf32>
    %reduce_sum3A_36 = arith.constant dense<0.000000e+00> : vector<512xf32>
    %reduce_sum3A_37 = vector.multi_reduction <add>, %mul3A_35, %reduce_sum3A_36 [1] : vector<512x128xf32> to vector<512xf32>
    %broadcast_in_dim3A_38 = vector.shape_cast %reduce_sum3A_37 : vector<512xf32> to vector<512x1xf32>
    %div3A_39 = arith.constant 1.280000e+02 : f32
    %div3A_40 = vector.broadcast %div3A_39 : f32 to vector<512x1xf32>
    %div3A_41 = arith.divf %broadcast_in_dim3A_38, %div3A_40 : vector<512x1xf32>
    %add3A_42 = arith.constant 9.99999974E-6 : f32
    %add3A_43 = vector.broadcast %add3A_42 : f32 to vector<512x1xf32>
    %add3A_44 = arith.addf %div3A_41, %add3A_43 : vector<512x1xf32>
    %rsqrt3A_45 = math.rsqrt %add3A_44 : vector<512x1xf32>
    %mul3A_46 = vector.broadcast %rsqrt3A_45 : vector<512x1xf32> to vector<512x128xf32>
    %mul3A_47 = arith.mulf %sub3A_34, %mul3A_46 : vector<512x128xf32>
    %mul3A_48 = vector.broadcast %get3A_27 : vector<1x128xf32> to vector<512x128xf32>
    %mul3A_49 = arith.mulf %mul3A_47, %mul3A_48 : vector<512x128xf32>
    %add3A_50 = vector.broadcast %get3A_30 : vector<1x128xf32> to vector<512x128xf32>
    %add3A_51 = arith.addf %mul3A_49, %add3A_50 : vector<512x128xf32>
    %get3A_52 = arith.constant 0 : index
    %get3A_53 = arith.constant 0 : index
    %get3A_54 = vector.load %arg6[%get3A_52, %get3A_53] : memref<128x128xf32, #tpu.memory_space<vmem>>, vector<128x128xf32>
    %dot_general3A = arith.constant dense<0.000000e+00> : vector<512x128xf32>
    %dot_general3A_55 = tpu.matmul %add3A_51, %get3A_54, %dot_general3A {dimension_numbers = #tpu.dot_dimension_numbers<[1], [0], [0], [1], [0, 0, 1, 1], [], []>, transpose_lhs_hint = false} : vector<512x128xf32>, vector<128x128xf32>, vector<512x128xf32> -> vector<512x128xf32>
    %mul3A_56 = vector.broadcast %rsqrt3A : vector<512x1xf32> to vector<512x128xf32>
    %mul3A_57 = arith.mulf %dot_general3A_55, %mul3A_56 : vector<512x128xf32>
    %swap3A = arith.constant 0 : index
    %swap3A_58 = arith.constant 0 : index
    %swap3A_59 = vector.load %arg7[%swap3A, %swap3A_58] : memref<512x128xf32, #tpu.memory_space<vmem>>, vector<512x128xf32>
    tpu.vector_store %arg7[%swap3A, %swap3A_58], %mul3A_57 {strides = array<i32>} : memref<512x128xf32, #tpu.memory_space<vmem>>, vector<512x128xf32>,
    return
  }
  func.func @transform_0(%arg0: i32) -> (i32, i32, i32) {
    %c0_i32 = arith.constant 0 : i32
    %c0_i32_0 = arith.constant 0 : i32
    %c0_i32_1 = arith.constant 0 : i32
    return %c0_i32, %arg0, %c0_i32_0 : i32, i32, i32
  }
  func.func @transform_1(%arg0: i32) -> (i32, i32, i32) {
    %c0_i32 = arith.constant 0 : i32
    %c0_i32_0 = arith.constant 0 : i32
    %c0_i32_1 = arith.constant 0 : i32
    return %c0_i32, %arg0, %c0_i32_0 : i32, i32, i32
  }
  func.func @transform_2(%arg0: i32) -> (i32, i32) {
    %c0_i32 = arith.constant 0 : i32
    %c0_i32_0 = arith.constant 0 : i32
    %c0_i32_1 = arith.constant 0 : i32
    return %c0_i32, %c0_i32_0 : i32, i32
  }
  func.func @transform_3(%arg0: i32) -> (i32, i32) {
    %c0_i32 = arith.constant 0 : i32
    %c0_i32_0 = arith.constant 0 : i32
    %c0_i32_1 = arith.constant 0 : i32
    return %c0_i32, %c0_i32_0 : i32, i32
  }
  func.func @transform_4(%arg0: i32) -> (i32, i32) {
    %c0_i32 = arith.constant 0 : i32
    %c0_i32_0 = arith.constant 0 : i32
    %c0_i32_1 = arith.constant 0 : i32
    return %c0_i32, %c0_i32_0 : i32, i32
  }
  func.func @transform_5(%arg0: i32) -> (i32, i32) {
    %c0_i32 = arith.constant 0 : i32
    %c0_i32_0 = arith.constant 0 : i32
    %c0_i32_1 = arith.constant 0 : i32
    return %c0_i32, %c0_i32_0 : i32, i32
  }
  func.func @transform_6(%arg0: i32) -> (i32, i32) {
    %c0_i32 = arith.constant 0 : i32
    %c0_i32_0 = arith.constant 0 : i32
    return %arg0, %c0_i32 : i32, i32
  }
}

module attributes {stable_mosaic.version = 14 : i64} {
  func.func @_final_body(%arg0: i32, %arg1: memref<2x512x128xf32, #tpu.memory_space<vmem>>, %arg2: memref<2x512x128xf32, #tpu.memory_space<vmem>>, %arg3: memref<1x128xf32, #tpu.memory_space<vmem>>, %arg4: memref<1x128xf32, #tpu.memory_space<vmem>>, %arg5: memref<1x128xf32, #tpu.memory_space<vmem>>, %arg6: memref<512x128xf32, #tpu.memory_space<vmem>>, %arg7: memref<128x256xf32, #tpu.memory_space<vmem>>, %arg8: memref<1x256xf32, #tpu.memory_space<vmem>>, %arg9: memref<256x256xf32, #tpu.memory_space<vmem>>, %arg10: memref<1x256xf32, #tpu.memory_space<vmem>>, %arg11: memref<256x128xf32, #tpu.memory_space<vmem>>, %arg12: memref<1x128xf32, #tpu.memory_space<vmem>>, %arg13: memref<128x128xf32, #tpu.memory_space<vmem>>, %arg14: memref<1x128xf32, #tpu.memory_space<vmem>>, %arg15: memref<512x128xf32, #tpu.memory_space<vmem>>) attributes {dimension_semantics = [#tpu.dimension_semantics<arbitrary>], iteration_bounds = array<i64: 20>, scalar_prefetch = 0 : i64, scratch_operands = 0 : i64, tpu.core_type = #tpu.core_type<tc>, window_params = [{transform_indices = @transform_0, window_bounds = array<i64: 2, 512, 128>}, {transform_indices = @transform_1, window_bounds = array<i64: 2, 512, 128>}, {pipeline_mode = #tpu.pipeline_mode<synchronous>, transform_indices = @transform_2, window_bounds = array<i64: 1, 128>}, {pipeline_mode = #tpu.pipeline_mode<synchronous>, transform_indices = @transform_3, window_bounds = array<i64: 1, 128>}, {pipeline_mode = #tpu.pipeline_mode<synchronous>, transform_indices = @transform_4, window_bounds = array<i64: 1, 128>}, {transform_indices = @transform_5, window_bounds = array<i64: 512, 128>}, {pipeline_mode = #tpu.pipeline_mode<synchronous>, transform_indices = @transform_6, window_bounds = array<i64: 128, 256>}, {pipeline_mode = #tpu.pipeline_mode<synchronous>, transform_indices = @transform_7, window_bounds = array<i64: 1, 256>}, {pipeline_mode = #tpu.pipeline_mode<synchronous>, transform_indices = @transform_8, window_bounds = array<i64: 256, 256>}, {pipeline_mode = #tpu.pipeline_mode<synchronous>, transform_indices = @transform_9, window_bounds = array<i64: 1, 256>}, {pipeline_mode = #tpu.pipeline_mode<synchronous>, transform_indices = @transform_10, window_bounds = array<i64: 256, 128>}, {pipeline_mode = #tpu.pipeline_mode<synchronous>, transform_indices = @transform_11, window_bounds = array<i64: 1, 128>}, {pipeline_mode = #tpu.pipeline_mode<synchronous>, transform_indices = @transform_12, window_bounds = array<i64: 128, 128>}, {pipeline_mode = #tpu.pipeline_mode<synchronous>, transform_indices = @transform_13, window_bounds = array<i64: 1, 128>}, {transform_indices = @transform_14, window_bounds = array<i64: 512, 128>}]} {
    %get3A = arith.constant 0 : index
    %get3A_0 = arith.constant 0 : index
    %get3A_1 = arith.constant 0 : index
    %get3A_2 = vector.load %arg2[%get3A, %get3A_0, %get3A_1] : memref<2x512x128xf32, #tpu.memory_space<vmem>>, vector<2x512x128xf32>
    %slice3A = vector.extract_strided_slice %get3A_2 {offsets = [0, 0, 0], sizes = [1, 512, 1], strides = [1, 1, 1]} : vector<2x512x128xf32> to vector<1x512x1xf32>
    %squeeze3A = vector.shape_cast %slice3A : vector<1x512x1xf32> to vector<512x1xf32>
    %slice3A_3 = vector.extract_strided_slice %get3A_2 {offsets = [1, 0, 0], sizes = [1, 512, 1], strides = [1, 1, 1]} : vector<2x512x128xf32> to vector<1x512x1xf32>
    %squeeze3A_4 = vector.shape_cast %slice3A_3 : vector<1x512x1xf32> to vector<512x1xf32>
    %add3A = arith.addf %squeeze3A, %squeeze3A_4 : vector<512x1xf32>
    %add3A_5 = arith.constant 1.000000e+00 : f32
    %add3A_6 = vector.broadcast %add3A_5 : f32 to vector<512x1xf32>
    %add3A_7 = arith.addf %add3A, %add3A_6 : vector<512x1xf32>
    %rsqrt3A = math.rsqrt %add3A_7 : vector<512x1xf32>
    %get3A_8 = arith.constant 0 : index
    %get3A_9 = arith.constant 0 : index
    %get3A_10 = arith.constant 0 : index
    %get3A_11 = vector.load %arg1[%get3A_8, %get3A_9, %get3A_10] : memref<2x512x128xf32, #tpu.memory_space<vmem>>, vector<2x512x128xf32>
    %slice3A_12 = vector.extract_strided_slice %get3A_11 {offsets = [0, 0, 0], sizes = [1, 512, 128], strides = [1, 1, 1]} : vector<2x512x128xf32> to vector<1x512x128xf32>
    %squeeze3A_13 = vector.shape_cast %slice3A_12 : vector<1x512x128xf32> to vector<512x128xf32>
    %slice3A_14 = vector.extract_strided_slice %get3A_11 {offsets = [1, 0, 0], sizes = [1, 512, 128], strides = [1, 1, 1]} : vector<2x512x128xf32> to vector<1x512x128xf32>
    %squeeze3A_15 = vector.shape_cast %slice3A_14 : vector<1x512x128xf32> to vector<512x128xf32>
    %add3A_16 = arith.addf %squeeze3A_13, %squeeze3A_15 : vector<512x128xf32>
    %mul3A = vector.broadcast %rsqrt3A : vector<512x1xf32> to vector<512x128xf32>
    %mul3A_17 = arith.mulf %add3A_16, %mul3A : vector<512x128xf32>
    %get3A_18 = arith.constant 0 : index
    %get3A_19 = arith.constant 0 : index
    %get3A_20 = vector.load %arg3[%get3A_18, %get3A_19] : memref<1x128xf32, #tpu.memory_space<vmem>>, vector<1x128xf32>
    %add3A_21 = vector.broadcast %get3A_20 : vector<1x128xf32> to vector<512x128xf32>
    %add3A_22 = arith.addf %mul3A_17, %add3A_21 : vector<512x128xf32>
    %max3A = arith.constant 0.000000e+00 : f32
    %max3A_23 = vector.broadcast %max3A : f32 to vector<512x128xf32>
    %max3A_24 = arith.maximumf %add3A_22, %max3A_23 : vector<512x128xf32>
    %get3A_25 = arith.constant 0 : index
    %get3A_26 = arith.constant 0 : index
    %get3A_27 = vector.load %arg4[%get3A_25, %get3A_26] : memref<1x128xf32, #tpu.memory_space<vmem>>, vector<1x128xf32>
    %get3A_28 = arith.constant 0 : index
    %get3A_29 = arith.constant 0 : index
    %get3A_30 = vector.load %arg5[%get3A_28, %get3A_29] : memref<1x128xf32, #tpu.memory_space<vmem>>, vector<1x128xf32>
    %reduce_sum3A = arith.constant dense<0.000000e+00> : vector<512xf32>
    %reduce_sum3A_31 = vector.multi_reduction <add>, %max3A_24, %reduce_sum3A [1] : vector<512x128xf32> to vector<512xf32>
    %broadcast_in_dim3A = vector.shape_cast %reduce_sum3A_31 : vector<512xf32> to vector<512x1xf32>
    %div3A = arith.constant 1.280000e+02 : f32
    %div3A_32 = vector.broadcast %div3A : f32 to vector<512x1xf32>
    %div3A_33 = arith.divf %broadcast_in_dim3A, %div3A_32 : vector<512x1xf32>
    %sub3A = vector.broadcast %div3A_33 : vector<512x1xf32> to vector<512x128xf32>
    %sub3A_34 = arith.subf %max3A_24, %sub3A : vector<512x128xf32>
    %mul3A_35 = arith.mulf %sub3A_34, %sub3A_34 : vector<512x128xf32>
    %reduce_sum3A_36 = arith.constant dense<0.000000e+00> : vector<512xf32>
    %reduce_sum3A_37 = vector.multi_reduction <add>, %mul3A_35, %reduce_sum3A_36 [1] : vector<512x128xf32> to vector<512xf32>
    %broadcast_in_dim3A_38 = vector.shape_cast %reduce_sum3A_37 : vector<512xf32> to vector<512x1xf32>
    %div3A_39 = arith.constant 1.280000e+02 : f32
    %div3A_40 = vector.broadcast %div3A_39 : f32 to vector<512x1xf32>
    %div3A_41 = arith.divf %broadcast_in_dim3A_38, %div3A_40 : vector<512x1xf32>
    %add3A_42 = arith.constant 9.99999974E-6 : f32
    %add3A_43 = vector.broadcast %add3A_42 : f32 to vector<512x1xf32>
    %add3A_44 = arith.addf %div3A_41, %add3A_43 : vector<512x1xf32>
    %rsqrt3A_45 = math.rsqrt %add3A_44 : vector<512x1xf32>
    %mul3A_46 = vector.broadcast %rsqrt3A_45 : vector<512x1xf32> to vector<512x128xf32>
    %mul3A_47 = arith.mulf %sub3A_34, %mul3A_46 : vector<512x128xf32>
    %mul3A_48 = vector.broadcast %get3A_27 : vector<1x128xf32> to vector<512x128xf32>
    %mul3A_49 = arith.mulf %mul3A_47, %mul3A_48 : vector<512x128xf32>
    %add3A_50 = vector.broadcast %get3A_30 : vector<1x128xf32> to vector<512x128xf32>
    %add3A_51 = arith.addf %mul3A_49, %add3A_50 : vector<512x128xf32>
    %get3A_52 = arith.constant 0 : index
    %get3A_53 = arith.constant 0 : index
    %get3A_54 = vector.load %arg6[%get3A_52, %get3A_53] : memref<512x128xf32, #tpu.memory_space<vmem>>, vector<512x128xf32>
    %get3A_55 = arith.constant 0 : index
    %get3A_56 = arith.constant 0 : index
    %get3A_57 = vector.load %arg7[%get3A_55, %get3A_56] : memref<128x256xf32, #tpu.memory_space<vmem>>, vector<128x256xf32>
    %dot_general3A = arith.constant dense<0.000000e+00> : vector<512x256xf32>
    %dot_general3A_58 = tpu.matmul %get3A_54, %get3A_57, %dot_general3A {dimension_numbers = #tpu.dot_dimension_numbers<[1], [0], [0], [1], [0, 0, 1, 1], [], []>, transpose_lhs_hint = false} : vector<512x128xf32>, vector<128x256xf32>, vector<512x256xf32> -> vector<512x256xf32>
    %get3A_59 = arith.constant 0 : index
    %get3A_60 = arith.constant 0 : index
    %get3A_61 = vector.load %arg8[%get3A_59, %get3A_60] : memref<1x256xf32, #tpu.memory_space<vmem>>, vector<1x256xf32>
    %add3A_62 = vector.broadcast %get3A_61 : vector<1x256xf32> to vector<512x256xf32>
    %add3A_63 = arith.addf %dot_general3A_58, %add3A_62 : vector<512x256xf32>
    %max3A_64 = arith.constant 0.000000e+00 : f32
    %max3A_65 = vector.broadcast %max3A_64 : f32 to vector<512x256xf32>
    %max3A_66 = arith.maximumf %add3A_63, %max3A_65 : vector<512x256xf32>
    %get3A_67 = arith.constant 0 : index
    %get3A_68 = arith.constant 0 : index
    %get3A_69 = vector.load %arg9[%get3A_67, %get3A_68] : memref<256x256xf32, #tpu.memory_space<vmem>>, vector<256x256xf32>
    %dot_general3A_70 = arith.constant dense<0.000000e+00> : vector<512x256xf32>
    %dot_general3A_71 = tpu.matmul %max3A_66, %get3A_69, %dot_general3A_70 {dimension_numbers = #tpu.dot_dimension_numbers<[1], [0], [0], [1], [0, 0, 1, 1], [], []>, transpose_lhs_hint = false} : vector<512x256xf32>, vector<256x256xf32>, vector<512x256xf32> -> vector<512x256xf32>
    %get3A_72 = arith.constant 0 : index
    %get3A_73 = arith.constant 0 : index
    %get3A_74 = vector.load %arg10[%get3A_72, %get3A_73] : memref<1x256xf32, #tpu.memory_space<vmem>>, vector<1x256xf32>
    %add3A_75 = vector.broadcast %get3A_74 : vector<1x256xf32> to vector<512x256xf32>
    %add3A_76 = arith.addf %dot_general3A_71, %add3A_75 : vector<512x256xf32>
    %max3A_77 = arith.constant 0.000000e+00 : f32
    %max3A_78 = vector.broadcast %max3A_77 : f32 to vector<512x256xf32>
    %max3A_79 = arith.maximumf %add3A_76, %max3A_78 : vector<512x256xf32>
    %get3A_80 = arith.constant 0 : index
    %get3A_81 = arith.constant 0 : index
    %get3A_82 = vector.load %arg11[%get3A_80, %get3A_81] : memref<256x128xf32, #tpu.memory_space<vmem>>, vector<256x128xf32>
    %dot_general3A_83 = arith.constant dense<0.000000e+00> : vector<512x128xf32>
    %dot_general3A_84 = tpu.matmul %max3A_79, %get3A_82, %dot_general3A_83 {dimension_numbers = #tpu.dot_dimension_numbers<[1], [0], [0], [1], [0, 0, 1, 1], [], []>, transpose_lhs_hint = false} : vector<512x256xf32>, vector<256x128xf32>, vector<512x128xf32> -> vector<512x128xf32>
    %get3A_85 = arith.constant 0 : index
    %get3A_86 = arith.constant 0 : index
    %get3A_87 = vector.load %arg12[%get3A_85, %get3A_86] : memref<1x128xf32, #tpu.memory_space<vmem>>, vector<1x128xf32>
    %add3A_88 = vector.broadcast %get3A_87 : vector<1x128xf32> to vector<512x128xf32>
    %add3A_89 = arith.addf %dot_general3A_84, %add3A_88 : vector<512x128xf32>
    %max3A_90 = arith.constant 0.000000e+00 : f32
    %max3A_91 = vector.broadcast %max3A_90 : f32 to vector<512x128xf32>
    %max3A_92 = arith.maximumf %add3A_89, %max3A_91 : vector<512x128xf32>
    %get3A_93 = arith.constant 0 : index
    %get3A_94 = arith.constant 0 : index
    %get3A_95 = vector.load %arg13[%get3A_93, %get3A_94] : memref<128x128xf32, #tpu.memory_space<vmem>>, vector<128x128xf32>
    %dot_general3A_96 = arith.constant dense<0.000000e+00> : vector<512x128xf32>
    %dot_general3A_97 = tpu.matmul %max3A_92, %get3A_95, %dot_general3A_96 {dimension_numbers = #tpu.dot_dimension_numbers<[1], [0], [0], [1], [0, 0, 1, 1], [], []>, transpose_lhs_hint = false} : vector<512x128xf32>, vector<128x128xf32>, vector<512x128xf32> -> vector<512x128xf32>
    %get3A_98 = arith.constant 0 : index
    %get3A_99 = arith.constant 0 : index
    %get3A_100 = vector.load %arg14[%get3A_98, %get3A_99] : memref<1x128xf32, #tpu.memory_space<vmem>>, vector<1x128xf32>
    %add3A_101 = vector.broadcast %get3A_100 : vector<1x128xf32> to vector<512x128xf32>
    %add3A_102 = arith.addf %dot_general3A_97, %add3A_101 : vector<512x128xf32>
    %add3A_103 = arith.addf %add3A_51, %add3A_102 : vector<512x128xf32>
    %mul3A_104 = arith.constant 5.000000e-01 : f32
    %mul3A_105 = vector.broadcast %mul3A_104 : f32 to vector<512x128xf32>
    %mul3A_106 = arith.mulf %add3A_103, %mul3A_105 : vector<512x128xf32>
    %swap3A = arith.constant 0 : index
    %swap3A_107 = arith.constant 0 : index
    %swap3A_108 = vector.load %arg15[%swap3A, %swap3A_107] : memref<512x128xf32, #tpu.memory_space<vmem>>, vector<512x128xf32>
    tpu.vector_store %arg15[%swap3A, %swap3A_107], %mul3A_106 {strides = array<i32>} : memref<512x128xf32, #tpu.memory_space<vmem>>, vector<512x128xf32>,
    return
  }
  func.func @transform_0(%arg0: i32) -> (i32, i32, i32) {
    %c0_i32 = arith.constant 0 : i32
    %c0_i32_0 = arith.constant 0 : i32
    %c0_i32_1 = arith.constant 0 : i32
    return %c0_i32, %arg0, %c0_i32_0 : i32, i32, i32
  }
  func.func @transform_1(%arg0: i32) -> (i32, i32, i32) {
    %c0_i32 = arith.constant 0 : i32
    %c0_i32_0 = arith.constant 0 : i32
    %c0_i32_1 = arith.constant 0 : i32
    return %c0_i32, %arg0, %c0_i32_0 : i32, i32, i32
  }
  func.func @transform_2(%arg0: i32) -> (i32, i32) {
    %c0_i32 = arith.constant 0 : i32
    %c0_i32_0 = arith.constant 0 : i32
    %c0_i32_1 = arith.constant 0 : i32
    return %c0_i32, %c0_i32_0 : i32, i32
  }
  func.func @transform_3(%arg0: i32) -> (i32, i32) {
    %c0_i32 = arith.constant 0 : i32
    %c0_i32_0 = arith.constant 0 : i32
    %c0_i32_1 = arith.constant 0 : i32
    return %c0_i32, %c0_i32_0 : i32, i32
  }
  func.func @transform_4(%arg0: i32) -> (i32, i32) {
    %c0_i32 = arith.constant 0 : i32
    %c0_i32_0 = arith.constant 0 : i32
    %c0_i32_1 = arith.constant 0 : i32
    return %c0_i32, %c0_i32_0 : i32, i32
  }
  func.func @transform_5(%arg0: i32) -> (i32, i32) {
    %c0_i32 = arith.constant 0 : i32
    %c0_i32_0 = arith.constant 0 : i32
    return %arg0, %c0_i32 : i32, i32
  }
  func.func @transform_6(%arg0: i32) -> (i32, i32) {
    %c0_i32 = arith.constant 0 : i32
    %c0_i32_0 = arith.constant 0 : i32
    %c0_i32_1 = arith.constant 0 : i32
    return %c0_i32, %c0_i32_0 : i32, i32
  }
  func.func @transform_7(%arg0: i32) -> (i32, i32) {
    %c0_i32 = arith.constant 0 : i32
    %c0_i32_0 = arith.constant 0 : i32
    %c0_i32_1 = arith.constant 0 : i32
    return %c0_i32, %c0_i32_0 : i32, i32
  }
  func.func @transform_8(%arg0: i32) -> (i32, i32) {
    %c0_i32 = arith.constant 0 : i32
    %c0_i32_0 = arith.constant 0 : i32
    %c0_i32_1 = arith.constant 0 : i32
    return %c0_i32, %c0_i32_0 : i32, i32
  }
  func.func @transform_9(%arg0: i32) -> (i32, i32) {
    %c0_i32 = arith.constant 0 : i32
    %c0_i32_0 = arith.constant 0 : i32
    %c0_i32_1 = arith.constant 0 : i32
    return %c0_i32, %c0_i32_0 : i32, i32
  }
  func.func @transform_10(%arg0: i32) -> (i32, i32) {
    %c0_i32 = arith.constant 0 : i32
    %c0_i32_0 = arith.constant 0 : i32
    %c0_i32_1 = arith.constant 0 : i32
    return %c0_i32, %c0_i32_0 : i32, i32
  }
  func.func @transform_11(%arg0: i32) -> (i32, i32) {
    %c0_i32 = arith.constant 0 : i32
    %c0_i32_0 = arith.constant 0 : i32
    %c0_i32_1 = arith.constant 0 : i32
    return %c0_i32, %c0_i32_0 : i32, i32
  }
  func.func @transform_12(%arg0: i32) -> (i32, i32) {
    %c0_i32 = arith.constant 0 : i32
    %c0_i32_0 = arith.constant 0 : i32
    %c0_i32_1 = arith.constant 0 : i32
    return %c0_i32, %c0_i32_0 : i32, i32
  }
  func.func @transform_13(%arg0: i32) -> (i32, i32) {
    %c0_i32 = arith.constant 0 : i32
    %c0_i32_0 = arith.constant 0 : i32
    %c0_i32_1 = arith.constant 0 : i32
    return %c0_i32, %c0_i32_0 : i32, i32
  }
  func.func @transform_14(%arg0: i32) -> (i32, i32) {
    %c0_i32 = arith.constant 0 : i32
    %c0_i32_0 = arith.constant 0 : i32
    return %arg0, %c0_i32 : i32, i32
  }
}

</mosaic_0001>

<sc_bundles>
// kernel: kernel.10.cloned.1.call-start
scs
__scs_entry_jumppad:
0x0: {  	(pc) =	sbr.rel $0x88, $3  }
0x1: {  	(tag) =	ssettag $0x0;
	lr =	simm.s32 $0x1  }
0x2: {  	[smem:$0x3F8B] =	sst lr;
	_ =	strace $0xD0000000  }
0x3: {  	_ = 	snop  }
0x4: {  	_ = 	snop  }
0x5: {  	_ = 	snop  }
0x6: {  	_ = 	snop  }
0x7: {  	_ = 	snop  }
__scs_overlays_trampoline_lowered:
0x8: {  	[smem:$0x3F9A] =	sst s0  }
0x9: {  	[smem:$0x3F9B] =	sst s1  }
0xa: {  	[smem:$0x3F9C] =	sst s2  }
0xb: {  	[smem:$0x3F9D] =	sst s3  }
0xc: {  	[smem:$0x3F9E] =	sst s4  }
0xd: {  	[smem:$0x3F9F] =	sst s5  }
0xe: {  	[smem:$0x3FA0] =	sst s6  }
0xf: {  	[smem:$0x3FA1] =	sst s7  }
0x10: {  	[smem:$0x3FA2] =	sst s8  }
0x11: {  	[smem:$0x3FA3] =	sst s9;
	s0 =	simm.s32 @!p0 $0x0  }
0x12: {  	s1 =	sld [smem:$0x3F89];
	s0 =	simm.s32 @p0 $0x1  }
0x13: {  	[smem:$0x3FA4] =	sst s0;
	s0 =	simm.s32 @!p1 $0x0  }
0x14: {  	s2 =	sld [smem:$0x3F88];
	s0 =	simm.s32 @p1 $0x1  }
0x15: {  	[smem:$0x3FA5] =	sst s0;
	s0 =	simm.s32 @!p2 $0x0  }
0x16: {  	s3 =	sld [smem:$0x3FDB];
	s0 =	simm.s32 @p2 $0x1  }
0x17: {  	s4 =	simm.s32 $0x1BF5;
	[smem:$0x3FA7] =	sst s0  }
0x18: {  	s0 =	sld [smem:$0x3F8A];
	_ =	swait.ge [sflag:s4], $0x0  }
0x19: {  	s7 =	sld [smem:$0x3F8B]  }
0x1a: {  	s8 =	sadd.s32 $0xFFFFE003, lr  }
0x1b: {  	s9 =	sadd.s32 $0xFFFFFEF7, lr;
	s5 =	simm.s32 $0xFFFFFFFF;
	p2 =	slt.u32 s8, $0xFFFFF086  }
0x1c: {  	p1 =	slt.u32 s9, $0xF7A;
	s5 =	simm.s32 @!p2 $0x0  }
0x1d: {  	s5 =	simm.s32 @p1 $0x1;
	p0 =	seq.s32 s7, s2  }
0x1e: {  	s7 =	smul.u32 @!p0 $0xF7A, s2;
	p2 =	seq.s32 @!p0 s5, $0x0  }
0x1f: {  	s9 =	smul.u32 $0xF7A, s1;
	s8 =	simm.s32 @!p0 $0x1BF5;
	p2 =	por !p2, p0  }
0x20: {  	[sflag:s8] =	ssyncset.s32 @!p0 $0xFFFFF086;
	s6 =	sadd.s32 @!p0 s3, s7;
	s7 =	simm.s32 @!p0 $0x108  }
0x21: {  	s3 =	sadd.s32 s3, s9;
	s6 =	sadd.s32 @!p0 $0x88, s6;
	s7 =	simm.s32 @p2 $0x1082  }
0x22: {  	[simem:s7], [sflag:s8] =	dma.local @!p0 [hbm:s6], $0xF7A  }
0x23: {  	s9 =	sor.u32 $0xD0000000, s2;
	s6 =	simm.s32 $0x108;
	_ =	swait.ge @!p0 [sflag:s8], $0x0  }
0x24: {  	s3 =	sadd.s32 $0x88, s3;
	s6 =	simm.s32 @!p1 $0x1082;
	[sflag:s4] =	ssyncset.s32 $0xFFFFF086  }
0x25: {  	[simem:s6], [sflag:s4] =	dma.local [hbm:s3], $0xF7A  }
0x26: {  	[smem:$0x3F8B] =	sst s1;
	(tag) =	ssettag s2;
	_ =	strace s9  }
0x27: {  	s1 =	sld [smem:$0x3F9B]  }
0x28: {  	s2 =	sld [smem:$0x3F9C]  }
0x29: {  	s4 =	sld [smem:$0x3F9E]  }
0x2a: {  	p0 =	seq.s32 s5, $0x0;
	s5 =	sld [smem:$0x3F9F]  }
0x2b: {  	s6 =	sld [smem:$0x3FA0]  }
0x2c: {  	s7 =	sld [smem:$0x3FA1]  }
0x2d: {  	s3 =	simm.s32 $0x108;
	s8 =	sld [smem:$0x3FA2]  }
0x2e: {  	s3 =	simm.s32 @!p0 $0x1082;
	s9 =	sld [smem:$0x3FA3]  }
0x2f: {  	lr =	sadd.s32 s0, s3;
	s0 =	sld [smem:$0x3F9A]  }
0x30: {  	s3 =	sld [smem:$0x3F9D]  }
0x31: {  	[smem:$0x3FA6] =	sst s10  }
0x32: {  	s10 =	sld [smem:$0x3FA4];
	_ =	sdelay $0x3  }
0x33: {  	p0 =	seq.s32 s10, $0x1;
	s10 =	sld [smem:$0x3FA6];
	_ =	sdelay $0x3  }
0x34: {  	[smem:$0x3FA6] =	sst s10  }
0x35: {  	s10 =	sld [smem:$0x3FA5];
	_ =	sdelay $0x3  }
0x36: {  	p1 =	seq.s32 s10, $0x1;
	s10 =	sld [smem:$0x3FA6];
	_ =	sdelay $0x3  }
0x37: {  	[smem:$0x3FA6] =	sst s10  }
0x38: {  	s10 =	sld [smem:$0x3FA7]  }
0x39: {  	_ = 	snop;
	(pc) =	sbr.ind lr, $3  }
0x3a: {  	_ = 	snop  }
0x3b: {  	_ = 	snop  }
0x3c: {  	p2 =	seq.s32 s10, $0x1;
	s10 =	sld [smem:$0x3FA6]  }
0x3d: {  	_ =	shalt  }
0x3e: {  	_ =	shalt  }
0x3f: {  	_ =	shalt  }
0x40: {  	_ =	shalt  }
0x41: {  	_ =	shalt  }
0x42: {  	_ =	shalt  }
0x43: {  	_ =	shalt  }
0x44: {  	_ =	shalt  }
0x45: {  	_ =	shalt  }
0x46: {  	_ =	shalt  }
0x47: {  	_ =	shalt  }
0x48: {  	_ =	shalt  }
0x49: {  	_ =	shalt  }
0x4a: {  	_ =	shalt  }
0x4b: {  	_ =	shalt  }
0x4c: {  	_ =	shalt  }
0x4d: {  	_ =	shalt  }
0x4e: {  	_ =	shalt  }
0x4f: {  	_ =	shalt  }
0x50: {  	_ =	shalt  }
0x51: {  	_ =	shalt  }
0x52: {  	_ =	shalt  }
0x53: {  	_ =	shalt  }
0x54: {  	_ =	shalt  }
0x55: {  	_ =	shalt  }
0x56: {  	_ =	shalt  }
0x57: {  	_ =	shalt  }
0x58: {  	_ =	shalt  }
0x59: {  	_ =	shalt  }
0x5a: {  	_ =	shalt  }
0x5b: {  	_ =	shalt  }
0x5c: {  	_ =	shalt  }
0x5d: {  	_ =	shalt  }
0x5e: {  	_ =	shalt  }
0x5f: {  	_ =	shalt  }
0x60: {  	_ =	shalt  }
0x61: {  	_ =	shalt  }
0x62: {  	_ =	shalt  }
0x63: {  	_ =	shalt  }
0x64: {  	_ =	shalt  }
0x65: {  	_ =	shalt  }
0x66: {  	_ =	shalt  }
0x67: {  	_ =	shalt  }
0x68: {  	_ =	shalt  }
0x69: {  	_ =	shalt  }
0x6a: {  	_ =	shalt  }
0x6b: {  	_ =	shalt  }
0x6c: {  	_ =	shalt  }
0x6d: {  	_ =	shalt  }
0x6e: {  	_ =	shalt  }
0x6f: {  	_ =	shalt  }
0x70: {  	_ =	shalt  }
0x71: {  	_ =	shalt  }
0x72: {  	_ =	shalt  }
0x73: {  	_ =	shalt  }
0x74: {  	_ =	shalt  }
0x75: {  	_ =	shalt  }
0x76: {  	_ =	shalt  }
0x77: {  	_ =	shalt  }
0x78: {  	_ =	shalt  }
0x79: {  	_ =	shalt  }
0x7a: {  	_ =	shalt  }
0x7b: {  	_ =	shalt  }
0x7c: {  	_ =	shalt  }
0x7d: {  	_ =	shalt  }
0x7e: {  	_ =	shalt  }
0x7f: {  	_ =	shalt  }
0x80: {  	_ =	shalt  }
0x81: {  	_ =	shalt  }
0x82: {  	_ =	shalt  }
0x83: {  	_ =	shalt  }
0x84: {  	_ =	shalt  }
0x85: {  	_ =	shalt  }
0x86: {  	_ =	shalt  }
0x87: {  	_ =	shalt  }
.Lfunc_end0:
.L_simem_size_0:
called_computation_lowered:
.L_overlay_start_0:
0x88: {  	s2 =	sld [smem:$0x3FD9]  }
0x89: {  	s3 =	sld [smem:$0x3FFE];
	_ =	sdelay $0x1  }
0x8a: {  	s1 =	srdreg.scid  }
0x8b: {  	s0 =	sand.u32 $0x1, s1  }
0x8c: {  	s17 =	sshll.u32 s0, $0xA;
	s2 =	sadd.s32 s3, s2  }
0x8d: {  	s2 =	sadd.s32 s2, s17  }
0x8e: {  	[smem:$0x3FB2] =	sst s2  }
0x8f: {  	_ = 	snop  }
0x90: {  	s2 =	sld [smem:$0x3FD0];
	(tm) =	ssettm $0x1  }
0x91: {  	s18 =	sld [smem:$0x3FFB];
	_ =	sdelay $0x3  }
0x92: {  	_ =	strace s18  }
0x93: {  	s3 =	sld [smem:$0x3FFC];
	_ =	sdelay $0x3  }
0x94: {  	_ =	strace s3  }
0x95: {  	s3 =	sld [smem:$0x3FFD];
	_ =	sdelay $0x3  }
0x96: {  	_ =	strace s3  }
0x97: {  	_ =	strace $0x8FFFFFFF  }
0x98: {  	s19 =	sld [smem:$0x3FDB];
	_ =	sdelay $0x1  }
0x99: {  	s4 =	simm.s32 $_scs_section_size  }
0x9a: {  	s5 =	simm.s32 $_size__tile_overlayer_lowered;
	s6 =	simm.s32 $_tile_overlayer_lowered  }
0x9b: {  	s22 =	simm.s32 $0x1BFF;
	s21 =	sshll.u32 s6, $0x1;
	s3 =	sadd.s32 s4, s19  }
0x9c: {  	s7 =	simm.s32 $0x0;
	s20 =	sshll.u32 s5, $0x1;
	s5 =	sadd.s32 s21, s3  }
0x9d: {  	[timem:s7], [sflag:s22] =	dma.local [hbm:s5], s20  }
0x9e: {  	_ =	swait.ge [sflag:s22], s20  }
0x9f: {  	s4 =	ssub.s32 $0x0, s20;
	[sflag:s22] =	ssyncset.done $0x0  }
0xa0: {  	[sflag:s22] =	ssyncadd.s32 s4;
	_ =	sdelay $0x1  }
0xa1: {  	s23 =	simm.s32 $0x1B8B  }
0xa2: {  	_ =	swait.ge [sflag:s23], $0x1  }
0xa3: {  	[sflag:s23] =	ssyncset.done $0x0  }
0xa4: {  	s25 =	simm.s32 $0x1B8E;
	s24 =	sld [smem:$0x3FFE];
	[sflag:s23] =	ssyncadd.s32 $0xFFFFFFFF  }
0xa5: {  	s26 =	simm.s32 $execute0_lowered;
	[smem:$0x3FD2] =	sst s25  }
0xa6: {  	s5 =	sshll.u32 s26, $0x1;
	_ =	strace $0x80000046;
	[dreg:$0x1] =	wrdreg $0xFFFFFFFF  }
0xa7: {  	s28 =	simm.s32 $_size_execute0_lowered;
	s3 =	sadd.s32 s3, s5;
	[dreg:$0x0] =	wrdreg $0x0  }
0xa8: {  	s5 =	sshll.u32 s28, $0x1;
	[dreg:$0x2] =	wrdreg s3  }
0xa9: {  	[dreg:$0x3] =	wrdreg s5  }
0xaa: {  	[dreg:$0x4] =	wrdreg $0xC0  }
0xab: {  	_ =	task [dreg:s7], $0x5FFFF  }
0xac: {  	[dreg:$0x1] =	wrdreg $0xFFFFFFFF  }
0xad: {  	[dreg:$0x0] =	wrdreg $0x60  }
0xae: {  	[dreg:$0x2] =	wrdreg s2  }
0xaf: {  	[dreg:$0x3] =	wrdreg s24  }
0xb0: {  	[dreg:$0x4] =	wrdreg $0x0  }
0xb1: {  	[dreg:$0x5] =	wrdreg $0x9  }
0xb2: {  	_ =	task.clear_ibuf [dreg:s7], $0x6FFFF;
	_ =	strace $0x90000046  }
0xb3: {  	s29 =	simm.s32 $0x9;
	_ =	strace $0x80000048  }
0xb4: {  	_ =	swait.ge [sflag:s29], $0x1  }
0xb5: {  	[sflag:s29] =	ssyncadd.s32 $0xFFFFFFFF  }
0xb6: {  	_ =	strace $0x90000048  }
0xb7: {  	_ =	sfence  }
0xb8: {  	s30 =	sld [smem:$0x0];
	_ =	sdelay $0x2  }
0xb9: {  	s31 =	sshll.u32 s1, $0xD;
	s1 =	sshrl.u32 s1, $0x2  }
0xba: {  	s3 =	sand.u32 $0x4000, s31;
	s1 =	sadd.s32 s1, s30  }
0xbb: {  	s0 =	sor.u32 s3, s0;
	s1 =	sshll.u32 s1, $0x11  }
0xbc: {  	s0 =	sor.u32 s1, s0  }
0xbd: {  	s0 =	sadd.s32 $0x8F2B, s0  }
0xbe: {  	[sflag:s0] =	ssyncadd.remote.s32 $0x1  }
0xbf: {  	_ =	sfence.sel $0xFFFF  }
0xc0: {  	[dreg:$0x0] =	wrdreg $0xFFFFFFFF;
	(pc) =	sbr.abs _section_cstart, $3  }
0xc1: {  	[dreg:$0x1] =	wrdreg $0xFFFFFFFF  }
0xc2: {  	_ =	task.clear_ibuf [dreg:s7], $0x2FFFF;
	_ =	strace $0x9FFFFFFF  }
0xc3: {  	(tm) =	ssettm $0x7FFFFFFF  }
tec
execute0_lowered:
.L_overlay_start_1:
0x0: {  	(tag) =	ssettag $0x1  }
0x1: {  	s0 =	rddreg [dreg:$0x0]  }
0x2: {  	s3 =	rddreg [dreg:$0x1]  }
0x3: {  	s1 =	rddreg [dreg:$0x2];
	s2 =	simm.s32 $0x0;
	s4 =	srdreg.scid  }
0x4: {  	s9 =	stileid.u32;
	s28 =	simm.s32 $0x18000;
	s29 =	simm.s32 $0x18080  }
0x5: {  	s30 =	simm.s32 $0x1;
	s31 =	simm.s32 $0x80;
	s7 =	smul.u32 $0x50000, s9  }
0x6: {  	[smem:$0x7FF] =	sst s2;
	s4 =	sand.u32 $0x1, s4;
	s15 =	smul.u32 $0x280, s9  }
0x7: {  	s8 =	sadd.s32 $0x4400, s3;
	s10 =	sadd.s32 $0x4C00, s3;
	s22 =	smul.u32 $0x2800, s9  }
0x8: {  	s5 =	smul.u32 $0x28000, s4;
	_ =	strace $0x80000047;
	[dreg:$0x4] =	wrdreg s8  }
0x9: {  	s6 =	sshll.u32 s4, $0x4;
	s12 =	ssub.s32 $0x2, s4;
	[dreg:$0x5] =	wrdreg s10  }
0xa: {  	s4 =	smul.u32 $0x27800, s4;
	s6 =	sor.u32 s9, s6;
	s13 =	sshrl.u32 s12, $0x1  }
0xb: {  	s7 =	sshrl.u32 s7, $0x2;
	s19 =	sadd.s32 $0x80, s15;
	s24 =	sadd.s32 $0x100, s15  }
0xc: {  	s6 =	smul.u32 $0x2780, s6;
	s3 =	sadd.s32 s5, s3;
	s5 =	ssub.s32 s12, s13  }
0xd: {  	s21 =	sshll.u32 s19, $0x7;
	s3 =	sadd.s32 $0x5400, s3;
	s5 =	smax.u32 s5, $0x1  }
0xe: {  	s13 =	sadd.s32 s21, s1;
	s14 =	sshrl.u32 s6, $0x3;
	s6 =	sadd.s32 s7, s1  }
0xf: {  	[dreg:$0x7] =	wrdreg s5;
	s5 =	sshll.u32 s19, $0x4;
	s19 =	sadd.s32 $0x200, s15  }
0x10: {  	s16 =	sadd.s32 s0, s14;
	s17 =	sadd.s32 $0x4000, s6;
	s18 =	sadd.s32 $0x8000, s6  }
0x11: {  	s20 =	sadd.s32 $0xC000, s6;
	s12 =	sadd.s32 $0x10000, s6;
	s14 =	sshll.u32 s24, $0x7  }
0x12: {  	s25 =	sshll.u32 s19, $0x7;
	s21 =	sadd.s32 s5, s3;
	[dreg:$0x8] =	wrdreg s17  }
0x13: {  	s5 =	simm.s32 $0x0;
	s7 =	sadd.s32 $0x4E0, s16;
	[dreg:$0x9] =	wrdreg s18  }
0x14: {  	[dreg:$0xa] =	wrdreg s20;
	s14 =	sadd.s32 s14, s1;
	s16 =	sadd.s32 $0x180, s15  }
0x15: {  	s17 =	smul.u32 $0x2780, s9;
	s20 =	sadd.s32 s22, s3;
	[dreg:$0x6] =	wrdreg s7  }
0x16: {  	s7 =	sshll.u32 s24, $0x4;
	s18 =	sshll.u32 s16, $0x7;
	s23 =	sshll.u32 s16, $0x4  }
0x17: {  	s16 =	sadd.s32 s25, s1;
	s24 =	sshll.u32 s19, $0x4;
	s19 =	simm.s32 $0x14000  }
0x18: {  	s25 =	simm.s32 $0x5;
	s15 =	sadd.s32 s18, s1;
	s4 =	sadd.s32 s17, s4  }
0x19: {  	s22 =	sadd.s32 s7, s3;
	s23 =	sadd.s32 s23, s3;
	s24 =	sadd.s32 s24, s3  }
0x1a: {  	s3 =	simm.s32 $0x3;
	s17 =	sadd.s32 $0x80, s4;
	s4 =	sshrl.u32 s4, $0x3  }
0x1b: {  	s26 =	sshrl.u32 s17, $0x3;
	s17 =	sadd.s32 s4, s0;
	s4 =	simm.s32 $0x4  }
0x1c: {  	s18 =	sadd.s32 s26, s0;
	s26 =	simm.s32 $0x18100;
	s0 =	simm.s32 $0x2  }
.LBB2_1:
0x1d: {  	s7 =	rddreg [dreg:$0x5]  }
0x1e: {  	[tilespmem:s19], [sflag:$0x5] =	stream.linear.gather [hbm4b:s7+s2], $0x4000, $0x38;
	[tilespmem:$0x1C100] =	vst v63  }
0x1f: {  	_ =	swait.ge [sflag:s25], $0x4000  }
0x20: {  	[sflag:s25] =	ssyncset.done $0x0  }
0x21: {  	s10 =	rddreg [dreg:$0x4];
	[sflag:s25] =	ssyncadd.s32 $0xFFFFC000  }
0x22: {  	[tilespmem:s26], [sflag:$0x5] =	stream.linear.gather [hbm4b:s10+s2], $0x4000, $0x38;
	[tilespmem:$0x1C100] =	vst v63  }
0x23: {  	_ =	swait.ge [sflag:s25], $0x4000  }
0x24: {  	[sflag:s25] =	ssyncset.done $0x0  }
0x25: {  	[sflag:s25] =	ssyncadd.s32 $0xFFFFC000  }
0x26: {  	[spmem:s6] =	stream.linear.scatter [tilespmem:s26], [sflag:$0x5], $0x4000, $0x38;
	[tilespmem:$0x1C100] =	vst v63  }
0x27: {  	_ =	swait.ge [sflag:s25], $0x4000  }
0x28: {  	[sflag:s25] =	ssyncset.done $0x0  }
0x29: {  	s11 =	rddreg [dreg:$0x8];
	[sflag:s25] =	ssyncadd.s32 $0xFFFFC000  }
0x2a: {  	[spmem:s11] =	stream.linear.scatter [tilespmem:s26], [sflag:$0x5], $0x4000, $0x38;
	[tilespmem:$0x1C100] =	vst v63  }
0x2b: {  	_ =	swait.ge [sflag:s25], $0x4000  }
0x2c: {  	[sflag:s25] =	ssyncset.done $0x0  }
0x2d: {  	s8 =	rddreg [dreg:$0x9];
	[sflag:s25] =	ssyncadd.s32 $0xFFFFC000  }
0x2e: {  	[spmem:s8] =	stream.linear.scatter [tilespmem:s26], [sflag:$0x5], $0x4000, $0x38;
	[tilespmem:$0x1C100] =	vst v63  }
0x2f: {  	_ =	swait.ge [sflag:s25], $0x4000  }
0x30: {  	[sflag:s25] =	ssyncset.done $0x0  }
0x31: {  	s9 =	rddreg [dreg:$0xa];
	[sflag:s25] =	ssyncadd.s32 $0xFFFFC000  }
0x32: {  	[spmem:s9] =	stream.linear.scatter [tilespmem:s26], [sflag:$0x5], $0x4000, $0x38;
	[tilespmem:$0x1C100] =	vst v63  }
0x33: {  	_ =	swait.ge [sflag:s25], $0x4000  }
0x34: {  	[sflag:s25] =	ssyncset.done $0x0  }
0x35: {  	[sflag:s25] =	ssyncadd.s32 $0xFFFFC000  }
0x36: {  	[spmem:s12] =	stream.linear.scatter [tilespmem:s26], [sflag:$0x5], $0x4000, $0x38;
	[tilespmem:$0x1C100] =	vst v63  }
0x37: {  	_ =	swait.ge [sflag:s25], $0x4000  }
0x38: {  	[sflag:s25] =	ssyncset.done $0x0  }
0x39: {  	[sflag:s25] =	ssyncadd.s32 $0xFFFFC000  }
0x3a: {  	s10 =	sadd.s32 $0x0, s17;
	[bflag:$0x0] =	sbarrier.arrive $0xFFFF  }
0x3b: {  	[tilespmem:s28], [sflag:$0x1] =	stream.linear.gather [hbm4b:s10+s2], $0x80, $0x38;
	[tilespmem:$0x1C100] =	vst v63  }
0x3c: {  	s11 =	sadd.s32 $0x0, s18  }
0x3d: {  	[tilespmem:s29], [sflag:$0x2] =	stream.linear.gather [hbm4b:s11+s2], $0x80, $0x38;
	[tilespmem:$0x1C100] =	vst v63  }
0x3e: {  	_ =	swait.ge [sflag:s30], $0x80  }
0x3f: {  	[sflag:s30] =	ssyncset.done $0x0  }
0x40: {  	[sflag:s30] =	ssyncadd.s32 $0xFFFFFF80  }
0x41: {  	[spmem:s1] =	stream.indirect.scatter.add.f32 [tilespmem:s19], [sflag:$0x3], $0x80, s28, s31, $0xb8;
	[tilespmem:$0x1C100] =	vst v63  }
0x42: {  	_ =	swait.ge [sflag:s0], $0x80  }
0x43: {  	[sflag:s0] =	ssyncset.done $0x0  }
0x44: {  	[sflag:s0] =	ssyncadd.s32 $0xFFFFFF80  }
0x45: {  	[spmem:s1] =	stream.indirect.scatter.add.f32 [tilespmem:s19], [sflag:$0x4], $0x80, s29, s31, $0xb8;
	[tilespmem:$0x1C100] =	vst v63  }
0x46: {  	_ =	swait.ge [sflag:s3], $0x4000  }
0x47: {  	[sflag:s3] =	ssyncset.done $0x0  }
0x48: {  	[sflag:s3] =	ssyncadd.s32 $0xFFFFC000  }
0x49: {  	_ =	swait.ge [sflag:s4], $0x4000  }
0x4a: {  	s7 =	simm.s32 $0x20;
	s8 =	simm.s32 $0x40;
	[sflag:s4] =	ssyncset.done $0x0  }
.LBB2_2:
0x4b: {  	s9 =	sadd.s32 s7, s17  }
0x4c: {  	[sflag:s4] =	ssyncadd.s32 $0xFFFFC000;
	s10 =	smov.u32 s8;
	s11 =	sadd.s32 $0x20, s8  }
0x4d: {  	[tilespmem:s28], [sflag:$0x1] =	stream.linear.gather [hbm4b:s9+s2], $0x80, $0x38;
	[tilespmem:$0x1C100] =	vst v63  }
0x4e: {  	p0 =	sne.s32 s8, $0x4C0;
	s8 =	sadd.s32 s7, s18;
	s7 =	smov.u32 s10  }
0x4f: {  	[tilespmem:s29], [sflag:$0x2] =	stream.linear.gather [hbm4b:s8+s2], $0x80, $0x38;
	[tilespmem:$0x1C100] =	vst v63  }
0x50: {  	_ =	swait.ge [sflag:s30], $0x80  }
0x51: {  	[sflag:s30] =	ssyncset.done $0x0  }
0x52: {  	[sflag:s30] =	ssyncadd.s32 $0xFFFFFF80  }
0x53: {  	[spmem:s1] =	stream.indirect.scatter.add.f32 [tilespmem:s19], [sflag:$0x3], $0x80, s28, s31, $0xb8;
	[tilespmem:$0x1C100] =	vst v63  }
0x54: {  	_ =	swait.ge [sflag:s0], $0x80  }
0x55: {  	[sflag:s0] =	ssyncset.done $0x0  }
0x56: {  	[sflag:s0] =	ssyncadd.s32 $0xFFFFFF80  }
0x57: {  	[spmem:s1] =	stream.indirect.scatter.add.f32 [tilespmem:s19], [sflag:$0x4], $0x80, s29, s31, $0xb8;
	[tilespmem:$0x1C100] =	vst v63  }
.Ltmp0:
0x58: {  	_ =	swait.ge [sflag:s3], $0x4000;
	(pc) =	sbr.rel @p0 .LBB2_2-.Ltmp0, $4  }
0x59: {  	[sflag:s3] =	ssyncset.done $0x0  }
0x5a: {  	[sflag:s3] =	ssyncadd.s32 $0xFFFFC000  }
0x5b: {  	_ =	swait.ge [sflag:s4], $0x4000  }
0x5c: {  	s8 =	smov.u32 s11;
	[sflag:s4] =	ssyncset.done $0x0  }
0x5d: {  	s8 =	sadd.s32 s7, s17;
	[sflag:s4] =	ssyncadd.s32 $0xFFFFC000  }
0x5e: {  	[tilespmem:s28], [sflag:$0x1] =	stream.linear.gather [hbm4b:s8+s2], $0x80, $0x38;
	[tilespmem:$0x1C100] =	vst v63  }
0x5f: {  	s9 =	sadd.s32 s7, s18  }
0x60: {  	[tilespmem:s29], [sflag:$0x2] =	stream.linear.gather [hbm4b:s9+s2], $0x80, $0x38;
	[tilespmem:$0x1C100] =	vst v63  }
0x61: {  	_ =	swait.ge [sflag:s30], $0x80  }
0x62: {  	[sflag:s30] =	ssyncset.done $0x0  }
0x63: {  	[sflag:s30] =	ssyncadd.s32 $0xFFFFFF80  }
0x64: {  	[spmem:s1] =	stream.indirect.scatter.add.f32 [tilespmem:s19], [sflag:$0x3], $0x80, s28, s31, $0xb8;
	[tilespmem:$0x1C100] =	vst v63  }
0x65: {  	_ =	swait.ge [sflag:s0], $0x80  }
0x66: {  	[sflag:s0] =	ssyncset.done $0x0  }
0x67: {  	[sflag:s0] =	ssyncadd.s32 $0xFFFFFF80  }
0x68: {  	[spmem:s1] =	stream.indirect.scatter.add.f32 [tilespmem:s19], [sflag:$0x4], $0x80, s29, s31, $0xb8;
	[tilespmem:$0x1C100] =	vst v63  }
0x69: {  	_ =	swait.ge [sflag:s3], $0x4000  }
0x6a: {  	[sflag:s3] =	ssyncset.done $0x0  }
0x6b: {  	[sflag:s3] =	ssyncadd.s32 $0xFFFFC000  }
0x6c: {  	_ =	swait.ge [sflag:s4], $0x4000  }
0x6d: {  	[sflag:s4] =	ssyncset.done $0x0  }
0x6e: {  	s10 =	rddreg [dreg:$0x6];
	[sflag:s4] =	ssyncadd.s32 $0xFFFFC000  }
0x6f: {  	[tilespmem:s28], [sflag:$0x5] =	stream.linear.gather [hbm4b:s10+s2], $0x80, $0x38;
	[tilespmem:$0x1C100] =	vst v63  }
0x70: {  	_ =	swait.ge [sflag:s25], $0x80  }
0x71: {  	[sflag:s25] =	ssyncset.done $0x0  }
0x72: {  	[sflag:s25] =	ssyncadd.s32 $0xFFFFFF80  }
0x73: {  	[spmem:s1] =	stream.indirect.scatter.add.f32 [tilespmem:s19], [sflag:$0x5], $0x80, s28, s31, $0xb8;
	[tilespmem:$0x1C100] =	vst v63  }
0x74: {  	_ =	swait.ge [sflag:s25], $0x4000  }
0x75: {  	[sflag:s25] =	ssyncset.done $0x0  }
0x76: {  	[sflag:s25] =	ssyncadd.s32 $0xFFFFC000  }
0x77: {  	[bflag:$0x0] =	sbarrier.arrive $0xFFFF  }
0x78: {  	[tilespmem:s26], [sflag:$0x5] =	stream.linear.gather [spmem:s6], $0x4000, $0x38;
	[tilespmem:$0x1C100] =	vst v63  }
0x79: {  	_ =	swait.ge [sflag:s25], $0x4000  }
0x7a: {  	[sflag:s25] =	ssyncset.done $0x0  }
0x7b: {  	[sflag:s25] =	ssyncadd.s32 $0xFFFFC000  }
0x7c: {  	[hbm4b:s20+s2] =	stream.linear.scatter [tilespmem:s26], [sflag:$0x5], $0x4000, $0x38;
	[tilespmem:$0x1C100] =	vst v63  }
0x7d: {  	_ =	swait.ge [sflag:s25], $0x4000  }
0x7e: {  	[sflag:s25] =	ssyncset.done $0x0  }
0x7f: {  	[sflag:s25] =	ssyncadd.s32 $0xFFFFC000  }
0x80: {  	[tilespmem:s26], [sflag:$0x5] =	stream.linear.gather [spmem:s13], $0x4000, $0x38;
	[tilespmem:$0x1C100] =	vst v63  }
0x81: {  	_ =	swait.ge [sflag:s25], $0x4000  }
0x82: {  	[sflag:s25] =	ssyncset.done $0x0  }
0x83: {  	[sflag:s25] =	ssyncadd.s32 $0xFFFFC000  }
0x84: {  	[hbm4b:s21+s2] =	stream.linear.scatter [tilespmem:s26], [sflag:$0x5], $0x4000, $0x38;
	[tilespmem:$0x1C100] =	vst v63  }
0x85: {  	_ =	swait.ge [sflag:s25], $0x4000  }
0x86: {  	[sflag:s25] =	ssyncset.done $0x0  }
0x87: {  	[sflag:s25] =	ssyncadd.s32 $0xFFFFC000  }
0x88: {  	[tilespmem:s26], [sflag:$0x5] =	stream.linear.gather [spmem:s14], $0x4000, $0x38;
	[tilespmem:$0x1C100] =	vst v63  }
0x89: {  	_ =	swait.ge [sflag:s25], $0x4000  }
0x8a: {  	[sflag:s25] =	ssyncset.done $0x0  }
0x8b: {  	[sflag:s25] =	ssyncadd.s32 $0xFFFFC000  }
0x8c: {  	[hbm4b:s22+s2] =	stream.linear.scatter [tilespmem:s26], [sflag:$0x5], $0x4000, $0x38;
	[tilespmem:$0x1C100] =	vst v63  }
0x8d: {  	_ =	swait.ge [sflag:s25], $0x4000  }
0x8e: {  	[sflag:s25] =	ssyncset.done $0x0  }
0x8f: {  	[sflag:s25] =	ssyncadd.s32 $0xFFFFC000  }
0x90: {  	[tilespmem:s26], [sflag:$0x5] =	stream.linear.gather [spmem:s15], $0x4000, $0x38;
	[tilespmem:$0x1C100] =	vst v63  }
0x91: {  	_ =	swait.ge [sflag:s25], $0x4000  }
0x92: {  	[sflag:s25] =	ssyncset.done $0x0  }
0x93: {  	[sflag:s25] =	ssyncadd.s32 $0xFFFFC000  }
0x94: {  	[hbm4b:s23+s2] =	stream.linear.scatter [tilespmem:s26], [sflag:$0x5], $0x4000, $0x38;
	[tilespmem:$0x1C100] =	vst v63  }
0x95: {  	_ =	swait.ge [sflag:s25], $0x4000  }
0x96: {  	[sflag:s25] =	ssyncset.done $0x0  }
0x97: {  	[sflag:s25] =	ssyncadd.s32 $0xFFFFC000  }
0x98: {  	[tilespmem:s26], [sflag:$0x5] =	stream.linear.gather [spmem:s16], $0x4000, $0x38;
	[tilespmem:$0x1C100] =	vst v63  }
0x99: {  	_ =	swait.ge [sflag:s25], $0x4000  }
0x9a: {  	[sflag:s25] =	ssyncset.done $0x0  }
0x9b: {  	[sflag:s25] =	ssyncadd.s32 $0xFFFFC000  }
0x9c: {  	[hbm4b:s24+s2] =	stream.linear.scatter [tilespmem:s26], [sflag:$0x5], $0x4000, $0x38;
	[tilespmem:$0x1C100] =	vst v63  }
0x9d: {  	_ =	swait.ge [sflag:s25], $0x4000  }
0x9e: {  	s5 =	sadd.s32 $0x1, s5;
	s11 =	rddreg [dreg:$0x7]  }
0x9f: {  	p0 =	sne.s32 s5, s11  }
.Ltmp1:
0xa0: {  	_ = 	snop;
	(pc) =	sbr.rel @p0 .LBB2_1-.Ltmp1, $3  }
0xa1: {  	_ =	sdelay $0x1  }
0xa2: {  	[sflag:s25] =	ssyncset.done $0x0  }
0xa3: {  	[sflag:s25] =	ssyncadd.s32 $0xFFFFC000  }
0xa4: {  	_ =	sfence.sel $0x180000  }
0xa5: {  	[bflag:$0x0] =	sbarrier.arrive $0xFFFF  }
0xa6: {  	_ =	strace $0x90000047  }
0xa7: {  	s0 =	stileid.u32;
	[bflag:$0x2] =	sbarrier.arrive $0xFFFF  }
0xa8: {  	p0 =	sne.s32 s0, $0x0;
	s0 =	rddreg [dreg:$0x3]  }
0xa9: {  	s0 =	sadd.s32 @!p0 $0x100000, s0  }
0xaa: {  	[sflag:s0] =	ssyncadd.tile.s32 @!p0 $0x1;
	_ =	shalt  }
.Lfunc_end2:
_tile_overlayer_lowered:
.L_overlay_start_2:
0xab: {  	(tag) =	ssettag $0x2  }
0xac: {  	s0 =	rddreg [dreg:$0x0];
	s2 =	stileid.u32  }
0xad: {  	s1 =	rddreg [dreg:$0x1];
	p0 =	sne.s32 s2, $0x0  }
0xae: {  	s3 =	rddreg [dreg:$0x2];
	[bflag:$0x3] =	sbarrier.arrive $0xFFFF;
	s2 =	simm.s32 @!p0 $0x1C05  }
0xaf: {  	[timem:s3], [sflag:s2] =	dma.local @!p0 [hbm:s0], s1  }
0xb0: {  	s0 =	simm.s32 @!p0 $0x5  }
0xb1: {  	_ =	swait.ge @!p0 [sflag:s0], s1  }
0xb2: {  	s1 =	ssub.s32 @!p0 $0x0, s1;
	[sflag:s0] =	ssyncset.done @!p0 $0x0  }
0xb3: {  	[sflag:s0] =	ssyncadd.s32 @!p0 s1  }
0xb4: {  	[bflag:$0x3] =	sbarrier.arrive $0xFFFF  }
0xb5: {  	_ =	shalt  }

// kernel: kernel.13.cloned.1.call-start
scs
__scs_entry_jumppad:
0x0: {  	(pc) =	sbr.rel $0x88, $3  }
0x1: {  	(tag) =	ssettag $0x0;
	lr =	simm.s32 $0x1  }
0x2: {  	[smem:$0x3F8B] =	sst lr;
	_ =	strace $0xD0000000  }
0x3: {  	_ = 	snop  }
0x4: {  	_ = 	snop  }
0x5: {  	_ = 	snop  }
0x6: {  	_ = 	snop  }
0x7: {  	_ = 	snop  }
__scs_overlays_trampoline_lowered:
0x8: {  	[smem:$0x3F9A] =	sst s0  }
0x9: {  	[smem:$0x3F9B] =	sst s1  }
0xa: {  	[smem:$0x3F9C] =	sst s2  }
0xb: {  	[smem:$0x3F9D] =	sst s3  }
0xc: {  	[smem:$0x3F9E] =	sst s4  }
0xd: {  	[smem:$0x3F9F] =	sst s5  }
0xe: {  	[smem:$0x3FA0] =	sst s6  }
0xf: {  	[smem:$0x3FA1] =	sst s7  }
0x10: {  	[smem:$0x3FA2] =	sst s8  }
0x11: {  	[smem:$0x3FA3] =	sst s9;
	s0 =	simm.s32 @!p0 $0x0  }
0x12: {  	s1 =	sld [smem:$0x3F89];
	s0 =	simm.s32 @p0 $0x1  }
0x13: {  	[smem:$0x3FA4] =	sst s0;
	s0 =	simm.s32 @!p1 $0x0  }
0x14: {  	s2 =	sld [smem:$0x3F88];
	s0 =	simm.s32 @p1 $0x1  }
0x15: {  	[smem:$0x3FA5] =	sst s0;
	s0 =	simm.s32 @!p2 $0x0  }
0x16: {  	s3 =	sld [smem:$0x3FDB];
	s0 =	simm.s32 @p2 $0x1  }
0x17: {  	s4 =	simm.s32 $0x1BF5;
	[smem:$0x3FA7] =	sst s0  }
0x18: {  	s0 =	sld [smem:$0x3F8A];
	_ =	swait.ge [sflag:s4], $0x0  }
0x19: {  	s7 =	sld [smem:$0x3F8B]  }
0x1a: {  	s8 =	sadd.s32 $0xFFFFE003, lr  }
0x1b: {  	s9 =	sadd.s32 $0xFFFFFEF7, lr;
	s5 =	simm.s32 $0xFFFFFFFF;
	p2 =	slt.u32 s8, $0xFFFFF086  }
0x1c: {  	p1 =	slt.u32 s9, $0xF7A;
	s5 =	simm.s32 @!p2 $0x0  }
0x1d: {  	s5 =	simm.s32 @p1 $0x1;
	p0 =	seq.s32 s7, s2  }
0x1e: {  	s7 =	smul.u32 @!p0 $0xF7A, s2;
	p2 =	seq.s32 @!p0 s5, $0x0  }
0x1f: {  	s9 =	smul.u32 $0xF7A, s1;
	s8 =	simm.s32 @!p0 $0x1BF5;
	p2 =	por !p2, p0  }
0x20: {  	[sflag:s8] =	ssyncset.s32 @!p0 $0xFFFFF086;
	s6 =	sadd.s32 @!p0 s3, s7;
	s7 =	simm.s32 @!p0 $0x108  }
0x21: {  	s3 =	sadd.s32 s3, s9;
	s6 =	sadd.s32 @!p0 $0x88, s6;
	s7 =	simm.s32 @p2 $0x1082  }
0x22: {  	[simem:s7], [sflag:s8] =	dma.local @!p0 [hbm:s6], $0xF7A  }
0x23: {  	s9 =	sor.u32 $0xD0000000, s2;
	s6 =	simm.s32 $0x108;
	_ =	swait.ge @!p0 [sflag:s8], $0x0  }
0x24: {  	s3 =	sadd.s32 $0x88, s3;
	s6 =	simm.s32 @!p1 $0x1082;
	[sflag:s4] =	ssyncset.s32 $0xFFFFF086  }
0x25: {  	[simem:s6], [sflag:s4] =	dma.local [hbm:s3], $0xF7A  }
0x26: {  	[smem:$0x3F8B] =	sst s1;
	(tag) =	ssettag s2;
	_ =	strace s9  }
0x27: {  	s1 =	sld [smem:$0x3F9B]  }
0x28: {  	s2 =	sld [smem:$0x3F9C]  }
0x29: {  	s4 =	sld [smem:$0x3F9E]  }
0x2a: {  	p0 =	seq.s32 s5, $0x0;
	s5 =	sld [smem:$0x3F9F]  }
0x2b: {  	s6 =	sld [smem:$0x3FA0]  }
0x2c: {  	s7 =	sld [smem:$0x3FA1]  }
0x2d: {  	s3 =	simm.s32 $0x108;
	s8 =	sld [smem:$0x3FA2]  }
0x2e: {  	s3 =	simm.s32 @!p0 $0x1082;
	s9 =	sld [smem:$0x3FA3]  }
0x2f: {  	lr =	sadd.s32 s0, s3;
	s0 =	sld [smem:$0x3F9A]  }
0x30: {  	s3 =	sld [smem:$0x3F9D]  }
0x31: {  	[smem:$0x3FA6] =	sst s10  }
0x32: {  	s10 =	sld [smem:$0x3FA4];
	_ =	sdelay $0x3  }
0x33: {  	p0 =	seq.s32 s10, $0x1;
	s10 =	sld [smem:$0x3FA6];
	_ =	sdelay $0x3  }
0x34: {  	[smem:$0x3FA6] =	sst s10  }
0x35: {  	s10 =	sld [smem:$0x3FA5];
	_ =	sdelay $0x3  }
0x36: {  	p1 =	seq.s32 s10, $0x1;
	s10 =	sld [smem:$0x3FA6];
	_ =	sdelay $0x3  }
0x37: {  	[smem:$0x3FA6] =	sst s10  }
0x38: {  	s10 =	sld [smem:$0x3FA7]  }
0x39: {  	_ = 	snop;
	(pc) =	sbr.ind lr, $3  }
0x3a: {  	_ = 	snop  }
0x3b: {  	_ = 	snop  }
0x3c: {  	p2 =	seq.s32 s10, $0x1;
	s10 =	sld [smem:$0x3FA6]  }
0x3d: {  	_ =	shalt  }
0x3e: {  	_ =	shalt  }
0x3f: {  	_ =	shalt  }
0x40: {  	_ =	shalt  }
0x41: {  	_ =	shalt  }
0x42: {  	_ =	shalt  }
0x43: {  	_ =	shalt  }
0x44: {  	_ =	shalt  }
0x45: {  	_ =	shalt  }
0x46: {  	_ =	shalt  }
0x47: {  	_ =	shalt  }
0x48: {  	_ =	shalt  }
0x49: {  	_ =	shalt  }
0x4a: {  	_ =	shalt  }
0x4b: {  	_ =	shalt  }
0x4c: {  	_ =	shalt  }
0x4d: {  	_ =	shalt  }
0x4e: {  	_ =	shalt  }
0x4f: {  	_ =	shalt  }
0x50: {  	_ =	shalt  }
0x51: {  	_ =	shalt  }
0x52: {  	_ =	shalt  }
0x53: {  	_ =	shalt  }
0x54: {  	_ =	shalt  }
0x55: {  	_ =	shalt  }
0x56: {  	_ =	shalt  }
0x57: {  	_ =	shalt  }
0x58: {  	_ =	shalt  }
0x59: {  	_ =	shalt  }
0x5a: {  	_ =	shalt  }
0x5b: {  	_ =	shalt  }
0x5c: {  	_ =	shalt  }
0x5d: {  	_ =	shalt  }
0x5e: {  	_ =	shalt  }
0x5f: {  	_ =	shalt  }
0x60: {  	_ =	shalt  }
0x61: {  	_ =	shalt  }
0x62: {  	_ =	shalt  }
0x63: {  	_ =	shalt  }
0x64: {  	_ =	shalt  }
0x65: {  	_ =	shalt  }
0x66: {  	_ =	shalt  }
0x67: {  	_ =	shalt  }
0x68: {  	_ =	shalt  }
0x69: {  	_ =	shalt  }
0x6a: {  	_ =	shalt  }
0x6b: {  	_ =	shalt  }
0x6c: {  	_ =	shalt  }
0x6d: {  	_ =	shalt  }
0x6e: {  	_ =	shalt  }
0x6f: {  	_ =	shalt  }
0x70: {  	_ =	shalt  }
0x71: {  	_ =	shalt  }
0x72: {  	_ =	shalt  }
0x73: {  	_ =	shalt  }
0x74: {  	_ =	shalt  }
0x75: {  	_ =	shalt  }
0x76: {  	_ =	shalt  }
0x77: {  	_ =	shalt  }
0x78: {  	_ =	shalt  }
0x79: {  	_ =	shalt  }
0x7a: {  	_ =	shalt  }
0x7b: {  	_ =	shalt  }
0x7c: {  	_ =	shalt  }
0x7d: {  	_ =	shalt  }
0x7e: {  	_ =	shalt  }
0x7f: {  	_ =	shalt  }
0x80: {  	_ =	shalt  }
0x81: {  	_ =	shalt  }
0x82: {  	_ =	shalt  }
0x83: {  	_ =	shalt  }
0x84: {  	_ =	shalt  }
0x85: {  	_ =	shalt  }
0x86: {  	_ =	shalt  }
0x87: {  	_ =	shalt  }
.Lfunc_end0:
.L_simem_size_0:
called_computation.1_lowered:
.L_overlay_start_0:
0x88: {  	s2 =	sld [smem:$0x3FD9]  }
0x89: {  	s3 =	sld [smem:$0x3FFE];
	_ =	sdelay $0x1  }
0x8a: {  	s1 =	srdreg.scid  }
0x8b: {  	s0 =	sand.u32 $0x1, s1  }
0x8c: {  	s17 =	sshll.u32 s0, $0xA;
	s2 =	sadd.s32 s3, s2  }
0x8d: {  	s2 =	sadd.s32 s2, s17  }
0x8e: {  	[smem:$0x3FB2] =	sst s2  }
0x8f: {  	_ = 	snop  }
0x90: {  	s2 =	sld [smem:$0x3FD0];
	(tm) =	ssettm $0x1  }
0x91: {  	s18 =	sld [smem:$0x3FFB];
	_ =	sdelay $0x3  }
0x92: {  	_ =	strace s18  }
0x93: {  	s3 =	sld [smem:$0x3FFC];
	_ =	sdelay $0x3  }
0x94: {  	_ =	strace s3  }
0x95: {  	s3 =	sld [smem:$0x3FFD];
	_ =	sdelay $0x3  }
0x96: {  	_ =	strace s3  }
0x97: {  	_ =	strace $0x8FFFFFFF  }
0x98: {  	s19 =	sld [smem:$0x3FDB];
	_ =	sdelay $0x1  }
0x99: {  	s4 =	simm.s32 $_scs_section_size  }
0x9a: {  	s5 =	simm.s32 $_size__tile_overlayer_lowered;
	s6 =	simm.s32 $_tile_overlayer_lowered  }
0x9b: {  	s22 =	simm.s32 $0x1BFF;
	s21 =	sshll.u32 s6, $0x1;
	s3 =	sadd.s32 s4, s19  }
0x9c: {  	s7 =	simm.s32 $0x0;
	s20 =	sshll.u32 s5, $0x1;
	s5 =	sadd.s32 s21, s3  }
0x9d: {  	[timem:s7], [sflag:s22] =	dma.local [hbm:s5], s20  }
0x9e: {  	_ =	swait.ge [sflag:s22], s20  }
0x9f: {  	s4 =	ssub.s32 $0x0, s20;
	[sflag:s22] =	ssyncset.done $0x0  }
0xa0: {  	[sflag:s22] =	ssyncadd.s32 s4;
	_ =	sdelay $0x1  }
0xa1: {  	s23 =	simm.s32 $0x1B8B  }
0xa2: {  	_ =	swait.ge [sflag:s23], $0x1  }
0xa3: {  	[sflag:s23] =	ssyncset.done $0x0  }
0xa4: {  	s25 =	simm.s32 $0x1B8E;
	s24 =	sld [smem:$0x3FFE];
	[sflag:s23] =	ssyncadd.s32 $0xFFFFFFFF  }
0xa5: {  	s26 =	simm.s32 $execute0_lowered;
	[smem:$0x3FD2] =	sst s25  }
0xa6: {  	s5 =	sshll.u32 s26, $0x1;
	_ =	strace $0x80000049;
	[dreg:$0x1] =	wrdreg $0xFFFFFFFF  }
0xa7: {  	s28 =	simm.s32 $_size_execute0_lowered;
	s3 =	sadd.s32 s3, s5;
	[dreg:$0x0] =	wrdreg $0x0  }
0xa8: {  	s5 =	sshll.u32 s28, $0x1;
	[dreg:$0x2] =	wrdreg s3  }
0xa9: {  	[dreg:$0x3] =	wrdreg s5  }
0xaa: {  	[dreg:$0x4] =	wrdreg $0xC0  }
0xab: {  	_ =	task [dreg:s7], $0x5FFFF  }
0xac: {  	[dreg:$0x1] =	wrdreg $0xFFFFFFFF  }
0xad: {  	[dreg:$0x0] =	wrdreg $0x60  }
0xae: {  	[dreg:$0x2] =	wrdreg s24  }
0xaf: {  	[dreg:$0x3] =	wrdreg s2  }
0xb0: {  	[dreg:$0x4] =	wrdreg $0x0  }
0xb1: {  	[dreg:$0x5] =	wrdreg $0x9  }
0xb2: {  	_ =	task.clear_ibuf [dreg:s7], $0x6FFFF;
	_ =	strace $0x90000049  }
0xb3: {  	s29 =	simm.s32 $0x9;
	_ =	strace $0x8000004B  }
0xb4: {  	_ =	swait.ge [sflag:s29], $0x1  }
0xb5: {  	[sflag:s29] =	ssyncadd.s32 $0xFFFFFFFF  }
0xb6: {  	_ =	strace $0x9000004B  }
0xb7: {  	_ =	sfence  }
0xb8: {  	s30 =	sld [smem:$0x0];
	_ =	sdelay $0x2  }
0xb9: {  	s31 =	sshll.u32 s1, $0xD;
	s1 =	sshrl.u32 s1, $0x2  }
0xba: {  	s3 =	sand.u32 $0x4000, s31;
	s1 =	sadd.s32 s1, s30  }
0xbb: {  	s0 =	sor.u32 s3, s0;
	s1 =	sshll.u32 s1, $0x11  }
0xbc: {  	s0 =	sor.u32 s1, s0  }
0xbd: {  	s0 =	sadd.s32 $0x8F2B, s0  }
0xbe: {  	[sflag:s0] =	ssyncadd.remote.s32 $0x1  }
0xbf: {  	_ =	sfence.sel $0xFFFF  }
0xc0: {  	[dreg:$0x0] =	wrdreg $0xFFFFFFFF;
	(pc) =	sbr.abs _section_cstart, $3  }
0xc1: {  	[dreg:$0x1] =	wrdreg $0xFFFFFFFF  }
0xc2: {  	_ =	task.clear_ibuf [dreg:s7], $0x2FFFF;
	_ =	strace $0x9FFFFFFF  }
0xc3: {  	(tm) =	ssettm $0x7FFFFFFF  }
tec
execute0_lowered:
.L_overlay_start_1:
0x0: {  	(tag) =	ssettag $0x1  }
0x1: {  	s0 =	rddreg [dreg:$0x0]  }
0x2: {  	s1 =	rddreg [dreg:$0x1];
	s12 =	stileid.u32  }
0x3: {  	s2 =	rddreg [dreg:$0x2];
	s3 =	simm.s32 $0x0;
	s5 =	smul.u32 $0x9E0, s12  }
0x4: {  	s4 =	srdreg.scid;
	s28 =	simm.s32 $0x14080;
	s9 =	smul.u32 $0x50000, s12  }
0x5: {  	s29 =	simm.s32 $0x18100;
	s30 =	simm.s32 $0x18180;
	s11 =	smul.u32 $0x280, s12  }
0x6: {  	s31 =	simm.s32 $0x1;
	s4 =	sand.u32 $0x1, s4;
	s18 =	smul.u32 $0x2800, s12  }
0x7: {  	[smem:$0x7FF] =	sst s3;
	s6 =	smul.u32 $0x28000, s4;
	s4 =	ssub.s32 $0x2, s4  }
0x8: {  	_ =	strace $0x8000004A;
	s8 =	sadd.s32 s5, s0;
	s7 =	sshrl.u32 s4, $0x1  }
0x9: {  	s17 =	sshrl.u32 s9, $0x2;
	s19 =	sadd.s32 $0x80, s11;
	[dreg:$0x4] =	wrdreg s18  }
0xa: {  	s21 =	sadd.s32 $0x100, s11;
	s23 =	sadd.s32 $0x180, s11;
	s25 =	sadd.s32 $0x200, s11  }
0xb: {  	s11 =	simm.s32 $0x14100;
	s0 =	sadd.s32 s6, s0;
	s10 =	ssub.s32 s4, s7  }
0xc: {  	s7 =	sadd.s32 s17, s2;
	s20 =	sshll.u32 s19, $0x4;
	s22 =	sshll.u32 s21, $0x4  }
0xd: {  	s15 =	sshll.u32 s23, $0x4;
	s4 =	sadd.s32 $0x5F200, s0;
	[dreg:$0x7] =	wrdreg s20  }
0xe: {  	s6 =	sadd.s32 $0xAF200, s0;
	s10 =	smax.u32 s10, $0x1;
	[dreg:$0x9] =	wrdreg s22  }
0xf: {  	s0 =	sshll.u32 s19, $0x7;
	[dreg:$0x5] =	wrdreg s10;
	s9 =	sadd.s32 s18, s4  }
0x10: {  	s12 =	sadd.s32 s0, s2;
	s10 =	sadd.s32 s22, s4;
	s24 =	sadd.s32 s15, s4  }
0x11: {  	s0 =	sshll.u32 s23, $0x7;
	s18 =	sshll.u32 s25, $0x4;
	s22 =	sadd.s32 $0x55400, s8  }
0x12: {  	s23 =	sadd.s32 s5, s1;
	s1 =	simm.s32 $0x3;
	[dreg:$0x6] =	wrdreg s9  }
0x13: {  	s8 =	simm.s32 $0x4;
	s5 =	simm.s32 $0x0;
	[dreg:$0xa] =	wrdreg s10  }
0x14: {  	s9 =	sadd.s32 s20, s4;
	[dreg:$0xb] =	wrdreg s24;
	s19 =	sadd.s32 s0, s2  }
0x15: {  	s26 =	sadd.s32 s18, s4;
	s24 =	simm.s32 $0x18200;
	[dreg:$0x8] =	wrdreg s9  }
0x16: {  	s0 =	simm.s32 $0x2;
	s9 =	sshll.u32 s21, $0x7;
	[dreg:$0xc] =	wrdreg s26  }
0x17: {  	s26 =	simm.s32 $0x14000;
	s16 =	sadd.s32 s9, s2;
	s9 =	sshll.u32 s25, $0x7  }
0x18: {  	s25 =	simm.s32 $0x5;
	s21 =	sadd.s32 s9, s2;
	s9 =	simm.s32 $0x80  }
.LBB2_1:
0x19: {  	s10 =	rddreg [dreg:$0x6]  }
0x1a: {  	[tilespmem:s24], [sflag:$0x5] =	stream.linear.gather [hbm4b:s10+s3], $0x4000, $0x38;
	[tilespmem:$0x1C200] =	vst v63  }
0x1b: {  	_ =	swait.ge [sflag:s25], $0x4000  }
0x1c: {  	[sflag:s25] =	ssyncset.done $0x0  }
0x1d: {  	[sflag:s25] =	ssyncadd.s32 $0xFFFFC000  }
0x1e: {  	[spmem:s7] =	stream.linear.scatter [tilespmem:s24], [sflag:$0x5], $0x4000, $0x38;
	[tilespmem:$0x1C200] =	vst v63  }
0x1f: {  	_ =	swait.ge [sflag:s25], $0x4000  }
0x20: {  	[sflag:s25] =	ssyncset.done $0x0  }
0x21: {  	s17 =	rddreg [dreg:$0x8];
	[sflag:s25] =	ssyncadd.s32 $0xFFFFC000  }
0x22: {  	[tilespmem:s24], [sflag:$0x5] =	stream.linear.gather [hbm4b:s17+s3], $0x4000, $0x38;
	[tilespmem:$0x1C200] =	vst v63  }
0x23: {  	_ =	swait.ge [sflag:s25], $0x4000  }
0x24: {  	[sflag:s25] =	ssyncset.done $0x0  }
0x25: {  	[sflag:s25] =	ssyncadd.s32 $0xFFFFC000  }
0x26: {  	[spmem:s12] =	stream.linear.scatter [tilespmem:s24], [sflag:$0x5], $0x4000, $0x38;
	[tilespmem:$0x1C200] =	vst v63  }
0x27: {  	_ =	swait.ge [sflag:s25], $0x4000  }
0x28: {  	[sflag:s25] =	ssyncset.done $0x0  }
0x29: {  	s20 =	rddreg [dreg:$0xa];
	[sflag:s25] =	ssyncadd.s32 $0xFFFFC000  }
0x2a: {  	[tilespmem:s24], [sflag:$0x5] =	stream.linear.gather [hbm4b:s20+s3], $0x4000, $0x38;
	[tilespmem:$0x1C200] =	vst v63  }
0x2b: {  	_ =	swait.ge [sflag:s25], $0x4000  }
0x2c: {  	[sflag:s25] =	ssyncset.done $0x0  }
0x2d: {  	[sflag:s25] =	ssyncadd.s32 $0xFFFFC000  }
0x2e: {  	[spmem:s16] =	stream.linear.scatter [tilespmem:s24], [sflag:$0x5], $0x4000, $0x38;
	[tilespmem:$0x1C200] =	vst v63  }
0x2f: {  	_ =	swait.ge [sflag:s25], $0x4000  }
0x30: {  	[sflag:s25] =	ssyncset.done $0x0  }
0x31: {  	s13 =	rddreg [dreg:$0xb];
	[sflag:s25] =	ssyncadd.s32 $0xFFFFC000  }
0x32: {  	[tilespmem:s24], [sflag:$0x5] =	stream.linear.gather [hbm4b:s13+s3], $0x4000, $0x38;
	[tilespmem:$0x1C200] =	vst v63  }
0x33: {  	_ =	swait.ge [sflag:s25], $0x4000  }
0x34: {  	[sflag:s25] =	ssyncset.done $0x0  }
0x35: {  	[sflag:s25] =	ssyncadd.s32 $0xFFFFC000  }
0x36: {  	[spmem:s19] =	stream.linear.scatter [tilespmem:s24], [sflag:$0x5], $0x4000, $0x38;
	[tilespmem:$0x1C200] =	vst v63  }
0x37: {  	_ =	swait.ge [sflag:s25], $0x4000  }
0x38: {  	[sflag:s25] =	ssyncset.done $0x0  }
0x39: {  	s14 =	rddreg [dreg:$0xc];
	[sflag:s25] =	ssyncadd.s32 $0xFFFFC000  }
0x3a: {  	[tilespmem:s24], [sflag:$0x5] =	stream.linear.gather [hbm4b:s14+s3], $0x4000, $0x38;
	[tilespmem:$0x1C200] =	vst v63  }
0x3b: {  	_ =	swait.ge [sflag:s25], $0x4000  }
0x3c: {  	[sflag:s25] =	ssyncset.done $0x0  }
0x3d: {  	[sflag:s25] =	ssyncadd.s32 $0xFFFFC000  }
0x3e: {  	[spmem:s21] =	stream.linear.scatter [tilespmem:s24], [sflag:$0x5], $0x4000, $0x38;
	[tilespmem:$0x1C200] =	vst v63  }
0x3f: {  	_ =	swait.ge [sflag:s25], $0x4000  }
0x40: {  	[sflag:s25] =	ssyncset.done $0x0  }
0x41: {  	[sflag:s25] =	ssyncadd.s32 $0xFFFFC000  }
0x42: {  	s17 =	sadd.s32 $0x0, s22;
	[bflag:$0x0] =	sbarrier.arrive $0xFFFF  }
0x43: {  	[tilespmem:s26], [sflag:$0x1] =	stream.linear.gather [hbm4b:s17+s3], $0x80, $0x38;
	[tilespmem:$0x1C200] =	vst v63  }
0x44: {  	s14 =	sadd.s32 $0x0, s23  }
0x45: {  	[tilespmem:s28], [sflag:$0x2] =	stream.linear.gather [hbm4b:s14+s3], $0x80, $0x38;
	[tilespmem:$0x1C200] =	vst v63  }
0x46: {  	s10 =	sadd.s32 $0x10, s17  }
0x47: {  	[tilespmem:s29], [sflag:$0x3] =	stream.linear.gather [hbm4b:s10+s3], $0x80, $0x38;
	[tilespmem:$0x1C200] =	vst v63  }
0x48: {  	s20 =	sadd.s32 $0x10, s14  }
0x49: {  	[tilespmem:s30], [sflag:$0x4] =	stream.linear.gather [hbm4b:s20+s3], $0x80, $0x38;
	[tilespmem:$0x1C200] =	vst v63  }
0x4a: {  	_ =	swait.ge [sflag:s31], $0x80  }
0x4b: {  	[sflag:s31] =	ssyncset.done $0x0  }
0x4c: {  	[sflag:s31] =	ssyncadd.s32 $0xFFFFFF80  }
0x4d: {  	_ =	swait.ge [sflag:s0], $0x80  }
0x4e: {  	[sflag:s0] =	ssyncset.done $0x0  }
0x4f: {  	[sflag:s0] =	ssyncadd.s32 $0xFFFFFF80  }
0x50: {  	_ =	swait.ge [sflag:s1], $0x80  }
0x51: {  	[sflag:s1] =	ssyncset.done $0x0  }
0x52: {  	[sflag:s1] =	ssyncadd.s32 $0xFFFFFF80  }
0x53: {  	_ =	swait.ge [sflag:s8], $0x80  }
0x54: {  	[sflag:s8] =	ssyncset.done $0x0  }
0x55: {  	[sflag:s8] =	ssyncadd.s32 $0xFFFFFF80  }
0x56: {  	[tilespmem:s11], [sflag:$0x1] =	stream.indirect.gather [hbm4b:s4+s9], $0x80, s26, s9, $0xb8;
	[tilespmem:$0x1C200] =	vst v63  }
0x57: {  	_ = 	snop  }
0x58: {  	[tilespmem:s24], [sflag:$0x2] =	stream.indirect.gather [hbm4b:s4+s9], $0x80, s29, s9, $0xb8;
	[tilespmem:$0x1C200] =	vst v63  }
0x59: {  	_ =	swait.ge [sflag:s31], $0x4000  }
0x5a: {  	[sflag:s31] =	ssyncset.done $0x0  }
0x5b: {  	[sflag:s31] =	ssyncadd.s32 $0xFFFFC000  }
0x5c: {  	[spmem:s2] =	stream.indirect.scatter.add.f32 [tilespmem:s11], [sflag:$0x3], $0x80, s28, s9, $0xb8;
	[tilespmem:$0x1C200] =	vst v63  }
0x5d: {  	_ =	swait.ge [sflag:s0], $0x4000  }
0x5e: {  	[sflag:s0] =	ssyncset.done $0x0  }
0x5f: {  	[sflag:s0] =	ssyncadd.s32 $0xFFFFC000  }
0x60: {  	[spmem:s2] =	stream.indirect.scatter.add.f32 [tilespmem:s24], [sflag:$0x4], $0x80, s30, s9, $0xb8;
	[tilespmem:$0x1C200] =	vst v63  }
0x61: {  	_ =	swait.ge [sflag:s1], $0x4000  }
0x62: {  	[sflag:s1] =	ssyncset.done $0x0  }
0x63: {  	[sflag:s1] =	ssyncadd.s32 $0xFFFFC000  }
0x64: {  	_ =	swait.ge [sflag:s8], $0x4000  }
0x65: {  	s14 =	simm.s32 $0x20;
	s10 =	simm.s32 $0x40;
	[sflag:s8] =	ssyncset.done $0x0  }
.LBB2_2:
0x66: {  	s13 =	sadd.s32 s14, s22  }
0x67: {  	[sflag:s8] =	ssyncadd.s32 $0xFFFFC000;
	s20 =	smov.u32 s10;
	s17 =	sadd.s32 $0x20, s10  }
0x68: {  	[tilespmem:s26], [sflag:$0x1] =	stream.linear.gather [hbm4b:s13+s3], $0x80, $0x38;
	[tilespmem:$0x1C200] =	vst v63  }
0x69: {  	p0 =	sne.s32 s10, $0x9C0;
	s10 =	sadd.s32 s14, s23;
	s14 =	smov.u32 s20  }
0x6a: {  	[tilespmem:s28], [sflag:$0x2] =	stream.linear.gather [hbm4b:s10+s3], $0x80, $0x38;
	[tilespmem:$0x1C200] =	vst v63  }
0x6b: {  	s13 =	sadd.s32 $0x10, s13  }
0x6c: {  	[tilespmem:s29], [sflag:$0x3] =	stream.linear.gather [hbm4b:s13+s3], $0x80, $0x38;
	[tilespmem:$0x1C200] =	vst v63  }
0x6d: {  	s10 =	sadd.s32 $0x10, s10  }
0x6e: {  	[tilespmem:s30], [sflag:$0x4] =	stream.linear.gather [hbm4b:s10+s3], $0x80, $0x38;
	[tilespmem:$0x1C200] =	vst v63  }
0x6f: {  	_ =	swait.ge [sflag:s31], $0x80  }
0x70: {  	[sflag:s31] =	ssyncset.done $0x0  }
0x71: {  	[sflag:s31] =	ssyncadd.s32 $0xFFFFFF80  }
0x72: {  	_ =	swait.ge [sflag:s0], $0x80  }
0x73: {  	[sflag:s0] =	ssyncset.done $0x0  }
0x74: {  	[sflag:s0] =	ssyncadd.s32 $0xFFFFFF80  }
0x75: {  	_ =	swait.ge [sflag:s1], $0x80  }
0x76: {  	[sflag:s1] =	ssyncset.done $0x0  }
0x77: {  	[sflag:s1] =	ssyncadd.s32 $0xFFFFFF80  }
0x78: {  	_ =	swait.ge [sflag:s8], $0x80  }
0x79: {  	[sflag:s8] =	ssyncset.done $0x0  }
0x7a: {  	[sflag:s8] =	ssyncadd.s32 $0xFFFFFF80  }
0x7b: {  	[tilespmem:s11], [sflag:$0x1] =	stream.indirect.gather [hbm4b:s4+s9], $0x80, s26, s9, $0xb8;
	[tilespmem:$0x1C200] =	vst v63  }
0x7c: {  	_ = 	snop  }
0x7d: {  	[tilespmem:s24], [sflag:$0x2] =	stream.indirect.gather [hbm4b:s4+s9], $0x80, s29, s9, $0xb8;
	[tilespmem:$0x1C200] =	vst v63  }
0x7e: {  	_ =	swait.ge [sflag:s31], $0x4000  }
0x7f: {  	[sflag:s31] =	ssyncset.done $0x0  }
0x80: {  	[sflag:s31] =	ssyncadd.s32 $0xFFFFC000  }
0x81: {  	[spmem:s2] =	stream.indirect.scatter.add.f32 [tilespmem:s11], [sflag:$0x3], $0x80, s28, s9, $0xb8;
	[tilespmem:$0x1C200] =	vst v63  }
0x82: {  	_ =	swait.ge [sflag:s0], $0x4000  }
0x83: {  	[sflag:s0] =	ssyncset.done $0x0  }
0x84: {  	[sflag:s0] =	ssyncadd.s32 $0xFFFFC000  }
0x85: {  	[spmem:s2] =	stream.indirect.scatter.add.f32 [tilespmem:s24], [sflag:$0x4], $0x80, s30, s9, $0xb8;
	[tilespmem:$0x1C200] =	vst v63  }
.Ltmp0:
0x86: {  	_ =	swait.ge [sflag:s1], $0x4000;
	(pc) =	sbr.rel @p0 .LBB2_2-.Ltmp0, $4  }
0x87: {  	[sflag:s1] =	ssyncset.done $0x0  }
0x88: {  	[sflag:s1] =	ssyncadd.s32 $0xFFFFC000  }
0x89: {  	_ =	swait.ge [sflag:s8], $0x4000  }
0x8a: {  	s10 =	smov.u32 s17;
	[sflag:s8] =	ssyncset.done $0x0  }
0x8b: {  	s10 =	sadd.s32 s14, s22;
	[sflag:s8] =	ssyncadd.s32 $0xFFFFC000  }
0x8c: {  	[tilespmem:s26], [sflag:$0x1] =	stream.linear.gather [hbm4b:s10+s3], $0x80, $0x38;
	[tilespmem:$0x1C200] =	vst v63  }
0x8d: {  	s13 =	sadd.s32 s14, s23  }
0x8e: {  	[tilespmem:s28], [sflag:$0x2] =	stream.linear.gather [hbm4b:s13+s3], $0x80, $0x38;
	[tilespmem:$0x1C200] =	vst v63  }
0x8f: {  	s10 =	sadd.s32 $0x10, s10  }
0x90: {  	[tilespmem:s29], [sflag:$0x3] =	stream.linear.gather [hbm4b:s10+s3], $0x80, $0x38;
	[tilespmem:$0x1C200] =	vst v63  }
0x91: {  	s14 =	sadd.s32 $0x10, s13  }
0x92: {  	[tilespmem:s30], [sflag:$0x4] =	stream.linear.gather [hbm4b:s14+s3], $0x80, $0x38;
	[tilespmem:$0x1C200] =	vst v63  }
0x93: {  	_ =	swait.ge [sflag:s31], $0x80  }
0x94: {  	[sflag:s31] =	ssyncset.done $0x0  }
0x95: {  	[sflag:s31] =	ssyncadd.s32 $0xFFFFFF80  }
0x96: {  	_ =	swait.ge [sflag:s0], $0x80  }
0x97: {  	[sflag:s0] =	ssyncset.done $0x0  }
0x98: {  	[sflag:s0] =	ssyncadd.s32 $0xFFFFFF80  }
0x99: {  	_ =	swait.ge [sflag:s1], $0x80  }
0x9a: {  	[sflag:s1] =	ssyncset.done $0x0  }
0x9b: {  	[sflag:s1] =	ssyncadd.s32 $0xFFFFFF80  }
0x9c: {  	_ =	swait.ge [sflag:s8], $0x80  }
0x9d: {  	[sflag:s8] =	ssyncset.done $0x0  }
0x9e: {  	[sflag:s8] =	ssyncadd.s32 $0xFFFFFF80  }
0x9f: {  	[tilespmem:s11], [sflag:$0x1] =	stream.indirect.gather [hbm4b:s4+s9], $0x80, s26, s9, $0xb8;
	[tilespmem:$0x1C200] =	vst v63  }
0xa0: {  	_ = 	snop  }
0xa1: {  	[tilespmem:s24], [sflag:$0x2] =	stream.indirect.gather [hbm4b:s4+s9], $0x80, s29, s9, $0xb8;
	[tilespmem:$0x1C200] =	vst v63  }
0xa2: {  	_ =	swait.ge [sflag:s31], $0x4000  }
0xa3: {  	[sflag:s31] =	ssyncset.done $0x0  }
0xa4: {  	[sflag:s31] =	ssyncadd.s32 $0xFFFFC000  }
0xa5: {  	[spmem:s2] =	stream.indirect.scatter.add.f32 [tilespmem:s11], [sflag:$0x3], $0x80, s28, s9, $0xb8;
	[tilespmem:$0x1C200] =	vst v63  }
0xa6: {  	_ =	swait.ge [sflag:s0], $0x4000  }
0xa7: {  	[sflag:s0] =	ssyncset.done $0x0  }
0xa8: {  	[sflag:s0] =	ssyncadd.s32 $0xFFFFC000  }
0xa9: {  	[spmem:s2] =	stream.indirect.scatter.add.f32 [tilespmem:s24], [sflag:$0x4], $0x80, s30, s9, $0xb8;
	[tilespmem:$0x1C200] =	vst v63  }
0xaa: {  	_ =	swait.ge [sflag:s1], $0x4000  }
0xab: {  	[sflag:s1] =	ssyncset.done $0x0  }
0xac: {  	[sflag:s1] =	ssyncadd.s32 $0xFFFFC000  }
0xad: {  	_ =	swait.ge [sflag:s8], $0x4000  }
0xae: {  	[sflag:s8] =	ssyncset.done $0x0  }
0xaf: {  	[sflag:s8] =	ssyncadd.s32 $0xFFFFC000  }
0xb0: {  	[bflag:$0x0] =	sbarrier.arrive $0xFFFF  }
0xb1: {  	[tilespmem:s24], [sflag:$0x5] =	stream.linear.gather [spmem:s7], $0x4000, $0x38;
	[tilespmem:$0x1C200] =	vst v63  }
0xb2: {  	_ =	swait.ge [sflag:s25], $0x4000  }
0xb3: {  	[sflag:s25] =	ssyncset.done $0x0;
	s17 =	rddreg [dreg:$0x4]  }
0xb4: {  	[sflag:s25] =	ssyncadd.s32 $0xFFFFC000;
	s10 =	sadd.s32 s17, s6  }
0xb5: {  	[hbm4b:s10+s3] =	stream.linear.scatter [tilespmem:s24], [sflag:$0x5], $0x4000, $0x38;
	[tilespmem:$0x1C200] =	vst v63  }
0xb6: {  	_ =	swait.ge [sflag:s25], $0x4000  }
0xb7: {  	[sflag:s25] =	ssyncset.done $0x0  }
0xb8: {  	[sflag:s25] =	ssyncadd.s32 $0xFFFFC000  }
0xb9: {  	[tilespmem:s24], [sflag:$0x5] =	stream.linear.gather [spmem:s12], $0x4000, $0x38;
	[tilespmem:$0x1C200] =	vst v63  }
0xba: {  	_ =	swait.ge [sflag:s25], $0x4000  }
0xbb: {  	[sflag:s25] =	ssyncset.done $0x0;
	s20 =	rddreg [dreg:$0x7]  }
0xbc: {  	[sflag:s25] =	ssyncadd.s32 $0xFFFFC000;
	s10 =	sadd.s32 s20, s6  }
0xbd: {  	[hbm4b:s10+s3] =	stream.linear.scatter [tilespmem:s24], [sflag:$0x5], $0x4000, $0x38;
	[tilespmem:$0x1C200] =	vst v63  }
0xbe: {  	_ =	swait.ge [sflag:s25], $0x4000  }
0xbf: {  	[sflag:s25] =	ssyncset.done $0x0  }
0xc0: {  	[sflag:s25] =	ssyncadd.s32 $0xFFFFC000  }
0xc1: {  	[tilespmem:s24], [sflag:$0x5] =	stream.linear.gather [spmem:s16], $0x4000, $0x38;
	[tilespmem:$0x1C200] =	vst v63  }
0xc2: {  	_ =	swait.ge [sflag:s25], $0x4000  }
0xc3: {  	[sflag:s25] =	ssyncset.done $0x0;
	s13 =	rddreg [dreg:$0x9]  }
0xc4: {  	[sflag:s25] =	ssyncadd.s32 $0xFFFFC000;
	s10 =	sadd.s32 s13, s6  }
0xc5: {  	[hbm4b:s10+s3] =	stream.linear.scatter [tilespmem:s24], [sflag:$0x5], $0x4000, $0x38;
	[tilespmem:$0x1C200] =	vst v63  }
0xc6: {  	_ =	swait.ge [sflag:s25], $0x4000  }
0xc7: {  	[sflag:s25] =	ssyncset.done $0x0  }
0xc8: {  	[sflag:s25] =	ssyncadd.s32 $0xFFFFC000  }
0xc9: {  	[tilespmem:s24], [sflag:$0x5] =	stream.linear.gather [spmem:s19], $0x4000, $0x38;
	[tilespmem:$0x1C200] =	vst v63  }
0xca: {  	_ =	swait.ge [sflag:s25], $0x4000  }
0xcb: {  	[sflag:s25] =	ssyncset.done $0x0  }
0xcc: {  	s14 =	sadd.s32 s15, s6;
	[sflag:s25] =	ssyncadd.s32 $0xFFFFC000  }
0xcd: {  	[hbm4b:s14+s3] =	stream.linear.scatter [tilespmem:s24], [sflag:$0x5], $0x4000, $0x38;
	[tilespmem:$0x1C200] =	vst v63  }
0xce: {  	_ =	swait.ge [sflag:s25], $0x4000  }
0xcf: {  	[sflag:s25] =	ssyncset.done $0x0  }
0xd0: {  	[sflag:s25] =	ssyncadd.s32 $0xFFFFC000  }
0xd1: {  	[tilespmem:s24], [sflag:$0x5] =	stream.linear.gather [spmem:s21], $0x4000, $0x38;
	[tilespmem:$0x1C200] =	vst v63  }
0xd2: {  	_ =	swait.ge [sflag:s25], $0x4000  }
0xd3: {  	[sflag:s25] =	ssyncset.done $0x0  }
0xd4: {  	s17 =	sadd.s32 s18, s6;
	[sflag:s25] =	ssyncadd.s32 $0xFFFFC000  }
0xd5: {  	[hbm4b:s17+s3] =	stream.linear.scatter [tilespmem:s24], [sflag:$0x5], $0x4000, $0x38;
	[tilespmem:$0x1C200] =	vst v63  }
0xd6: {  	_ =	swait.ge [sflag:s25], $0x4000  }
0xd7: {  	s5 =	sadd.s32 $0x1, s5;
	s20 =	rddreg [dreg:$0x5]  }
0xd8: {  	p0 =	sne.s32 s5, s20  }
.Ltmp1:
0xd9: {  	_ = 	snop;
	(pc) =	sbr.rel @p0 .LBB2_1-.Ltmp1, $3  }
0xda: {  	_ =	sdelay $0x1  }
0xdb: {  	[sflag:s25] =	ssyncset.done $0x0  }
0xdc: {  	[sflag:s25] =	ssyncadd.s32 $0xFFFFC000  }
0xdd: {  	_ =	sfence.sel $0x180000  }
0xde: {  	[bflag:$0x0] =	sbarrier.arrive $0xFFFF  }
0xdf: {  	_ =	strace $0x9000004A  }
0xe0: {  	s0 =	stileid.u32;
	[bflag:$0x2] =	sbarrier.arrive $0xFFFF  }
0xe1: {  	p0 =	sne.s32 s0, $0x0;
	s0 =	rddreg [dreg:$0x3]  }
0xe2: {  	s0 =	sadd.s32 @!p0 $0x100000, s0  }
0xe3: {  	[sflag:s0] =	ssyncadd.tile.s32 @!p0 $0x1;
	_ =	shalt  }
.Lfunc_end2:
_tile_overlayer_lowered:
.L_overlay_start_2:
0xe4: {  	(tag) =	ssettag $0x2  }
0xe5: {  	s0 =	rddreg [dreg:$0x0];
	s2 =	stileid.u32  }
0xe6: {  	s1 =	rddreg [dreg:$0x1];
	p0 =	sne.s32 s2, $0x0  }
0xe7: {  	s3 =	rddreg [dreg:$0x2];
	[bflag:$0x3] =	sbarrier.arrive $0xFFFF;
	s2 =	simm.s32 @!p0 $0x1C05  }
0xe8: {  	[timem:s3], [sflag:s2] =	dma.local @!p0 [hbm:s0], s1  }
0xe9: {  	s0 =	simm.s32 @!p0 $0x5  }
0xea: {  	_ =	swait.ge @!p0 [sflag:s0], s1  }
0xeb: {  	s1 =	ssub.s32 @!p0 $0x0, s1;
	[sflag:s0] =	ssyncset.done @!p0 $0x0  }
0xec: {  	[sflag:s0] =	ssyncadd.s32 @!p0 s1  }
0xed: {  	[bflag:$0x3] =	sbarrier.arrive $0xFFFF  }
0xee: {  	_ =	shalt  }

// kernel: kernel.16.cloned.1.call-start
scs
__scs_entry_jumppad:
0x0: {  	(pc) =	sbr.rel $0x88, $3  }
0x1: {  	(tag) =	ssettag $0x0;
	lr =	simm.s32 $0x1  }
0x2: {  	[smem:$0x3F8B] =	sst lr;
	_ =	strace $0xD0000000  }
0x3: {  	_ = 	snop  }
0x4: {  	_ = 	snop  }
0x5: {  	_ = 	snop  }
0x6: {  	_ = 	snop  }
0x7: {  	_ = 	snop  }
__scs_overlays_trampoline_lowered:
0x8: {  	[smem:$0x3F9A] =	sst s0  }
0x9: {  	[smem:$0x3F9B] =	sst s1  }
0xa: {  	[smem:$0x3F9C] =	sst s2  }
0xb: {  	[smem:$0x3F9D] =	sst s3  }
0xc: {  	[smem:$0x3F9E] =	sst s4  }
0xd: {  	[smem:$0x3F9F] =	sst s5  }
0xe: {  	[smem:$0x3FA0] =	sst s6  }
0xf: {  	[smem:$0x3FA1] =	sst s7  }
0x10: {  	[smem:$0x3FA2] =	sst s8  }
0x11: {  	[smem:$0x3FA3] =	sst s9;
	s0 =	simm.s32 @!p0 $0x0  }
0x12: {  	s1 =	sld [smem:$0x3F89];
	s0 =	simm.s32 @p0 $0x1  }
0x13: {  	[smem:$0x3FA4] =	sst s0;
	s0 =	simm.s32 @!p1 $0x0  }
0x14: {  	s2 =	sld [smem:$0x3F88];
	s0 =	simm.s32 @p1 $0x1  }
0x15: {  	[smem:$0x3FA5] =	sst s0;
	s0 =	simm.s32 @!p2 $0x0  }
0x16: {  	s3 =	sld [smem:$0x3FDB];
	s0 =	simm.s32 @p2 $0x1  }
0x17: {  	s4 =	simm.s32 $0x1BF5;
	[smem:$0x3FA7] =	sst s0  }
0x18: {  	s0 =	sld [smem:$0x3F8A];
	_ =	swait.ge [sflag:s4], $0x0  }
0x19: {  	s7 =	sld [smem:$0x3F8B]  }
0x1a: {  	s8 =	sadd.s32 $0xFFFFE003, lr  }
0x1b: {  	s9 =	sadd.s32 $0xFFFFFEF7, lr;
	s5 =	simm.s32 $0xFFFFFFFF;
	p2 =	slt.u32 s8, $0xFFFFF086  }
0x1c: {  	p1 =	slt.u32 s9, $0xF7A;
	s5 =	simm.s32 @!p2 $0x0  }
0x1d: {  	s5 =	simm.s32 @p1 $0x1;
	p0 =	seq.s32 s7, s2  }
0x1e: {  	s7 =	smul.u32 @!p0 $0xF7A, s2;
	p2 =	seq.s32 @!p0 s5, $0x0  }
0x1f: {  	s9 =	smul.u32 $0xF7A, s1;
	s8 =	simm.s32 @!p0 $0x1BF5;
	p2 =	por !p2, p0  }
0x20: {  	[sflag:s8] =	ssyncset.s32 @!p0 $0xFFFFF086;
	s6 =	sadd.s32 @!p0 s3, s7;
	s7 =	simm.s32 @!p0 $0x108  }
0x21: {  	s3 =	sadd.s32 s3, s9;
	s6 =	sadd.s32 @!p0 $0x88, s6;
	s7 =	simm.s32 @p2 $0x1082  }
0x22: {  	[simem:s7], [sflag:s8] =	dma.local @!p0 [hbm:s6], $0xF7A  }
0x23: {  	s9 =	sor.u32 $0xD0000000, s2;
	s6 =	simm.s32 $0x108;
	_ =	swait.ge @!p0 [sflag:s8], $0x0  }
0x24: {  	s3 =	sadd.s32 $0x88, s3;
	s6 =	simm.s32 @!p1 $0x1082;
	[sflag:s4] =	ssyncset.s32 $0xFFFFF086  }
0x25: {  	[simem:s6], [sflag:s4] =	dma.local [hbm:s3], $0xF7A  }
0x26: {  	[smem:$0x3F8B] =	sst s1;
	(tag) =	ssettag s2;
	_ =	strace s9  }
0x27: {  	s1 =	sld [smem:$0x3F9B]  }
0x28: {  	s2 =	sld [smem:$0x3F9C]  }
0x29: {  	s4 =	sld [smem:$0x3F9E]  }
0x2a: {  	p0 =	seq.s32 s5, $0x0;
	s5 =	sld [smem:$0x3F9F]  }
0x2b: {  	s6 =	sld [smem:$0x3FA0]  }
0x2c: {  	s7 =	sld [smem:$0x3FA1]  }
0x2d: {  	s3 =	simm.s32 $0x108;
	s8 =	sld [smem:$0x3FA2]  }
0x2e: {  	s3 =	simm.s32 @!p0 $0x1082;
	s9 =	sld [smem:$0x3FA3]  }
0x2f: {  	lr =	sadd.s32 s0, s3;
	s0 =	sld [smem:$0x3F9A]  }
0x30: {  	s3 =	sld [smem:$0x3F9D]  }
0x31: {  	[smem:$0x3FA6] =	sst s10  }
0x32: {  	s10 =	sld [smem:$0x3FA4];
	_ =	sdelay $0x3  }
0x33: {  	p0 =	seq.s32 s10, $0x1;
	s10 =	sld [smem:$0x3FA6];
	_ =	sdelay $0x3  }
0x34: {  	[smem:$0x3FA6] =	sst s10  }
0x35: {  	s10 =	sld [smem:$0x3FA5];
	_ =	sdelay $0x3  }
0x36: {  	p1 =	seq.s32 s10, $0x1;
	s10 =	sld [smem:$0x3FA6];
	_ =	sdelay $0x3  }
0x37: {  	[smem:$0x3FA6] =	sst s10  }
0x38: {  	s10 =	sld [smem:$0x3FA7]  }
0x39: {  	_ = 	snop;
	(pc) =	sbr.ind lr, $3  }
0x3a: {  	_ = 	snop  }
0x3b: {  	_ = 	snop  }
0x3c: {  	p2 =	seq.s32 s10, $0x1;
	s10 =	sld [smem:$0x3FA6]  }
0x3d: {  	_ =	shalt  }
0x3e: {  	_ =	shalt  }
0x3f: {  	_ =	shalt  }
0x40: {  	_ =	shalt  }
0x41: {  	_ =	shalt  }
0x42: {  	_ =	shalt  }
0x43: {  	_ =	shalt  }
0x44: {  	_ =	shalt  }
0x45: {  	_ =	shalt  }
0x46: {  	_ =	shalt  }
0x47: {  	_ =	shalt  }
0x48: {  	_ =	shalt  }
0x49: {  	_ =	shalt  }
0x4a: {  	_ =	shalt  }
0x4b: {  	_ =	shalt  }
0x4c: {  	_ =	shalt  }
0x4d: {  	_ =	shalt  }
0x4e: {  	_ =	shalt  }
0x4f: {  	_ =	shalt  }
0x50: {  	_ =	shalt  }
0x51: {  	_ =	shalt  }
0x52: {  	_ =	shalt  }
0x53: {  	_ =	shalt  }
0x54: {  	_ =	shalt  }
0x55: {  	_ =	shalt  }
0x56: {  	_ =	shalt  }
0x57: {  	_ =	shalt  }
0x58: {  	_ =	shalt  }
0x59: {  	_ =	shalt  }
0x5a: {  	_ =	shalt  }
0x5b: {  	_ =	shalt  }
0x5c: {  	_ =	shalt  }
0x5d: {  	_ =	shalt  }
0x5e: {  	_ =	shalt  }
0x5f: {  	_ =	shalt  }
0x60: {  	_ =	shalt  }
0x61: {  	_ =	shalt  }
0x62: {  	_ =	shalt  }
0x63: {  	_ =	shalt  }
0x64: {  	_ =	shalt  }
0x65: {  	_ =	shalt  }
0x66: {  	_ =	shalt  }
0x67: {  	_ =	shalt  }
0x68: {  	_ =	shalt  }
0x69: {  	_ =	shalt  }
0x6a: {  	_ =	shalt  }
0x6b: {  	_ =	shalt  }
0x6c: {  	_ =	shalt  }
0x6d: {  	_ =	shalt  }
0x6e: {  	_ =	shalt  }
0x6f: {  	_ =	shalt  }
0x70: {  	_ =	shalt  }
0x71: {  	_ =	shalt  }
0x72: {  	_ =	shalt  }
0x73: {  	_ =	shalt  }
0x74: {  	_ =	shalt  }
0x75: {  	_ =	shalt  }
0x76: {  	_ =	shalt  }
0x77: {  	_ =	shalt  }
0x78: {  	_ =	shalt  }
0x79: {  	_ =	shalt  }
0x7a: {  	_ =	shalt  }
0x7b: {  	_ =	shalt  }
0x7c: {  	_ =	shalt  }
0x7d: {  	_ =	shalt  }
0x7e: {  	_ =	shalt  }
0x7f: {  	_ =	shalt  }
0x80: {  	_ =	shalt  }
0x81: {  	_ =	shalt  }
0x82: {  	_ =	shalt  }
0x83: {  	_ =	shalt  }
0x84: {  	_ =	shalt  }
0x85: {  	_ =	shalt  }
0x86: {  	_ =	shalt  }
0x87: {  	_ =	shalt  }
.Lfunc_end0:
.L_simem_size_0:
called_computation.2_lowered:
.L_overlay_start_0:
0x88: {  	s2 =	sld [smem:$0x3FD9]  }
0x89: {  	s3 =	sld [smem:$0x3FFE];
	_ =	sdelay $0x1  }
0x8a: {  	s1 =	srdreg.scid  }
0x8b: {  	s0 =	sand.u32 $0x1, s1  }
0x8c: {  	s17 =	sshll.u32 s0, $0xA;
	s2 =	sadd.s32 s3, s2  }
0x8d: {  	s2 =	sadd.s32 s2, s17  }
0x8e: {  	[smem:$0x3FB2] =	sst s2  }
0x8f: {  	_ = 	snop  }
0x90: {  	s2 =	sld [smem:$0x3FD0];
	(tm) =	ssettm $0x1  }
0x91: {  	s18 =	sld [smem:$0x3FFB];
	_ =	sdelay $0x3  }
0x92: {  	_ =	strace s18  }
0x93: {  	s3 =	sld [smem:$0x3FFC];
	_ =	sdelay $0x3  }
0x94: {  	_ =	strace s3  }
0x95: {  	s3 =	sld [smem:$0x3FFD];
	_ =	sdelay $0x3  }
0x96: {  	_ =	strace s3  }
0x97: {  	_ =	strace $0x8FFFFFFF  }
0x98: {  	s19 =	sld [smem:$0x3FDB];
	_ =	sdelay $0x1  }
0x99: {  	s4 =	simm.s32 $_scs_section_size  }
0x9a: {  	s5 =	simm.s32 $_size__tile_overlayer_lowered;
	s6 =	simm.s32 $_tile_overlayer_lowered  }
0x9b: {  	s22 =	simm.s32 $0x1BFF;
	s21 =	sshll.u32 s6, $0x1;
	s3 =	sadd.s32 s4, s19  }
0x9c: {  	s7 =	simm.s32 $0x0;
	s20 =	sshll.u32 s5, $0x1;
	s5 =	sadd.s32 s21, s3  }
0x9d: {  	[timem:s7], [sflag:s22] =	dma.local [hbm:s5], s20  }
0x9e: {  	_ =	swait.ge [sflag:s22], s20  }
0x9f: {  	s4 =	ssub.s32 $0x0, s20;
	[sflag:s22] =	ssyncset.done $0x0  }
0xa0: {  	[sflag:s22] =	ssyncadd.s32 s4;
	_ =	sdelay $0x1  }
0xa1: {  	s23 =	simm.s32 $0x1B8B  }
0xa2: {  	_ =	swait.ge [sflag:s23], $0x1  }
0xa3: {  	[sflag:s23] =	ssyncset.done $0x0  }
0xa4: {  	s25 =	simm.s32 $0x1B8E;
	s24 =	sld [smem:$0x3FFE];
	[sflag:s23] =	ssyncadd.s32 $0xFFFFFFFF  }
0xa5: {  	s26 =	simm.s32 $execute0_lowered;
	[smem:$0x3FD2] =	sst s25  }
0xa6: {  	s5 =	sshll.u32 s26, $0x1;
	_ =	strace $0x8000004C;
	[dreg:$0x1] =	wrdreg $0xFFFFFFFF  }
0xa7: {  	s28 =	simm.s32 $_size_execute0_lowered;
	s3 =	sadd.s32 s3, s5;
	[dreg:$0x0] =	wrdreg $0x0  }
0xa8: {  	s5 =	sshll.u32 s28, $0x1;
	[dreg:$0x2] =	wrdreg s3  }
0xa9: {  	[dreg:$0x3] =	wrdreg s5  }
0xaa: {  	[dreg:$0x4] =	wrdreg $0xC0  }
0xab: {  	_ =	task [dreg:s7], $0x5FFFF  }
0xac: {  	[dreg:$0x1] =	wrdreg $0xFFFFFFFF  }
0xad: {  	[dreg:$0x0] =	wrdreg $0x60  }
0xae: {  	[dreg:$0x2] =	wrdreg s24  }
0xaf: {  	[dreg:$0x3] =	wrdreg s2  }
0xb0: {  	[dreg:$0x4] =	wrdreg $0x0  }
0xb1: {  	[dreg:$0x5] =	wrdreg $0x9  }
0xb2: {  	_ =	task.clear_ibuf [dreg:s7], $0x6FFFF;
	_ =	strace $0x9000004C  }
0xb3: {  	s29 =	simm.s32 $0x9;
	_ =	strace $0x8000004E  }
0xb4: {  	_ =	swait.ge [sflag:s29], $0x1  }
0xb5: {  	[sflag:s29] =	ssyncadd.s32 $0xFFFFFFFF  }
0xb6: {  	_ =	strace $0x9000004E  }
0xb7: {  	_ =	sfence  }
0xb8: {  	s30 =	sld [smem:$0x0];
	_ =	sdelay $0x2  }
0xb9: {  	s31 =	sshll.u32 s1, $0xD;
	s1 =	sshrl.u32 s1, $0x2  }
0xba: {  	s3 =	sand.u32 $0x4000, s31;
	s1 =	sadd.s32 s1, s30  }
0xbb: {  	s0 =	sor.u32 s3, s0;
	s1 =	sshll.u32 s1, $0x11  }
0xbc: {  	s0 =	sor.u32 s1, s0  }
0xbd: {  	s0 =	sadd.s32 $0x8F2B, s0  }
0xbe: {  	[sflag:s0] =	ssyncadd.remote.s32 $0x1  }
0xbf: {  	_ =	sfence.sel $0xFFFF  }
0xc0: {  	[dreg:$0x0] =	wrdreg $0xFFFFFFFF;
	(pc) =	sbr.abs _section_cstart, $3  }
0xc1: {  	[dreg:$0x1] =	wrdreg $0xFFFFFFFF  }
0xc2: {  	_ =	task.clear_ibuf [dreg:s7], $0x2FFFF;
	_ =	strace $0x9FFFFFFF  }
0xc3: {  	(tm) =	ssettm $0x7FFFFFFF  }
tec
execute0_lowered:
.L_overlay_start_1:
0x0: {  	(tag) =	ssettag $0x1  }
0x1: {  	s0 =	rddreg [dreg:$0x0]  }
0x2: {  	s2 =	rddreg [dreg:$0x1]  }
0x3: {  	s1 =	rddreg [dreg:$0x2];
	s5 =	stileid.u32  }
0x4: {  	s3 =	srdreg.scid;
	s10 =	smul.u32 $0x50000, s5  }
0x5: {  	s30 =	simm.s32 $0x18200;
	s31 =	simm.s32 $0x5;
	s12 =	smul.u32 $0x280, s5  }
0x6: {  	s6 =	sand.u32 $0x1, s3;
	s3 =	simm.s32 $0x0;
	s22 =	smul.u32 $0x2800, s5  }
0x7: {  	s11 =	sadd.s32 $0x55400, s0;
	s16 =	sadd.s32 $0x4400, s0;
	s15 =	smul.u32 $0x2780, s5  }
0x8: {  	s4 =	sshll.u32 s6, $0x4;
	[smem:$0x7FF] =	sst s3;
	s7 =	smul.u32 $0x28000, s6  }
0x9: {  	s19 =	ssub.s32 $0x2, s6;
	s25 =	smul.u32 $0x27800, s6;
	p0 =	sne.s32 s6, $0x0  }
0xa: {  	s6 =	simm.s32 $0x18100;
	s4 =	sor.u32 s5, s4;
	_ =	strace $0x8000004D  }
0xb: {  	s9 =	sshrl.u32 s19, $0x1;
	s21 =	sshrl.u32 s10, $0x2;
	[dreg:$0x7] =	wrdreg s22  }
0xc: {  	s24 =	sadd.s32 $0x80, s12;
	s13 =	sadd.s32 $0x100, s12;
	[dreg:$0x4] =	wrdreg s16  }
0xd: {  	s8 =	smul.u32 $0x2780, s4;
	s4 =	sadd.s32 $0x5F200, s0;
	s0 =	sadd.s32 s7, s0  }
0xe: {  	s7 =	ssub.s32 s19, s9;
	s17 =	sadd.s32 s21, s1;
	s26 =	sshll.u32 s24, $0x7  }
0xf: {  	s5 =	sshll.u32 s24, $0x4;
	s28 =	sshll.u32 s13, $0x4;
	s29 =	sshll.u32 s13, $0x7  }
0x10: {  	s9 =	sadd.s32 $0x180, s12;
	s0 =	sadd.s32 $0x87200, s0;
	s23 =	smax.u32 s7, $0x1  }
0x11: {  	s10 =	sadd.s32 s4, s22;
	s14 =	sadd.s32 s26, s1;
	[dreg:$0xb] =	wrdreg s28  }
0x12: {  	s22 =	sadd.s32 s4, s28;
	s7 =	sadd.s32 s15, s25;
	[dreg:$0xa] =	wrdreg s5  }
0x13: {  	s26 =	sadd.s32 s29, s1;
	s13 =	sshll.u32 s9, $0x7;
	[dreg:$0xd] =	wrdreg s17  }
0x14: {  	s15 =	sadd.s32 $0x200, s12;
	s28 =	sadd.s32 s4, s5;
	[dreg:$0x12] =	wrdreg s0  }
0x15: {  	s12 =	simm.s32 $0x80;
	s8 =	sshrl.u32 s8, $0x3;
	[dreg:$0x8] =	wrdreg s23  }
0x16: {  	s23 =	sadd.s32 s13, s1;
	s24 =	sshll.u32 s15, $0x4;
	[dreg:$0x13] =	wrdreg s28  }
0x17: {  	s25 =	sshll.u32 s15, $0x7;
	s10 =	smov.u32 @p0 s16;
	[dreg:$0xe] =	wrdreg s14  }
0x18: {  	s22 =	smov.u32 @p0 s16;
	s0 =	simm.s32 $0x14000;
	[dreg:$0x9] =	wrdreg s10  }
0x19: {  	s13 =	simm.s32 $0x3;
	s15 =	simm.s32 $0x4;
	[dreg:$0x10] =	wrdreg s24  }
0x1a: {  	s8 =	sadd.s32 $0x4E0, s8;
	s25 =	sadd.s32 s25, s1;
	[dreg:$0xc] =	wrdreg s22  }
0x1b: {  	s22 =	simm.s32 $0x0;
	s20 =	sadd.s32 s11, s8;
	s8 =	sadd.s32 s2, s8  }
0x1c: {  	[dreg:$0x6] =	wrdreg s8;
	s8 =	sshrl.u32 s7, $0x3;
	s7 =	sadd.s32 $0x80, s7  }
0x1d: {  	[dreg:$0x5] =	wrdreg s20;
	s18 =	sadd.s32 s8, s2;
	s7 =	sshrl.u32 s7, $0x3  }
0x1e: {  	s19 =	sadd.s32 s8, s11;
	s8 =	simm.s32 $0x2;
	s20 =	sadd.s32 s7, s2  }
0x1f: {  	s21 =	sadd.s32 s7, s11;
	s11 =	sshll.u32 s9, $0x4;
	s2 =	sadd.s32 s4, s24  }
0x20: {  	s7 =	simm.s32 $0x18180;
	s2 =	smov.u32 @p0 s16;
	[dreg:$0xf] =	wrdreg s11  }
0x21: {  	s29 =	sadd.s32 s4, s11;
	s11 =	simm.s32 $0x1;
	[dreg:$0x11] =	wrdreg s2  }
0x22: {  	s16 =	simm.s32 $0x14100;
	[dreg:$0x14] =	wrdreg s29;
	s2 =	simm.s32 $0x14080  }
.LBB2_1:
0x23: {  	s5 =	rddreg [dreg:$0x9]  }
0x24: {  	[tilespmem:s30], [sflag:$0x5] =	stream.linear.gather [hbm4b:s5+s3], $0x4000, $0x38;
	[tilespmem:$0x1C200] =	vst v63  }
0x25: {  	_ =	swait.ge [sflag:s31], $0x4000  }
0x26: {  	[sflag:s31] =	ssyncset.done $0x0  }
0x27: {  	[sflag:s31] =	ssyncadd.s32 $0xFFFFC000  }
0x28: {  	[spmem:s17] =	stream.linear.scatter [tilespmem:s30], [sflag:$0x5], $0x4000, $0x38;
	[tilespmem:$0x1C200] =	vst v63  }
0x29: {  	_ =	swait.ge [sflag:s31], $0x4000  }
0x2a: {  	s24 =	simm.s32 @p0 $0x0;
	s28 =	simm.s32 @p0 $0x18200;
	[sflag:s31] =	ssyncset.done $0x0  }
0x2b: {  	s29 =	simm.s32 @p0 $0x5;
	s17 =	rddreg [dreg:$0x4];
	[sflag:s31] =	ssyncadd.s32 $0xFFFFC000  }
0x2c: {  	[tilespmem:s28], [sflag:$0x5] =	stream.linear.gather @p0 [hbm4b:s17+s24], $0x4000, $0x38;
	[tilespmem:$0x1C200] =	vst v63  }
0x2d: {  	_ =	swait.ge @p0 [sflag:s29], $0x4000  }
0x2e: {  	[sflag:s29] =	ssyncset.done @p0 $0x0  }
0x2f: {  	[sflag:s29] =	ssyncadd.s32 @p0 $0xFFFFC000  }
0x30: {  	[spmem:s14] =	stream.linear.scatter @p0 [tilespmem:s28], [sflag:$0x5], $0x4000, $0x38;
	[tilespmem:$0x1C200] =	vst v63  }
0x31: {  	_ =	swait.ge @p0 [sflag:s29], $0x4000  }
0x32: {  	s9 =	simm.s32 @!p0 $0x0;
	[sflag:s29] =	ssyncset.done @p0 $0x0  }
0x33: {  	s10 =	simm.s32 @!p0 $0x18200;
	s5 =	rddreg [dreg:$0x13];
	[sflag:s29] =	ssyncadd.s32 @p0 $0xFFFFC000  }
0x34: {  	[tilespmem:s10], [sflag:$0x5] =	stream.linear.gather @!p0 [hbm4b:s5+s9], $0x4000, $0x38;
	[tilespmem:$0x1C200] =	vst v63  }
0x35: {  	s5 =	simm.s32 @!p0 $0x5  }
0x36: {  	_ =	swait.ge @!p0 [sflag:s5], $0x4000  }
0x37: {  	[sflag:s5] =	ssyncset.done @!p0 $0x0  }
0x38: {  	[sflag:s5] =	ssyncadd.s32 @!p0 $0xFFFFC000  }
0x39: {  	[spmem:s14] =	stream.linear.scatter @!p0 [tilespmem:s10], [sflag:$0x5], $0x4000, $0x38;
	[tilespmem:$0x1C200] =	vst v63  }
0x3a: {  	_ =	swait.ge @!p0 [sflag:s5], $0x4000  }
0x3b: {  	[sflag:s5] =	ssyncset.done @!p0 $0x0  }
0x3c: {  	s14 =	smov.u32 s26;
	s26 =	rddreg [dreg:$0xc];
	[sflag:s5] =	ssyncadd.s32 @!p0 $0xFFFFC000  }
0x3d: {  	[tilespmem:s30], [sflag:$0x5] =	stream.linear.gather [hbm4b:s26+s3], $0x4000, $0x38;
	[tilespmem:$0x1C200] =	vst v63  }
0x3e: {  	_ =	swait.ge [sflag:s31], $0x4000  }
0x3f: {  	[sflag:s31] =	ssyncset.done $0x0  }
0x40: {  	[sflag:s31] =	ssyncadd.s32 $0xFFFFC000  }
0x41: {  	[spmem:s14] =	stream.linear.scatter [tilespmem:s30], [sflag:$0x5], $0x4000, $0x38;
	[tilespmem:$0x1C200] =	vst v63  }
0x42: {  	_ =	swait.ge [sflag:s31], $0x4000  }
0x43: {  	[sflag:s31] =	ssyncset.done $0x0  }
0x44: {  	[sflag:s31] =	ssyncadd.s32 $0xFFFFC000  }
0x45: {  	[tilespmem:s28], [sflag:$0x5] =	stream.linear.gather @p0 [hbm4b:s17+s24], $0x4000, $0x38;
	[tilespmem:$0x1C200] =	vst v63  }
0x46: {  	_ =	swait.ge @p0 [sflag:s29], $0x4000  }
0x47: {  	[sflag:s29] =	ssyncset.done @p0 $0x0  }
0x48: {  	[sflag:s29] =	ssyncadd.s32 @p0 $0xFFFFC000  }
0x49: {  	[spmem:s23] =	stream.linear.scatter @p0 [tilespmem:s28], [sflag:$0x5], $0x4000, $0x38;
	[tilespmem:$0x1C200] =	vst v63  }
0x4a: {  	_ =	swait.ge @p0 [sflag:s29], $0x4000  }
0x4b: {  	[sflag:s29] =	ssyncset.done @p0 $0x0  }
0x4c: {  	s26 =	smov.u32 s14;
	s14 =	rddreg [dreg:$0x14];
	[sflag:s29] =	ssyncadd.s32 @p0 $0xFFFFC000  }
0x4d: {  	[tilespmem:s10], [sflag:$0x5] =	stream.linear.gather @!p0 [hbm4b:s14+s9], $0x4000, $0x38;
	[tilespmem:$0x1C200] =	vst v63  }
0x4e: {  	_ =	swait.ge @!p0 [sflag:s5], $0x4000  }
0x4f: {  	[sflag:s5] =	ssyncset.done @!p0 $0x0  }
0x50: {  	[sflag:s5] =	ssyncadd.s32 @!p0 $0xFFFFC000  }
0x51: {  	[spmem:s23] =	stream.linear.scatter @!p0 [tilespmem:s10], [sflag:$0x5], $0x4000, $0x38;
	[tilespmem:$0x1C200] =	vst v63  }
0x52: {  	_ =	swait.ge @!p0 [sflag:s5], $0x4000  }
0x53: {  	[sflag:s5] =	ssyncset.done @!p0 $0x0  }
0x54: {  	s9 =	rddreg [dreg:$0x11];
	[sflag:s5] =	ssyncadd.s32 @!p0 $0xFFFFC000  }
0x55: {  	[tilespmem:s30], [sflag:$0x5] =	stream.linear.gather [hbm4b:s9+s3], $0x4000, $0x38;
	[tilespmem:$0x1C200] =	vst v63  }
0x56: {  	_ =	swait.ge [sflag:s31], $0x4000  }
0x57: {  	[sflag:s31] =	ssyncset.done $0x0  }
0x58: {  	[sflag:s31] =	ssyncadd.s32 $0xFFFFC000  }
0x59: {  	[spmem:s25] =	stream.linear.scatter [tilespmem:s30], [sflag:$0x5], $0x4000, $0x38;
	[tilespmem:$0x1C200] =	vst v63  }
0x5a: {  	_ =	swait.ge [sflag:s31], $0x4000  }
0x5b: {  	[sflag:s31] =	ssyncset.done $0x0  }
0x5c: {  	[sflag:s31] =	ssyncadd.s32 $0xFFFFC000  }
0x5d: {  	s10 =	sadd.s32 $0x0, s19;
	[bflag:$0x0] =	sbarrier.arrive $0xFFFF  }
0x5e: {  	[tilespmem:s0], [sflag:$0x1] =	stream.linear.gather [hbm4b:s10+s3], $0x80, $0x38;
	[tilespmem:$0x1C200] =	vst v63  }
0x5f: {  	s14 =	sadd.s32 $0x0, s18  }
0x60: {  	[tilespmem:s2], [sflag:$0x2] =	stream.linear.gather [hbm4b:s14+s3], $0x80, $0x38;
	[tilespmem:$0x1C200] =	vst v63  }
0x61: {  	s17 =	sadd.s32 $0x0, s21  }
0x62: {  	[tilespmem:s6], [sflag:$0x3] =	stream.linear.gather [hbm4b:s17+s3], $0x80, $0x38;
	[tilespmem:$0x1C200] =	vst v63  }
0x63: {  	s24 =	sadd.s32 $0x0, s20  }
0x64: {  	[tilespmem:s7], [sflag:$0x4] =	stream.linear.gather [hbm4b:s24+s3], $0x80, $0x38;
	[tilespmem:$0x1C200] =	vst v63  }
0x65: {  	_ =	swait.ge [sflag:s11], $0x80  }
0x66: {  	[sflag:s11] =	ssyncset.done $0x0  }
0x67: {  	[sflag:s11] =	ssyncadd.s32 $0xFFFFFF80  }
0x68: {  	_ =	swait.ge [sflag:s8], $0x80  }
0x69: {  	[sflag:s8] =	ssyncset.done $0x0  }
0x6a: {  	[sflag:s8] =	ssyncadd.s32 $0xFFFFFF80  }
0x6b: {  	_ =	swait.ge [sflag:s13], $0x80  }
0x6c: {  	[sflag:s13] =	ssyncset.done $0x0  }
0x6d: {  	[sflag:s13] =	ssyncadd.s32 $0xFFFFFF80  }
0x6e: {  	_ =	swait.ge [sflag:s15], $0x80  }
0x6f: {  	[sflag:s15] =	ssyncset.done $0x0  }
0x70: {  	[sflag:s15] =	ssyncadd.s32 $0xFFFFFF80  }
0x71: {  	[tilespmem:s16], [sflag:$0x1] =	stream.indirect.gather [hbm4b:s4+s12], $0x80, s0, s12, $0xb8;
	[tilespmem:$0x1C200] =	vst v63  }
0x72: {  	_ = 	snop  }
0x73: {  	[tilespmem:s30], [sflag:$0x2] =	stream.indirect.gather [hbm4b:s4+s12], $0x80, s6, s12, $0xb8;
	[tilespmem:$0x1C200] =	vst v63  }
0x74: {  	_ =	swait.ge [sflag:s11], $0x4000  }
0x75: {  	[sflag:s11] =	ssyncset.done $0x0  }
0x76: {  	[sflag:s11] =	ssyncadd.s32 $0xFFFFC000  }
0x77: {  	[spmem:s1] =	stream.indirect.scatter.add.f32 [tilespmem:s16], [sflag:$0x3], $0x80, s2, s12, $0xb8;
	[tilespmem:$0x1C200] =	vst v63  }
0x78: {  	_ =	swait.ge [sflag:s8], $0x4000  }
0x79: {  	[sflag:s8] =	ssyncset.done $0x0  }
0x7a: {  	[sflag:s8] =	ssyncadd.s32 $0xFFFFC000  }
0x7b: {  	[spmem:s1] =	stream.indirect.scatter.add.f32 [tilespmem:s30], [sflag:$0x4], $0x80, s7, s12, $0xb8;
	[tilespmem:$0x1C200] =	vst v63  }
0x7c: {  	_ =	swait.ge [sflag:s13], $0x4000  }
0x7d: {  	[sflag:s13] =	ssyncset.done $0x0  }
0x7e: {  	[sflag:s13] =	ssyncadd.s32 $0xFFFFC000  }
0x7f: {  	_ =	swait.ge [sflag:s15], $0x4000  }
0x80: {  	s28 =	simm.s32 $0x20;
	s29 =	simm.s32 $0x40;
	[sflag:s15] =	ssyncset.done $0x0  }
.LBB2_2:
0x81: {  	s5 =	sadd.s32 s28, s19  }
0x82: {  	[sflag:s15] =	ssyncadd.s32 $0xFFFFC000;
	s10 =	smov.u32 s29;
	s24 =	sadd.s32 $0x20, s29  }
0x83: {  	[tilespmem:s0], [sflag:$0x1] =	stream.linear.gather [hbm4b:s5+s3], $0x80, $0x38;
	[tilespmem:$0x1C200] =	vst v63  }
0x84: {  	p1 =	sne.s32 s29, $0x4C0;
	s5 =	sadd.s32 s28, s18  }
0x85: {  	[tilespmem:s2], [sflag:$0x2] =	stream.linear.gather [hbm4b:s5+s3], $0x80, $0x38;
	[tilespmem:$0x1C200] =	vst v63  }
0x86: {  	s5 =	sadd.s32 s28, s21  }
0x87: {  	[tilespmem:s6], [sflag:$0x3] =	stream.linear.gather [hbm4b:s5+s3], $0x80, $0x38;
	[tilespmem:$0x1C200] =	vst v63  }
0x88: {  	s5 =	sadd.s32 s28, s20;
	s28 =	smov.u32 s10  }
0x89: {  	[tilespmem:s7], [sflag:$0x4] =	stream.linear.gather [hbm4b:s5+s3], $0x80, $0x38;
	[tilespmem:$0x1C200] =	vst v63  }
0x8a: {  	_ =	swait.ge [sflag:s11], $0x80  }
0x8b: {  	[sflag:s11] =	ssyncset.done $0x0  }
0x8c: {  	[sflag:s11] =	ssyncadd.s32 $0xFFFFFF80  }
0x8d: {  	_ =	swait.ge [sflag:s8], $0x80  }
0x8e: {  	[sflag:s8] =	ssyncset.done $0x0  }
0x8f: {  	[sflag:s8] =	ssyncadd.s32 $0xFFFFFF80  }
0x90: {  	_ =	swait.ge [sflag:s13], $0x80  }
0x91: {  	[sflag:s13] =	ssyncset.done $0x0  }
0x92: {  	[sflag:s13] =	ssyncadd.s32 $0xFFFFFF80  }
0x93: {  	_ =	swait.ge [sflag:s15], $0x80  }
0x94: {  	[sflag:s15] =	ssyncset.done $0x0  }
0x95: {  	[sflag:s15] =	ssyncadd.s32 $0xFFFFFF80  }
0x96: {  	[tilespmem:s16], [sflag:$0x1] =	stream.indirect.gather [hbm4b:s4+s12], $0x80, s0, s12, $0xb8;
	[tilespmem:$0x1C200] =	vst v63  }
0x97: {  	_ = 	snop  }
0x98: {  	[tilespmem:s30], [sflag:$0x2] =	stream.indirect.gather [hbm4b:s4+s12], $0x80, s6, s12, $0xb8;
	[tilespmem:$0x1C200] =	vst v63  }
0x99: {  	_ =	swait.ge [sflag:s11], $0x4000  }
0x9a: {  	[sflag:s11] =	ssyncset.done $0x0  }
0x9b: {  	[sflag:s11] =	ssyncadd.s32 $0xFFFFC000  }
0x9c: {  	[spmem:s1] =	stream.indirect.scatter.add.f32 [tilespmem:s16], [sflag:$0x3], $0x80, s2, s12, $0xb8;
	[tilespmem:$0x1C200] =	vst v63  }
0x9d: {  	_ =	swait.ge [sflag:s8], $0x4000  }
0x9e: {  	[sflag:s8] =	ssyncset.done $0x0  }
0x9f: {  	[sflag:s8] =	ssyncadd.s32 $0xFFFFC000  }
0xa0: {  	[spmem:s1] =	stream.indirect.scatter.add.f32 [tilespmem:s30], [sflag:$0x4], $0x80, s7, s12, $0xb8;
	[tilespmem:$0x1C200] =	vst v63  }
.Ltmp0:
0xa1: {  	_ =	swait.ge [sflag:s13], $0x4000;
	(pc) =	sbr.rel @p1 .LBB2_2-.Ltmp0, $4  }
0xa2: {  	[sflag:s13] =	ssyncset.done $0x0  }
0xa3: {  	[sflag:s13] =	ssyncadd.s32 $0xFFFFC000  }
0xa4: {  	_ =	swait.ge [sflag:s15], $0x4000  }
0xa5: {  	s29 =	smov.u32 s24;
	[sflag:s15] =	ssyncset.done $0x0  }
0xa6: {  	s5 =	sadd.s32 s28, s19;
	[sflag:s15] =	ssyncadd.s32 $0xFFFFC000  }
0xa7: {  	[tilespmem:s0], [sflag:$0x1] =	stream.linear.gather [hbm4b:s5+s3], $0x80, $0x38;
	[tilespmem:$0x1C200] =	vst v63  }
0xa8: {  	s9 =	sadd.s32 s28, s18  }
0xa9: {  	[tilespmem:s2], [sflag:$0x2] =	stream.linear.gather [hbm4b:s9+s3], $0x80, $0x38;
	[tilespmem:$0x1C200] =	vst v63  }
0xaa: {  	s10 =	sadd.s32 s28, s21  }
0xab: {  	[tilespmem:s6], [sflag:$0x3] =	stream.linear.gather [hbm4b:s10+s3], $0x80, $0x38;
	[tilespmem:$0x1C200] =	vst v63  }
0xac: {  	s14 =	sadd.s32 s28, s20  }
0xad: {  	[tilespmem:s7], [sflag:$0x4] =	stream.linear.gather [hbm4b:s14+s3], $0x80, $0x38;
	[tilespmem:$0x1C200] =	vst v63  }
0xae: {  	_ =	swait.ge [sflag:s11], $0x80  }
0xaf: {  	[sflag:s11] =	ssyncset.done $0x0  }
0xb0: {  	[sflag:s11] =	ssyncadd.s32 $0xFFFFFF80  }
0xb1: {  	_ =	swait.ge [sflag:s8], $0x80  }
0xb2: {  	[sflag:s8] =	ssyncset.done $0x0  }
0xb3: {  	[sflag:s8] =	ssyncadd.s32 $0xFFFFFF80  }
0xb4: {  	_ =	swait.ge [sflag:s13], $0x80  }
0xb5: {  	[sflag:s13] =	ssyncset.done $0x0  }
0xb6: {  	[sflag:s13] =	ssyncadd.s32 $0xFFFFFF80  }
0xb7: {  	_ =	swait.ge [sflag:s15], $0x80  }
0xb8: {  	[sflag:s15] =	ssyncset.done $0x0  }
0xb9: {  	[sflag:s15] =	ssyncadd.s32 $0xFFFFFF80  }
0xba: {  	[tilespmem:s16], [sflag:$0x1] =	stream.indirect.gather [hbm4b:s4+s12], $0x80, s0, s12, $0xb8;
	[tilespmem:$0x1C200] =	vst v63  }
0xbb: {  	_ = 	snop  }
0xbc: {  	[tilespmem:s30], [sflag:$0x2] =	stream.indirect.gather [hbm4b:s4+s12], $0x80, s6, s12, $0xb8;
	[tilespmem:$0x1C200] =	vst v63  }
0xbd: {  	_ =	swait.ge [sflag:s11], $0x4000  }
0xbe: {  	[sflag:s11] =	ssyncset.done $0x0  }
0xbf: {  	[sflag:s11] =	ssyncadd.s32 $0xFFFFC000  }
0xc0: {  	[spmem:s1] =	stream.indirect.scatter.add.f32 [tilespmem:s16], [sflag:$0x3], $0x80, s2, s12, $0xb8;
	[tilespmem:$0x1C200] =	vst v63  }
0xc1: {  	_ =	swait.ge [sflag:s8], $0x4000  }
0xc2: {  	[sflag:s8] =	ssyncset.done $0x0  }
0xc3: {  	[sflag:s8] =	ssyncadd.s32 $0xFFFFC000  }
0xc4: {  	[spmem:s1] =	stream.indirect.scatter.add.f32 [tilespmem:s30], [sflag:$0x4], $0x80, s7, s12, $0xb8;
	[tilespmem:$0x1C200] =	vst v63  }
0xc5: {  	_ =	swait.ge [sflag:s13], $0x4000  }
0xc6: {  	[sflag:s13] =	ssyncset.done $0x0  }
0xc7: {  	[sflag:s13] =	ssyncadd.s32 $0xFFFFC000  }
0xc8: {  	_ =	swait.ge [sflag:s15], $0x4000  }
0xc9: {  	[sflag:s15] =	ssyncset.done $0x0  }
0xca: {  	s17 =	rddreg [dreg:$0x5];
	[sflag:s15] =	ssyncadd.s32 $0xFFFFC000  }
0xcb: {  	[tilespmem:s0], [sflag:$0x5] =	stream.linear.gather [hbm4b:s17+s3], $0x80, $0x38;
	[tilespmem:$0x1C200] =	vst v63  }
0xcc: {  	_ =	swait.ge [sflag:s31], $0x80  }
0xcd: {  	[sflag:s31] =	ssyncset.done $0x0  }
0xce: {  	s24 =	rddreg [dreg:$0x6];
	[sflag:s31] =	ssyncadd.s32 $0xFFFFFF80  }
0xcf: {  	[tilespmem:s2], [sflag:$0x5] =	stream.linear.gather [hbm4b:s24+s3], $0x80, $0x38;
	[tilespmem:$0x1C200] =	vst v63  }
0xd0: {  	_ =	swait.ge [sflag:s31], $0x80  }
0xd1: {  	[sflag:s31] =	ssyncset.done $0x0  }
0xd2: {  	[sflag:s31] =	ssyncadd.s32 $0xFFFFFF80  }
0xd3: {  	[tilespmem:s16], [sflag:$0x1] =	stream.indirect.gather [hbm4b:s4+s12], $0x80, s0, s12, $0xb8;
	[tilespmem:$0x1C200] =	vst v63  }
0xd4: {  	_ =	swait.ge [sflag:s11], $0x4000  }
0xd5: {  	[sflag:s11] =	ssyncset.done $0x0  }
0xd6: {  	[sflag:s11] =	ssyncadd.s32 $0xFFFFC000  }
0xd7: {  	[spmem:s1] =	stream.indirect.scatter.add.f32 [tilespmem:s16], [sflag:$0x3], $0x80, s2, s12, $0xb8;
	[tilespmem:$0x1C200] =	vst v63  }
0xd8: {  	_ =	swait.ge [sflag:s13], $0x4000  }
0xd9: {  	[sflag:s13] =	ssyncset.done $0x0  }
0xda: {  	[sflag:s13] =	ssyncadd.s32 $0xFFFFC000  }
0xdb: {  	[bflag:$0x0] =	sbarrier.arrive $0xFFFF  }
0xdc: {  	s17 =	rddreg [dreg:$0xd]  }
0xdd: {  	[tilespmem:s30], [sflag:$0x5] =	stream.linear.gather [spmem:s17], $0x4000, $0x38;
	[tilespmem:$0x1C200] =	vst v63  }
0xde: {  	_ =	swait.ge [sflag:s31], $0x4000  }
0xdf: {  	s28 =	rddreg [dreg:$0x7]  }
0xe0: {  	[sflag:s31] =	ssyncset.done $0x0;
	s9 =	rddreg [dreg:$0x12]  }
0xe1: {  	[sflag:s31] =	ssyncadd.s32 $0xFFFFC000;
	s5 =	sadd.s32 s28, s9  }
0xe2: {  	[hbm4b:s5+s3] =	stream.linear.scatter [tilespmem:s30], [sflag:$0x5], $0x4000, $0x38;
	[tilespmem:$0x1C200] =	vst v63  }
0xe3: {  	_ =	swait.ge [sflag:s31], $0x4000  }
0xe4: {  	[sflag:s31] =	ssyncset.done $0x0  }
0xe5: {  	s14 =	rddreg [dreg:$0xe];
	[sflag:s31] =	ssyncadd.s32 $0xFFFFC000  }
0xe6: {  	[tilespmem:s30], [sflag:$0x5] =	stream.linear.gather [spmem:s14], $0x4000, $0x38;
	[tilespmem:$0x1C200] =	vst v63  }
0xe7: {  	_ =	swait.ge [sflag:s31], $0x4000  }
0xe8: {  	[sflag:s31] =	ssyncset.done $0x0;
	s29 =	rddreg [dreg:$0xa]  }
0xe9: {  	[sflag:s31] =	ssyncadd.s32 $0xFFFFC000;
	s5 =	sadd.s32 s29, s9  }
0xea: {  	[hbm4b:s5+s3] =	stream.linear.scatter [tilespmem:s30], [sflag:$0x5], $0x4000, $0x38;
	[tilespmem:$0x1C200] =	vst v63  }
0xeb: {  	_ =	swait.ge [sflag:s31], $0x4000  }
0xec: {  	[sflag:s31] =	ssyncset.done $0x0  }
0xed: {  	[sflag:s31] =	ssyncadd.s32 $0xFFFFC000  }
0xee: {  	[tilespmem:s30], [sflag:$0x5] =	stream.linear.gather [spmem:s26], $0x4000, $0x38;
	[tilespmem:$0x1C200] =	vst v63  }
0xef: {  	_ =	swait.ge [sflag:s31], $0x4000  }
0xf0: {  	[sflag:s31] =	ssyncset.done $0x0;
	s10 =	rddreg [dreg:$0xb]  }
0xf1: {  	[sflag:s31] =	ssyncadd.s32 $0xFFFFC000;
	s5 =	sadd.s32 s10, s9  }
0xf2: {  	[hbm4b:s5+s3] =	stream.linear.scatter [tilespmem:s30], [sflag:$0x5], $0x4000, $0x38;
	[tilespmem:$0x1C200] =	vst v63  }
0xf3: {  	_ =	swait.ge [sflag:s31], $0x4000  }
0xf4: {  	[sflag:s31] =	ssyncset.done $0x0  }
0xf5: {  	[sflag:s31] =	ssyncadd.s32 $0xFFFFC000  }
0xf6: {  	[tilespmem:s30], [sflag:$0x5] =	stream.linear.gather [spmem:s23], $0x4000, $0x38;
	[tilespmem:$0x1C200] =	vst v63  }
0xf7: {  	_ =	swait.ge [sflag:s31], $0x4000  }
0xf8: {  	[sflag:s31] =	ssyncset.done $0x0;
	s24 =	rddreg [dreg:$0xf]  }
0xf9: {  	[sflag:s31] =	ssyncadd.s32 $0xFFFFC000;
	s5 =	sadd.s32 s24, s9  }
0xfa: {  	[hbm4b:s5+s3] =	stream.linear.scatter [tilespmem:s30], [sflag:$0x5], $0x4000, $0x38;
	[tilespmem:$0x1C200] =	vst v63  }
0xfb: {  	_ =	swait.ge [sflag:s31], $0x4000  }
0xfc: {  	[sflag:s31] =	ssyncset.done $0x0  }
0xfd: {  	[sflag:s31] =	ssyncadd.s32 $0xFFFFC000  }
0xfe: {  	[tilespmem:s30], [sflag:$0x5] =	stream.linear.gather [spmem:s25], $0x4000, $0x38;
	[tilespmem:$0x1C200] =	vst v63  }
0xff: {  	_ =	swait.ge [sflag:s31], $0x4000  }
0x100: {  	[sflag:s31] =	ssyncset.done $0x0;
	s28 =	rddreg [dreg:$0x10]  }
0x101: {  	[sflag:s31] =	ssyncadd.s32 $0xFFFFC000;
	s5 =	sadd.s32 s28, s9  }
0x102: {  	[hbm4b:s5+s3] =	stream.linear.scatter [tilespmem:s30], [sflag:$0x5], $0x4000, $0x38;
	[tilespmem:$0x1C200] =	vst v63  }
0x103: {  	_ =	swait.ge [sflag:s31], $0x4000  }
0x104: {  	s22 =	sadd.s32 $0x1, s22;
	s29 =	rddreg [dreg:$0x8]  }
0x105: {  	p1 =	sne.s32 s22, s29  }
.Ltmp1:
0x106: {  	_ = 	snop;
	(pc) =	sbr.rel @p1 .LBB2_1-.Ltmp1, $3  }
0x107: {  	_ =	sdelay $0x1  }
0x108: {  	[sflag:s31] =	ssyncset.done $0x0  }
0x109: {  	[sflag:s31] =	ssyncadd.s32 $0xFFFFC000  }
0x10a: {  	_ =	sfence.sel $0x180000  }
0x10b: {  	[bflag:$0x0] =	sbarrier.arrive $0xFFFF  }
0x10c: {  	_ =	strace $0x9000004D  }
0x10d: {  	s0 =	stileid.u32;
	[bflag:$0x2] =	sbarrier.arrive $0xFFFF  }
0x10e: {  	p0 =	sne.s32 s0, $0x0;
	s0 =	rddreg [dreg:$0x3]  }
0x10f: {  	s0 =	sadd.s32 @!p0 $0x100000, s0  }
0x110: {  	[sflag:s0] =	ssyncadd.tile.s32 @!p0 $0x1;
	_ =	shalt  }
.Lfunc_end2:
_tile_overlayer_lowered:
.L_overlay_start_2:
0x111: {  	(tag) =	ssettag $0x2  }
0x112: {  	s0 =	rddreg [dreg:$0x0];
	s2 =	stileid.u32  }
0x113: {  	s1 =	rddreg [dreg:$0x1];
	p0 =	sne.s32 s2, $0x0  }
0x114: {  	s3 =	rddreg [dreg:$0x2];
	[bflag:$0x3] =	sbarrier.arrive $0xFFFF;
	s2 =	simm.s32 @!p0 $0x1C05  }
0x115: {  	[timem:s3], [sflag:s2] =	dma.local @!p0 [hbm:s0], s1  }
0x116: {  	s0 =	simm.s32 @!p0 $0x5  }
0x117: {  	_ =	swait.ge @!p0 [sflag:s0], s1  }
0x118: {  	s1 =	ssub.s32 @!p0 $0x0, s1;
	[sflag:s0] =	ssyncset.done @!p0 $0x0  }
0x119: {  	[sflag:s0] =	ssyncadd.s32 @!p0 s1  }
0x11a: {  	[bflag:$0x3] =	sbarrier.arrive $0xFFFF  }
0x11b: {  	_ =	shalt  }

// kernel: kernel.19.cloned.1.call-start
scs
__scs_entry_jumppad:
0x0: {  	(pc) =	sbr.rel $0x88, $3  }
0x1: {  	(tag) =	ssettag $0x0;
	lr =	simm.s32 $0x1  }
0x2: {  	[smem:$0x3F8B] =	sst lr;
	_ =	strace $0xD0000000  }
0x3: {  	_ = 	snop  }
0x4: {  	_ = 	snop  }
0x5: {  	_ = 	snop  }
0x6: {  	_ = 	snop  }
0x7: {  	_ = 	snop  }
__scs_overlays_trampoline_lowered:
0x8: {  	[smem:$0x3F9A] =	sst s0  }
0x9: {  	[smem:$0x3F9B] =	sst s1  }
0xa: {  	[smem:$0x3F9C] =	sst s2  }
0xb: {  	[smem:$0x3F9D] =	sst s3  }
0xc: {  	[smem:$0x3F9E] =	sst s4  }
0xd: {  	[smem:$0x3F9F] =	sst s5  }
0xe: {  	[smem:$0x3FA0] =	sst s6  }
0xf: {  	[smem:$0x3FA1] =	sst s7  }
0x10: {  	[smem:$0x3FA2] =	sst s8  }
0x11: {  	[smem:$0x3FA3] =	sst s9;
	s0 =	simm.s32 @!p0 $0x0  }
0x12: {  	s1 =	sld [smem:$0x3F89];
	s0 =	simm.s32 @p0 $0x1  }
0x13: {  	[smem:$0x3FA4] =	sst s0;
	s0 =	simm.s32 @!p1 $0x0  }
0x14: {  	s2 =	sld [smem:$0x3F88];
	s0 =	simm.s32 @p1 $0x1  }
0x15: {  	[smem:$0x3FA5] =	sst s0;
	s0 =	simm.s32 @!p2 $0x0  }
0x16: {  	s3 =	sld [smem:$0x3FDB];
	s0 =	simm.s32 @p2 $0x1  }
0x17: {  	s4 =	simm.s32 $0x1BF5;
	[smem:$0x3FA7] =	sst s0  }
0x18: {  	s0 =	sld [smem:$0x3F8A];
	_ =	swait.ge [sflag:s4], $0x0  }
0x19: {  	s7 =	sld [smem:$0x3F8B]  }
0x1a: {  	s8 =	sadd.s32 $0xFFFFE003, lr  }
0x1b: {  	s9 =	sadd.s32 $0xFFFFFEF7, lr;
	s5 =	simm.s32 $0xFFFFFFFF;
	p2 =	slt.u32 s8, $0xFFFFF086  }
0x1c: {  	p1 =	slt.u32 s9, $0xF7A;
	s5 =	simm.s32 @!p2 $0x0  }
0x1d: {  	s5 =	simm.s32 @p1 $0x1;
	p0 =	seq.s32 s7, s2  }
0x1e: {  	s7 =	smul.u32 @!p0 $0xF7A, s2;
	p2 =	seq.s32 @!p0 s5, $0x0  }
0x1f: {  	s9 =	smul.u32 $0xF7A, s1;
	s8 =	simm.s32 @!p0 $0x1BF5;
	p2 =	por !p2, p0  }
0x20: {  	[sflag:s8] =	ssyncset.s32 @!p0 $0xFFFFF086;
	s6 =	sadd.s32 @!p0 s3, s7;
	s7 =	simm.s32 @!p0 $0x108  }
0x21: {  	s3 =	sadd.s32 s3, s9;
	s6 =	sadd.s32 @!p0 $0x88, s6;
	s7 =	simm.s32 @p2 $0x1082  }
0x22: {  	[simem:s7], [sflag:s8] =	dma.local @!p0 [hbm:s6], $0xF7A  }
0x23: {  	s9 =	sor.u32 $0xD0000000, s2;
	s6 =	simm.s32 $0x108;
	_ =	swait.ge @!p0 [sflag:s8], $0x0  }
0x24: {  	s3 =	sadd.s32 $0x88, s3;
	s6 =	simm.s32 @!p1 $0x1082;
	[sflag:s4] =	ssyncset.s32 $0xFFFFF086  }
0x25: {  	[simem:s6], [sflag:s4] =	dma.local [hbm:s3], $0xF7A  }
0x26: {  	[smem:$0x3F8B] =	sst s1;
	(tag) =	ssettag s2;
	_ =	strace s9  }
0x27: {  	s1 =	sld [smem:$0x3F9B]  }
0x28: {  	s2 =	sld [smem:$0x3F9C]  }
0x29: {  	s4 =	sld [smem:$0x3F9E]  }
0x2a: {  	p0 =	seq.s32 s5, $0x0;
	s5 =	sld [smem:$0x3F9F]  }
0x2b: {  	s6 =	sld [smem:$0x3FA0]  }
0x2c: {  	s7 =	sld [smem:$0x3FA1]  }
0x2d: {  	s3 =	simm.s32 $0x108;
	s8 =	sld [smem:$0x3FA2]  }
0x2e: {  	s3 =	simm.s32 @!p0 $0x1082;
	s9 =	sld [smem:$0x3FA3]  }
0x2f: {  	lr =	sadd.s32 s0, s3;
	s0 =	sld [smem:$0x3F9A]  }
0x30: {  	s3 =	sld [smem:$0x3F9D]  }
0x31: {  	[smem:$0x3FA6] =	sst s10  }
0x32: {  	s10 =	sld [smem:$0x3FA4];
	_ =	sdelay $0x3  }
0x33: {  	p0 =	seq.s32 s10, $0x1;
	s10 =	sld [smem:$0x3FA6];
	_ =	sdelay $0x3  }
0x34: {  	[smem:$0x3FA6] =	sst s10  }
0x35: {  	s10 =	sld [smem:$0x3FA5];
	_ =	sdelay $0x3  }
0x36: {  	p1 =	seq.s32 s10, $0x1;
	s10 =	sld [smem:$0x3FA6];
	_ =	sdelay $0x3  }
0x37: {  	[smem:$0x3FA6] =	sst s10  }
0x38: {  	s10 =	sld [smem:$0x3FA7]  }
0x39: {  	_ = 	snop;
	(pc) =	sbr.ind lr, $3  }
0x3a: {  	_ = 	snop  }
0x3b: {  	_ = 	snop  }
0x3c: {  	p2 =	seq.s32 s10, $0x1;
	s10 =	sld [smem:$0x3FA6]  }
0x3d: {  	_ =	shalt  }
0x3e: {  	_ =	shalt  }
0x3f: {  	_ =	shalt  }
0x40: {  	_ =	shalt  }
0x41: {  	_ =	shalt  }
0x42: {  	_ =	shalt  }
0x43: {  	_ =	shalt  }
0x44: {  	_ =	shalt  }
0x45: {  	_ =	shalt  }
0x46: {  	_ =	shalt  }
0x47: {  	_ =	shalt  }
0x48: {  	_ =	shalt  }
0x49: {  	_ =	shalt  }
0x4a: {  	_ =	shalt  }
0x4b: {  	_ =	shalt  }
0x4c: {  	_ =	shalt  }
0x4d: {  	_ =	shalt  }
0x4e: {  	_ =	shalt  }
0x4f: {  	_ =	shalt  }
0x50: {  	_ =	shalt  }
0x51: {  	_ =	shalt  }
0x52: {  	_ =	shalt  }
0x53: {  	_ =	shalt  }
0x54: {  	_ =	shalt  }
0x55: {  	_ =	shalt  }
0x56: {  	_ =	shalt  }
0x57: {  	_ =	shalt  }
0x58: {  	_ =	shalt  }
0x59: {  	_ =	shalt  }
0x5a: {  	_ =	shalt  }
0x5b: {  	_ =	shalt  }
0x5c: {  	_ =	shalt  }
0x5d: {  	_ =	shalt  }
0x5e: {  	_ =	shalt  }
0x5f: {  	_ =	shalt  }
0x60: {  	_ =	shalt  }
0x61: {  	_ =	shalt  }
0x62: {  	_ =	shalt  }
0x63: {  	_ =	shalt  }
0x64: {  	_ =	shalt  }
0x65: {  	_ =	shalt  }
0x66: {  	_ =	shalt  }
0x67: {  	_ =	shalt  }
0x68: {  	_ =	shalt  }
0x69: {  	_ =	shalt  }
0x6a: {  	_ =	shalt  }
0x6b: {  	_ =	shalt  }
0x6c: {  	_ =	shalt  }
0x6d: {  	_ =	shalt  }
0x6e: {  	_ =	shalt  }
0x6f: {  	_ =	shalt  }
0x70: {  	_ =	shalt  }
0x71: {  	_ =	shalt  }
0x72: {  	_ =	shalt  }
0x73: {  	_ =	shalt  }
0x74: {  	_ =	shalt  }
0x75: {  	_ =	shalt  }
0x76: {  	_ =	shalt  }
0x77: {  	_ =	shalt  }
0x78: {  	_ =	shalt  }
0x79: {  	_ =	shalt  }
0x7a: {  	_ =	shalt  }
0x7b: {  	_ =	shalt  }
0x7c: {  	_ =	shalt  }
0x7d: {  	_ =	shalt  }
0x7e: {  	_ =	shalt  }
0x7f: {  	_ =	shalt  }
0x80: {  	_ =	shalt  }
0x81: {  	_ =	shalt  }
0x82: {  	_ =	shalt  }
0x83: {  	_ =	shalt  }
0x84: {  	_ =	shalt  }
0x85: {  	_ =	shalt  }
0x86: {  	_ =	shalt  }
0x87: {  	_ =	shalt  }
.Lfunc_end0:
.L_simem_size_0:
called_computation.3_lowered:
.L_overlay_start_0:
0x88: {  	s2 =	sld [smem:$0x3FD9]  }
0x89: {  	s3 =	sld [smem:$0x3FFE];
	_ =	sdelay $0x1  }
0x8a: {  	s1 =	srdreg.scid  }
0x8b: {  	s0 =	sand.u32 $0x1, s1  }
0x8c: {  	s17 =	sshll.u32 s0, $0xA;
	s2 =	sadd.s32 s3, s2  }
0x8d: {  	s2 =	sadd.s32 s2, s17  }
0x8e: {  	[smem:$0x3FB2] =	sst s2  }
0x8f: {  	_ = 	snop  }
0x90: {  	s2 =	sld [smem:$0x3FD0];
	(tm) =	ssettm $0x1  }
0x91: {  	s18 =	sld [smem:$0x3FFB];
	_ =	sdelay $0x3  }
0x92: {  	_ =	strace s18  }
0x93: {  	s3 =	sld [smem:$0x3FFC];
	_ =	sdelay $0x3  }
0x94: {  	_ =	strace s3  }
0x95: {  	s3 =	sld [smem:$0x3FFD];
	_ =	sdelay $0x3  }
0x96: {  	_ =	strace s3  }
0x97: {  	_ =	strace $0x8FFFFFFF  }
0x98: {  	s19 =	sld [smem:$0x3FDB];
	_ =	sdelay $0x1  }
0x99: {  	s4 =	simm.s32 $_scs_section_size  }
0x9a: {  	s5 =	simm.s32 $_size__tile_overlayer_lowered;
	s6 =	simm.s32 $_tile_overlayer_lowered  }
0x9b: {  	s22 =	simm.s32 $0x1BFF;
	s21 =	sshll.u32 s6, $0x1;
	s3 =	sadd.s32 s4, s19  }
0x9c: {  	s7 =	simm.s32 $0x0;
	s20 =	sshll.u32 s5, $0x1;
	s5 =	sadd.s32 s21, s3  }
0x9d: {  	[timem:s7], [sflag:s22] =	dma.local [hbm:s5], s20  }
0x9e: {  	_ =	swait.ge [sflag:s22], s20  }
0x9f: {  	s4 =	ssub.s32 $0x0, s20;
	[sflag:s22] =	ssyncset.done $0x0  }
0xa0: {  	[sflag:s22] =	ssyncadd.s32 s4;
	_ =	sdelay $0x1  }
0xa1: {  	s23 =	simm.s32 $0x1B8B  }
0xa2: {  	_ =	swait.ge [sflag:s23], $0x1  }
0xa3: {  	[sflag:s23] =	ssyncset.done $0x0  }
0xa4: {  	s25 =	simm.s32 $0x1B8E;
	s24 =	sld [smem:$0x3FFE];
	[sflag:s23] =	ssyncadd.s32 $0xFFFFFFFF  }
0xa5: {  	s26 =	simm.s32 $execute0_lowered;
	[smem:$0x3FD2] =	sst s25  }
0xa6: {  	s5 =	sshll.u32 s26, $0x1;
	_ =	strace $0x8000004F;
	[dreg:$0x1] =	wrdreg $0xFFFFFFFF  }
0xa7: {  	s28 =	simm.s32 $_size_execute0_lowered;
	s3 =	sadd.s32 s3, s5;
	[dreg:$0x0] =	wrdreg $0x0  }
0xa8: {  	s5 =	sshll.u32 s28, $0x1;
	[dreg:$0x2] =	wrdreg s3  }
0xa9: {  	[dreg:$0x3] =	wrdreg s5  }
0xaa: {  	[dreg:$0x4] =	wrdreg $0xC0  }
0xab: {  	_ =	task [dreg:s7], $0x5FFFF  }
0xac: {  	[dreg:$0x1] =	wrdreg $0xFFFFFFFF  }
0xad: {  	[dreg:$0x0] =	wrdreg $0x60  }
0xae: {  	[dreg:$0x2] =	wrdreg s24  }
0xaf: {  	[dreg:$0x3] =	wrdreg s2  }
0xb0: {  	[dreg:$0x4] =	wrdreg $0x0  }
0xb1: {  	[dreg:$0x5] =	wrdreg $0x9  }
0xb2: {  	_ =	task.clear_ibuf [dreg:s7], $0x6FFFF;
	_ =	strace $0x9000004F  }
0xb3: {  	s29 =	simm.s32 $0x9;
	_ =	strace $0x80000051  }
0xb4: {  	_ =	swait.ge [sflag:s29], $0x1  }
0xb5: {  	[sflag:s29] =	ssyncadd.s32 $0xFFFFFFFF  }
0xb6: {  	_ =	strace $0x90000051  }
0xb7: {  	_ =	sfence  }
0xb8: {  	s30 =	sld [smem:$0x0];
	_ =	sdelay $0x2  }
0xb9: {  	s31 =	sshll.u32 s1, $0xD;
	s1 =	sshrl.u32 s1, $0x2  }
0xba: {  	s3 =	sand.u32 $0x4000, s31;
	s1 =	sadd.s32 s1, s30  }
0xbb: {  	s0 =	sor.u32 s3, s0;
	s1 =	sshll.u32 s1, $0x11  }
0xbc: {  	s0 =	sor.u32 s1, s0  }
0xbd: {  	s0 =	sadd.s32 $0x8F2B, s0  }
0xbe: {  	[sflag:s0] =	ssyncadd.remote.s32 $0x1  }
0xbf: {  	_ =	sfence.sel $0xFFFF  }
0xc0: {  	[dreg:$0x0] =	wrdreg $0xFFFFFFFF;
	(pc) =	sbr.abs _section_cstart, $3  }
0xc1: {  	[dreg:$0x1] =	wrdreg $0xFFFFFFFF  }
0xc2: {  	_ =	task.clear_ibuf [dreg:s7], $0x2FFFF;
	_ =	strace $0x9FFFFFFF  }
0xc3: {  	(tm) =	ssettm $0x7FFFFFFF  }
tec
execute0_lowered:
.L_overlay_start_1:
0x0: {  	(tag) =	ssettag $0x1  }
0x1: {  	s0 =	rddreg [dreg:$0x0]  }
0x2: {  	s2 =	rddreg [dreg:$0x1]  }
0x3: {  	s1 =	rddreg [dreg:$0x2];
	s5 =	stileid.u32  }
0x4: {  	s3 =	srdreg.scid;
	s10 =	smul.u32 $0x50000, s5  }
0x5: {  	s30 =	simm.s32 $0x18200;
	s31 =	simm.s32 $0x5;
	s12 =	smul.u32 $0x280, s5  }
0x6: {  	s6 =	sand.u32 $0x1, s3;
	s3 =	simm.s32 $0x0;
	s22 =	smul.u32 $0x2800, s5  }
0x7: {  	s11 =	sadd.s32 $0x55400, s0;
	s16 =	sadd.s32 $0x4400, s0;
	s15 =	smul.u32 $0x2780, s5  }
0x8: {  	s4 =	sshll.u32 s6, $0x4;
	[smem:$0x7FF] =	sst s3;
	s7 =	smul.u32 $0x28000, s6  }
0x9: {  	s19 =	ssub.s32 $0x2, s6;
	s25 =	smul.u32 $0x27800, s6;
	p0 =	sne.s32 s6, $0x0  }
0xa: {  	s6 =	simm.s32 $0x18100;
	s4 =	sor.u32 s5, s4;
	_ =	strace $0x80000050  }
0xb: {  	s9 =	sshrl.u32 s19, $0x1;
	s21 =	sshrl.u32 s10, $0x2;
	[dreg:$0x7] =	wrdreg s22  }
0xc: {  	s24 =	sadd.s32 $0x80, s12;
	s13 =	sadd.s32 $0x100, s12;
	[dreg:$0x4] =	wrdreg s16  }
0xd: {  	s8 =	smul.u32 $0x2780, s4;
	s4 =	sadd.s32 $0x5F200, s0;
	s0 =	sadd.s32 s7, s0  }
0xe: {  	s7 =	ssub.s32 s19, s9;
	s17 =	sadd.s32 s21, s1;
	s26 =	sshll.u32 s24, $0x7  }
0xf: {  	s5 =	sshll.u32 s24, $0x4;
	s28 =	sshll.u32 s13, $0x4;
	s29 =	sshll.u32 s13, $0x7  }
0x10: {  	s9 =	sadd.s32 $0x180, s12;
	s0 =	sadd.s32 $0x87200, s0;
	s23 =	smax.u32 s7, $0x1  }
0x11: {  	s10 =	sadd.s32 s4, s22;
	s14 =	sadd.s32 s26, s1;
	[dreg:$0xb] =	wrdreg s28  }
0x12: {  	s22 =	sadd.s32 s4, s28;
	s7 =	sadd.s32 s15, s25;
	[dreg:$0xa] =	wrdreg s5  }
0x13: {  	s26 =	sadd.s32 s29, s1;
	s13 =	sshll.u32 s9, $0x7;
	[dreg:$0xd] =	wrdreg s17  }
0x14: {  	s15 =	sadd.s32 $0x200, s12;
	s28 =	sadd.s32 s4, s5;
	[dreg:$0x12] =	wrdreg s0  }
0x15: {  	s12 =	simm.s32 $0x80;
	s8 =	sshrl.u32 s8, $0x3;
	[dreg:$0x8] =	wrdreg s23  }
0x16: {  	s23 =	sadd.s32 s13, s1;
	s24 =	sshll.u32 s15, $0x4;
	[dreg:$0x13] =	wrdreg s28  }
0x17: {  	s25 =	sshll.u32 s15, $0x7;
	s10 =	smov.u32 @p0 s16;
	[dreg:$0xe] =	wrdreg s14  }
0x18: {  	s22 =	smov.u32 @p0 s16;
	s0 =	simm.s32 $0x14000;
	[dreg:$0x9] =	wrdreg s10  }
0x19: {  	s13 =	simm.s32 $0x3;
	s15 =	simm.s32 $0x4;
	[dreg:$0x10] =	wrdreg s24  }
0x1a: {  	s8 =	sadd.s32 $0x4E0, s8;
	s25 =	sadd.s32 s25, s1;
	[dreg:$0xc] =	wrdreg s22  }
0x1b: {  	s22 =	simm.s32 $0x0;
	s20 =	sadd.s32 s11, s8;
	s8 =	sadd.s32 s2, s8  }
0x1c: {  	[dreg:$0x6] =	wrdreg s8;
	s8 =	sshrl.u32 s7, $0x3;
	s7 =	sadd.s32 $0x80, s7  }
0x1d: {  	[dreg:$0x5] =	wrdreg s20;
	s18 =	sadd.s32 s8, s2;
	s7 =	sshrl.u32 s7, $0x3  }
0x1e: {  	s19 =	sadd.s32 s8, s11;
	s8 =	simm.s32 $0x2;
	s20 =	sadd.s32 s7, s2  }
0x1f: {  	s21 =	sadd.s32 s7, s11;
	s11 =	sshll.u32 s9, $0x4;
	s2 =	sadd.s32 s4, s24  }
0x20: {  	s7 =	simm.s32 $0x18180;
	s2 =	smov.u32 @p0 s16;
	[dreg:$0xf] =	wrdreg s11  }
0x21: {  	s29 =	sadd.s32 s4, s11;
	s11 =	simm.s32 $0x1;
	[dreg:$0x11] =	wrdreg s2  }
0x22: {  	s16 =	simm.s32 $0x14100;
	[dreg:$0x14] =	wrdreg s29;
	s2 =	simm.s32 $0x14080  }
.LBB2_1:
0x23: {  	s5 =	rddreg [dreg:$0x9]  }
0x24: {  	[tilespmem:s30], [sflag:$0x5] =	stream.linear.gather [hbm4b:s5+s3], $0x4000, $0x38;
	[tilespmem:$0x1C200] =	vst v63  }
0x25: {  	_ =	swait.ge [sflag:s31], $0x4000  }
0x26: {  	[sflag:s31] =	ssyncset.done $0x0  }
0x27: {  	[sflag:s31] =	ssyncadd.s32 $0xFFFFC000  }
0x28: {  	[spmem:s17] =	stream.linear.scatter [tilespmem:s30], [sflag:$0x5], $0x4000, $0x38;
	[tilespmem:$0x1C200] =	vst v63  }
0x29: {  	_ =	swait.ge [sflag:s31], $0x4000  }
0x2a: {  	s24 =	simm.s32 @p0 $0x0;
	s28 =	simm.s32 @p0 $0x18200;
	[sflag:s31] =	ssyncset.done $0x0  }
0x2b: {  	s29 =	simm.s32 @p0 $0x5;
	s17 =	rddreg [dreg:$0x4];
	[sflag:s31] =	ssyncadd.s32 $0xFFFFC000  }
0x2c: {  	[tilespmem:s28], [sflag:$0x5] =	stream.linear.gather @p0 [hbm4b:s17+s24], $0x4000, $0x38;
	[tilespmem:$0x1C200] =	vst v63  }
0x2d: {  	_ =	swait.ge @p0 [sflag:s29], $0x4000  }
0x2e: {  	[sflag:s29] =	ssyncset.done @p0 $0x0  }
0x2f: {  	[sflag:s29] =	ssyncadd.s32 @p0 $0xFFFFC000  }
0x30: {  	[spmem:s14] =	stream.linear.scatter @p0 [tilespmem:s28], [sflag:$0x5], $0x4000, $0x38;
	[tilespmem:$0x1C200] =	vst v63  }
0x31: {  	_ =	swait.ge @p0 [sflag:s29], $0x4000  }
0x32: {  	s9 =	simm.s32 @!p0 $0x0;
	[sflag:s29] =	ssyncset.done @p0 $0x0  }
0x33: {  	s10 =	simm.s32 @!p0 $0x18200;
	s5 =	rddreg [dreg:$0x13];
	[sflag:s29] =	ssyncadd.s32 @p0 $0xFFFFC000  }
0x34: {  	[tilespmem:s10], [sflag:$0x5] =	stream.linear.gather @!p0 [hbm4b:s5+s9], $0x4000, $0x38;
	[tilespmem:$0x1C200] =	vst v63  }
0x35: {  	s5 =	simm.s32 @!p0 $0x5  }
0x36: {  	_ =	swait.ge @!p0 [sflag:s5], $0x4000  }
0x37: {  	[sflag:s5] =	ssyncset.done @!p0 $0x0  }
0x38: {  	[sflag:s5] =	ssyncadd.s32 @!p0 $0xFFFFC000  }
0x39: {  	[spmem:s14] =	stream.linear.scatter @!p0 [tilespmem:s10], [sflag:$0x5], $0x4000, $0x38;
	[tilespmem:$0x1C200] =	vst v63  }
0x3a: {  	_ =	swait.ge @!p0 [sflag:s5], $0x4000  }
0x3b: {  	[sflag:s5] =	ssyncset.done @!p0 $0x0  }
0x3c: {  	s14 =	smov.u32 s26;
	s26 =	rddreg [dreg:$0xc];
	[sflag:s5] =	ssyncadd.s32 @!p0 $0xFFFFC000  }
0x3d: {  	[tilespmem:s30], [sflag:$0x5] =	stream.linear.gather [hbm4b:s26+s3], $0x4000, $0x38;
	[tilespmem:$0x1C200] =	vst v63  }
0x3e: {  	_ =	swait.ge [sflag:s31], $0x4000  }
0x3f: {  	[sflag:s31] =	ssyncset.done $0x0  }
0x40: {  	[sflag:s31] =	ssyncadd.s32 $0xFFFFC000  }
0x41: {  	[spmem:s14] =	stream.linear.scatter [tilespmem:s30], [sflag:$0x5], $0x4000, $0x38;
	[tilespmem:$0x1C200] =	vst v63  }
0x42: {  	_ =	swait.ge [sflag:s31], $0x4000  }
0x43: {  	[sflag:s31] =	ssyncset.done $0x0  }
0x44: {  	[sflag:s31] =	ssyncadd.s32 $0xFFFFC000  }
0x45: {  	[tilespmem:s28], [sflag:$0x5] =	stream.linear.gather @p0 [hbm4b:s17+s24], $0x4000, $0x38;
	[tilespmem:$0x1C200] =	vst v63  }
0x46: {  	_ =	swait.ge @p0 [sflag:s29], $0x4000  }
0x47: {  	[sflag:s29] =	ssyncset.done @p0 $0x0  }
0x48: {  	[sflag:s29] =	ssyncadd.s32 @p0 $0xFFFFC000  }
0x49: {  	[spmem:s23] =	stream.linear.scatter @p0 [tilespmem:s28], [sflag:$0x5], $0x4000, $0x38;
	[tilespmem:$0x1C200] =	vst v63  }
0x4a: {  	_ =	swait.ge @p0 [sflag:s29], $0x4000  }
0x4b: {  	[sflag:s29] =	ssyncset.done @p0 $0x0  }
0x4c: {  	s26 =	smov.u32 s14;
	s14 =	rddreg [dreg:$0x14];
	[sflag:s29] =	ssyncadd.s32 @p0 $0xFFFFC000  }
0x4d: {  	[tilespmem:s10], [sflag:$0x5] =	stream.linear.gather @!p0 [hbm4b:s14+s9], $0x4000, $0x38;
	[tilespmem:$0x1C200] =	vst v63  }
0x4e: {  	_ =	swait.ge @!p0 [sflag:s5], $0x4000  }
0x4f: {  	[sflag:s5] =	ssyncset.done @!p0 $0x0  }
0x50: {  	[sflag:s5] =	ssyncadd.s32 @!p0 $0xFFFFC000  }
0x51: {  	[spmem:s23] =	stream.linear.scatter @!p0 [tilespmem:s10], [sflag:$0x5], $0x4000, $0x38;
	[tilespmem:$0x1C200] =	vst v63  }
0x52: {  	_ =	swait.ge @!p0 [sflag:s5], $0x4000  }
0x53: {  	[sflag:s5] =	ssyncset.done @!p0 $0x0  }
0x54: {  	s9 =	rddreg [dreg:$0x11];
	[sflag:s5] =	ssyncadd.s32 @!p0 $0xFFFFC000  }
0x55: {  	[tilespmem:s30], [sflag:$0x5] =	stream.linear.gather [hbm4b:s9+s3], $0x4000, $0x38;
	[tilespmem:$0x1C200] =	vst v63  }
0x56: {  	_ =	swait.ge [sflag:s31], $0x4000  }
0x57: {  	[sflag:s31] =	ssyncset.done $0x0  }
0x58: {  	[sflag:s31] =	ssyncadd.s32 $0xFFFFC000  }
0x59: {  	[spmem:s25] =	stream.linear.scatter [tilespmem:s30], [sflag:$0x5], $0x4000, $0x38;
	[tilespmem:$0x1C200] =	vst v63  }
0x5a: {  	_ =	swait.ge [sflag:s31], $0x4000  }
0x5b: {  	[sflag:s31] =	ssyncset.done $0x0  }
0x5c: {  	[sflag:s31] =	ssyncadd.s32 $0xFFFFC000  }
0x5d: {  	s10 =	sadd.s32 $0x0, s19;
	[bflag:$0x0] =	sbarrier.arrive $0xFFFF  }
0x5e: {  	[tilespmem:s0], [sflag:$0x1] =	stream.linear.gather [hbm4b:s10+s3], $0x80, $0x38;
	[tilespmem:$0x1C200] =	vst v63  }
0x5f: {  	s14 =	sadd.s32 $0x0, s18  }
0x60: {  	[tilespmem:s2], [sflag:$0x2] =	stream.linear.gather [hbm4b:s14+s3], $0x80, $0x38;
	[tilespmem:$0x1C200] =	vst v63  }
0x61: {  	s17 =	sadd.s32 $0x0, s21  }
0x62: {  	[tilespmem:s6], [sflag:$0x3] =	stream.linear.gather [hbm4b:s17+s3], $0x80, $0x38;
	[tilespmem:$0x1C200] =	vst v63  }
0x63: {  	s24 =	sadd.s32 $0x0, s20  }
0x64: {  	[tilespmem:s7], [sflag:$0x4] =	stream.linear.gather [hbm4b:s24+s3], $0x80, $0x38;
	[tilespmem:$0x1C200] =	vst v63  }
0x65: {  	_ =	swait.ge [sflag:s11], $0x80  }
0x66: {  	[sflag:s11] =	ssyncset.done $0x0  }
0x67: {  	[sflag:s11] =	ssyncadd.s32 $0xFFFFFF80  }
0x68: {  	_ =	swait.ge [sflag:s8], $0x80  }
0x69: {  	[sflag:s8] =	ssyncset.done $0x0  }
0x6a: {  	[sflag:s8] =	ssyncadd.s32 $0xFFFFFF80  }
0x6b: {  	_ =	swait.ge [sflag:s13], $0x80  }
0x6c: {  	[sflag:s13] =	ssyncset.done $0x0  }
0x6d: {  	[sflag:s13] =	ssyncadd.s32 $0xFFFFFF80  }
0x6e: {  	_ =	swait.ge [sflag:s15], $0x80  }
0x6f: {  	[sflag:s15] =	ssyncset.done $0x0  }
0x70: {  	[sflag:s15] =	ssyncadd.s32 $0xFFFFFF80  }
0x71: {  	[tilespmem:s16], [sflag:$0x1] =	stream.indirect.gather [hbm4b:s4+s12], $0x80, s0, s12, $0xb8;
	[tilespmem:$0x1C200] =	vst v63  }
0x72: {  	_ = 	snop  }
0x73: {  	[tilespmem:s30], [sflag:$0x2] =	stream.indirect.gather [hbm4b:s4+s12], $0x80, s6, s12, $0xb8;
	[tilespmem:$0x1C200] =	vst v63  }
0x74: {  	_ =	swait.ge [sflag:s11], $0x4000  }
0x75: {  	[sflag:s11] =	ssyncset.done $0x0  }
0x76: {  	[sflag:s11] =	ssyncadd.s32 $0xFFFFC000  }
0x77: {  	[spmem:s1] =	stream.indirect.scatter.add.f32 [tilespmem:s16], [sflag:$0x3], $0x80, s2, s12, $0xb8;
	[tilespmem:$0x1C200] =	vst v63  }
0x78: {  	_ =	swait.ge [sflag:s8], $0x4000  }
0x79: {  	[sflag:s8] =	ssyncset.done $0x0  }
0x7a: {  	[sflag:s8] =	ssyncadd.s32 $0xFFFFC000  }
0x7b: {  	[spmem:s1] =	stream.indirect.scatter.add.f32 [tilespmem:s30], [sflag:$0x4], $0x80, s7, s12, $0xb8;
	[tilespmem:$0x1C200] =	vst v63  }
0x7c: {  	_ =	swait.ge [sflag:s13], $0x4000  }
0x7d: {  	[sflag:s13] =	ssyncset.done $0x0  }
0x7e: {  	[sflag:s13] =	ssyncadd.s32 $0xFFFFC000  }
0x7f: {  	_ =	swait.ge [sflag:s15], $0x4000  }
0x80: {  	s28 =	simm.s32 $0x20;
	s29 =	simm.s32 $0x40;
	[sflag:s15] =	ssyncset.done $0x0  }
.LBB2_2:
0x81: {  	s5 =	sadd.s32 s28, s19  }
0x82: {  	[sflag:s15] =	ssyncadd.s32 $0xFFFFC000;
	s10 =	smov.u32 s29;
	s24 =	sadd.s32 $0x20, s29  }
0x83: {  	[tilespmem:s0], [sflag:$0x1] =	stream.linear.gather [hbm4b:s5+s3], $0x80, $0x38;
	[tilespmem:$0x1C200] =	vst v63  }
0x84: {  	p1 =	sne.s32 s29, $0x4C0;
	s5 =	sadd.s32 s28, s18  }
0x85: {  	[tilespmem:s2], [sflag:$0x2] =	stream.linear.gather [hbm4b:s5+s3], $0x80, $0x38;
	[tilespmem:$0x1C200] =	vst v63  }
0x86: {  	s5 =	sadd.s32 s28, s21  }
0x87: {  	[tilespmem:s6], [sflag:$0x3] =	stream.linear.gather [hbm4b:s5+s3], $0x80, $0x38;
	[tilespmem:$0x1C200] =	vst v63  }
0x88: {  	s5 =	sadd.s32 s28, s20;
	s28 =	smov.u32 s10  }
0x89: {  	[tilespmem:s7], [sflag:$0x4] =	stream.linear.gather [hbm4b:s5+s3], $0x80, $0x38;
	[tilespmem:$0x1C200] =	vst v63  }
0x8a: {  	_ =	swait.ge [sflag:s11], $0x80  }
0x8b: {  	[sflag:s11] =	ssyncset.done $0x0  }
0x8c: {  	[sflag:s11] =	ssyncadd.s32 $0xFFFFFF80  }
0x8d: {  	_ =	swait.ge [sflag:s8], $0x80  }
0x8e: {  	[sflag:s8] =	ssyncset.done $0x0  }
0x8f: {  	[sflag:s8] =	ssyncadd.s32 $0xFFFFFF80  }
0x90: {  	_ =	swait.ge [sflag:s13], $0x80  }
0x91: {  	[sflag:s13] =	ssyncset.done $0x0  }
0x92: {  	[sflag:s13] =	ssyncadd.s32 $0xFFFFFF80  }
0x93: {  	_ =	swait.ge [sflag:s15], $0x80  }
0x94: {  	[sflag:s15] =	ssyncset.done $0x0  }
0x95: {  	[sflag:s15] =	ssyncadd.s32 $0xFFFFFF80  }
0x96: {  	[tilespmem:s16], [sflag:$0x1] =	stream.indirect.gather [hbm4b:s4+s12], $0x80, s0, s12, $0xb8;
	[tilespmem:$0x1C200] =	vst v63  }
0x97: {  	_ = 	snop  }
0x98: {  	[tilespmem:s30], [sflag:$0x2] =	stream.indirect.gather [hbm4b:s4+s12], $0x80, s6, s12, $0xb8;
	[tilespmem:$0x1C200] =	vst v63  }
0x99: {  	_ =	swait.ge [sflag:s11], $0x4000  }
0x9a: {  	[sflag:s11] =	ssyncset.done $0x0  }
0x9b: {  	[sflag:s11] =	ssyncadd.s32 $0xFFFFC000  }
0x9c: {  	[spmem:s1] =	stream.indirect.scatter.add.f32 [tilespmem:s16], [sflag:$0x3], $0x80, s2, s12, $0xb8;
	[tilespmem:$0x1C200] =	vst v63  }
0x9d: {  	_ =	swait.ge [sflag:s8], $0x4000  }
0x9e: {  	[sflag:s8] =	ssyncset.done $0x0  }
0x9f: {  	[sflag:s8] =	ssyncadd.s32 $0xFFFFC000  }
0xa0: {  	[spmem:s1] =	stream.indirect.scatter.add.f32 [tilespmem:s30], [sflag:$0x4], $0x80, s7, s12, $0xb8;
	[tilespmem:$0x1C200] =	vst v63  }
.Ltmp0:
0xa1: {  	_ =	swait.ge [sflag:s13], $0x4000;
	(pc) =	sbr.rel @p1 .LBB2_2-.Ltmp0, $4  }
0xa2: {  	[sflag:s13] =	ssyncset.done $0x0  }
0xa3: {  	[sflag:s13] =	ssyncadd.s32 $0xFFFFC000  }
0xa4: {  	_ =	swait.ge [sflag:s15], $0x4000  }
0xa5: {  	s29 =	smov.u32 s24;
	[sflag:s15] =	ssyncset.done $0x0  }
0xa6: {  	s5 =	sadd.s32 s28, s19;
	[sflag:s15] =	ssyncadd.s32 $0xFFFFC000  }
0xa7: {  	[tilespmem:s0], [sflag:$0x1] =	stream.linear.gather [hbm4b:s5+s3], $0x80, $0x38;
	[tilespmem:$0x1C200] =	vst v63  }
0xa8: {  	s9 =	sadd.s32 s28, s18  }
0xa9: {  	[tilespmem:s2], [sflag:$0x2] =	stream.linear.gather [hbm4b:s9+s3], $0x80, $0x38;
	[tilespmem:$0x1C200] =	vst v63  }
0xaa: {  	s10 =	sadd.s32 s28, s21  }
0xab: {  	[tilespmem:s6], [sflag:$0x3] =	stream.linear.gather [hbm4b:s10+s3], $0x80, $0x38;
	[tilespmem:$0x1C200] =	vst v63  }
0xac: {  	s14 =	sadd.s32 s28, s20  }
0xad: {  	[tilespmem:s7], [sflag:$0x4] =	stream.linear.gather [hbm4b:s14+s3], $0x80, $0x38;
	[tilespmem:$0x1C200] =	vst v63  }
0xae: {  	_ =	swait.ge [sflag:s11], $0x80  }
0xaf: {  	[sflag:s11] =	ssyncset.done $0x0  }
0xb0: {  	[sflag:s11] =	ssyncadd.s32 $0xFFFFFF80  }
0xb1: {  	_ =	swait.ge [sflag:s8], $0x80  }
0xb2: {  	[sflag:s8] =	ssyncset.done $0x0  }
0xb3: {  	[sflag:s8] =	ssyncadd.s32 $0xFFFFFF80  }
0xb4: {  	_ =	swait.ge [sflag:s13], $0x80  }
0xb5: {  	[sflag:s13] =	ssyncset.done $0x0  }
0xb6: {  	[sflag:s13] =	ssyncadd.s32 $0xFFFFFF80  }
0xb7: {  	_ =	swait.ge [sflag:s15], $0x80  }
0xb8: {  	[sflag:s15] =	ssyncset.done $0x0  }
0xb9: {  	[sflag:s15] =	ssyncadd.s32 $0xFFFFFF80  }
0xba: {  	[tilespmem:s16], [sflag:$0x1] =	stream.indirect.gather [hbm4b:s4+s12], $0x80, s0, s12, $0xb8;
	[tilespmem:$0x1C200] =	vst v63  }
0xbb: {  	_ = 	snop  }
0xbc: {  	[tilespmem:s30], [sflag:$0x2] =	stream.indirect.gather [hbm4b:s4+s12], $0x80, s6, s12, $0xb8;
	[tilespmem:$0x1C200] =	vst v63  }
0xbd: {  	_ =	swait.ge [sflag:s11], $0x4000  }
0xbe: {  	[sflag:s11] =	ssyncset.done $0x0  }
0xbf: {  	[sflag:s11] =	ssyncadd.s32 $0xFFFFC000  }
0xc0: {  	[spmem:s1] =	stream.indirect.scatter.add.f32 [tilespmem:s16], [sflag:$0x3], $0x80, s2, s12, $0xb8;
	[tilespmem:$0x1C200] =	vst v63  }
0xc1: {  	_ =	swait.ge [sflag:s8], $0x4000  }
0xc2: {  	[sflag:s8] =	ssyncset.done $0x0  }
0xc3: {  	[sflag:s8] =	ssyncadd.s32 $0xFFFFC000  }
0xc4: {  	[spmem:s1] =	stream.indirect.scatter.add.f32 [tilespmem:s30], [sflag:$0x4], $0x80, s7, s12, $0xb8;
	[tilespmem:$0x1C200] =	vst v63  }
0xc5: {  	_ =	swait.ge [sflag:s13], $0x4000  }
0xc6: {  	[sflag:s13] =	ssyncset.done $0x0  }
0xc7: {  	[sflag:s13] =	ssyncadd.s32 $0xFFFFC000  }
0xc8: {  	_ =	swait.ge [sflag:s15], $0x4000  }
0xc9: {  	[sflag:s15] =	ssyncset.done $0x0  }
0xca: {  	s17 =	rddreg [dreg:$0x5];
	[sflag:s15] =	ssyncadd.s32 $0xFFFFC000  }
0xcb: {  	[tilespmem:s0], [sflag:$0x5] =	stream.linear.gather [hbm4b:s17+s3], $0x80, $0x38;
	[tilespmem:$0x1C200] =	vst v63  }
0xcc: {  	_ =	swait.ge [sflag:s31], $0x80  }
0xcd: {  	[sflag:s31] =	ssyncset.done $0x0  }
0xce: {  	s24 =	rddreg [dreg:$0x6];
	[sflag:s31] =	ssyncadd.s32 $0xFFFFFF80  }
0xcf: {  	[tilespmem:s2], [sflag:$0x5] =	stream.linear.gather [hbm4b:s24+s3], $0x80, $0x38;
	[tilespmem:$0x1C200] =	vst v63  }
0xd0: {  	_ =	swait.ge [sflag:s31], $0x80  }
0xd1: {  	[sflag:s31] =	ssyncset.done $0x0  }
0xd2: {  	[sflag:s31] =	ssyncadd.s32 $0xFFFFFF80  }
0xd3: {  	[tilespmem:s16], [sflag:$0x1] =	stream.indirect.gather [hbm4b:s4+s12], $0x80, s0, s12, $0xb8;
	[tilespmem:$0x1C200] =	vst v63  }
0xd4: {  	_ =	swait.ge [sflag:s11], $0x4000  }
0xd5: {  	[sflag:s11] =	ssyncset.done $0x0  }
0xd6: {  	[sflag:s11] =	ssyncadd.s32 $0xFFFFC000  }
0xd7: {  	[spmem:s1] =	stream.indirect.scatter.add.f32 [tilespmem:s16], [sflag:$0x3], $0x80, s2, s12, $0xb8;
	[tilespmem:$0x1C200] =	vst v63  }
0xd8: {  	_ =	swait.ge [sflag:s13], $0x4000  }
0xd9: {  	[sflag:s13] =	ssyncset.done $0x0  }
0xda: {  	[sflag:s13] =	ssyncadd.s32 $0xFFFFC000  }
0xdb: {  	[bflag:$0x0] =	sbarrier.arrive $0xFFFF  }
0xdc: {  	s17 =	rddreg [dreg:$0xd]  }
0xdd: {  	[tilespmem:s30], [sflag:$0x5] =	stream.linear.gather [spmem:s17], $0x4000, $0x38;
	[tilespmem:$0x1C200] =	vst v63  }
0xde: {  	_ =	swait.ge [sflag:s31], $0x4000  }
0xdf: {  	s28 =	rddreg [dreg:$0x7]  }
0xe0: {  	[sflag:s31] =	ssyncset.done $0x0;
	s9 =	rddreg [dreg:$0x12]  }
0xe1: {  	[sflag:s31] =	ssyncadd.s32 $0xFFFFC000;
	s5 =	sadd.s32 s28, s9  }
0xe2: {  	[hbm4b:s5+s3] =	stream.linear.scatter [tilespmem:s30], [sflag:$0x5], $0x4000, $0x38;
	[tilespmem:$0x1C200] =	vst v63  }
0xe3: {  	_ =	swait.ge [sflag:s31], $0x4000  }
0xe4: {  	[sflag:s31] =	ssyncset.done $0x0  }
0xe5: {  	s14 =	rddreg [dreg:$0xe];
	[sflag:s31] =	ssyncadd.s32 $0xFFFFC000  }
0xe6: {  	[tilespmem:s30], [sflag:$0x5] =	stream.linear.gather [spmem:s14], $0x4000, $0x38;
	[tilespmem:$0x1C200] =	vst v63  }
0xe7: {  	_ =	swait.ge [sflag:s31], $0x4000  }
0xe8: {  	[sflag:s31] =	ssyncset.done $0x0;
	s29 =	rddreg [dreg:$0xa]  }
0xe9: {  	[sflag:s31] =	ssyncadd.s32 $0xFFFFC000;
	s5 =	sadd.s32 s29, s9  }
0xea: {  	[hbm4b:s5+s3] =	stream.linear.scatter [tilespmem:s30], [sflag:$0x5], $0x4000, $0x38;
	[tilespmem:$0x1C200] =	vst v63  }
0xeb: {  	_ =	swait.ge [sflag:s31], $0x4000  }
0xec: {  	[sflag:s31] =	ssyncset.done $0x0  }
0xed: {  	[sflag:s31] =	ssyncadd.s32 $0xFFFFC000  }
0xee: {  	[tilespmem:s30], [sflag:$0x5] =	stream.linear.gather [spmem:s26], $0x4000, $0x38;
	[tilespmem:$0x1C200] =	vst v63  }
0xef: {  	_ =	swait.ge [sflag:s31], $0x4000  }
0xf0: {  	[sflag:s31] =	ssyncset.done $0x0;
	s10 =	rddreg [dreg:$0xb]  }
0xf1: {  	[sflag:s31] =	ssyncadd.s32 $0xFFFFC000;
	s5 =	sadd.s32 s10, s9  }
0xf2: {  	[hbm4b:s5+s3] =	stream.linear.scatter [tilespmem:s30], [sflag:$0x5], $0x4000, $0x38;
	[tilespmem:$0x1C200] =	vst v63  }
0xf3: {  	_ =	swait.ge [sflag:s31], $0x4000  }
0xf4: {  	[sflag:s31] =	ssyncset.done $0x0  }
0xf5: {  	[sflag:s31] =	ssyncadd.s32 $0xFFFFC000  }
0xf6: {  	[tilespmem:s30], [sflag:$0x5] =	stream.linear.gather [spmem:s23], $0x4000, $0x38;
	[tilespmem:$0x1C200] =	vst v63  }
0xf7: {  	_ =	swait.ge [sflag:s31], $0x4000  }
0xf8: {  	[sflag:s31] =	ssyncset.done $0x0;
	s24 =	rddreg [dreg:$0xf]  }
0xf9: {  	[sflag:s31] =	ssyncadd.s32 $0xFFFFC000;
	s5 =	sadd.s32 s24, s9  }
0xfa: {  	[hbm4b:s5+s3] =	stream.linear.scatter [tilespmem:s30], [sflag:$0x5], $0x4000, $0x38;
	[tilespmem:$0x1C200] =	vst v63  }
0xfb: {  	_ =	swait.ge [sflag:s31], $0x4000  }
0xfc: {  	[sflag:s31] =	ssyncset.done $0x0  }
0xfd: {  	[sflag:s31] =	ssyncadd.s32 $0xFFFFC000  }
0xfe: {  	[tilespmem:s30], [sflag:$0x5] =	stream.linear.gather [spmem:s25], $0x4000, $0x38;
	[tilespmem:$0x1C200] =	vst v63  }
0xff: {  	_ =	swait.ge [sflag:s31], $0x4000  }
0x100: {  	[sflag:s31] =	ssyncset.done $0x0;
	s28 =	rddreg [dreg:$0x10]  }
0x101: {  	[sflag:s31] =	ssyncadd.s32 $0xFFFFC000;
	s5 =	sadd.s32 s28, s9  }
0x102: {  	[hbm4b:s5+s3] =	stream.linear.scatter [tilespmem:s30], [sflag:$0x5], $0x4000, $0x38;
	[tilespmem:$0x1C200] =	vst v63  }
0x103: {  	_ =	swait.ge [sflag:s31], $0x4000  }
0x104: {  	s22 =	sadd.s32 $0x1, s22;
	s29 =	rddreg [dreg:$0x8]  }
0x105: {  	p1 =	sne.s32 s22, s29  }
.Ltmp1:
0x106: {  	_ = 	snop;
	(pc) =	sbr.rel @p1 .LBB2_1-.Ltmp1, $3  }
0x107: {  	_ =	sdelay $0x1  }
0x108: {  	[sflag:s31] =	ssyncset.done $0x0  }
0x109: {  	[sflag:s31] =	ssyncadd.s32 $0xFFFFC000  }
0x10a: {  	_ =	sfence.sel $0x180000  }
0x10b: {  	[bflag:$0x0] =	sbarrier.arrive $0xFFFF  }
0x10c: {  	_ =	strace $0x90000050  }
0x10d: {  	s0 =	stileid.u32;
	[bflag:$0x2] =	sbarrier.arrive $0xFFFF  }
0x10e: {  	p0 =	sne.s32 s0, $0x0;
	s0 =	rddreg [dreg:$0x3]  }
0x10f: {  	s0 =	sadd.s32 @!p0 $0x100000, s0  }
0x110: {  	[sflag:s0] =	ssyncadd.tile.s32 @!p0 $0x1;
	_ =	shalt  }
.Lfunc_end2:
_tile_overlayer_lowered:
.L_overlay_start_2:
0x111: {  	(tag) =	ssettag $0x2  }
0x112: {  	s0 =	rddreg [dreg:$0x0];
	s2 =	stileid.u32  }
0x113: {  	s1 =	rddreg [dreg:$0x1];
	p0 =	sne.s32 s2, $0x0  }
0x114: {  	s3 =	rddreg [dreg:$0x2];
	[bflag:$0x3] =	sbarrier.arrive $0xFFFF;
	s2 =	simm.s32 @!p0 $0x1C05  }
0x115: {  	[timem:s3], [sflag:s2] =	dma.local @!p0 [hbm:s0], s1  }
0x116: {  	s0 =	simm.s32 @!p0 $0x5  }
0x117: {  	_ =	swait.ge @!p0 [sflag:s0], s1  }
0x118: {  	s1 =	ssub.s32 @!p0 $0x0, s1;
	[sflag:s0] =	ssyncset.done @!p0 $0x0  }
0x119: {  	[sflag:s0] =	ssyncadd.s32 @!p0 s1  }
0x11a: {  	[bflag:$0x3] =	sbarrier.arrive $0xFFFF  }
0x11b: {  	_ =	shalt  }

</sc_bundles>
